<compile_context>
chip_gen: v7x
topology: tpu7x:2x2x1
jax: 0.10.2.dev20260603
libtpu: 0.0.44.dev20260713+nightly
codegen_flags: <defaults>
</compile_context>

<pallas_src>
import jax
import jax.numpy as jnp
from jax import lax
from jax.experimental import pallas as pl
from jax.experimental.pallas import tpu as pltpu
from jax.experimental.pallas import tpu_sc as plsc

_NV = 1000001
_D = 64
_B = 16384
_NW = 32
_RW = _B // _NW
_CB = 32
_NCH = _RW // _CB
_NBUF = 2

_CN_STRIP = 96
_CTX_STRIP = 128
_CN_SPC = (_CB * 6) // _CN_STRIP
_CTX_SPC = (_CB * 20) // _CTX_STRIP


def _ctx_body(ctx_idx, context_hbm, out_hbm,
              idx_0, idx_1, ctx_buf, sum_buf, sems):
    wid = lax.axis_index("s") * 2 + lax.axis_index("c")
    row0 = wid * _RW
    idx0 = wid * (_RW * 20)
    idx_v = (idx_0, idx_1)

    def issue(g, b):
        pltpu.sync_copy(ctx_idx.at[pl.ds(idx0 + g * (20 * _CB), 20 * _CB)],
                        idx_v[b])
        for j in range(_CTX_SPC):
            pltpu.async_copy(
                context_hbm.at[idx_v[b].at[pl.ds(j * _CTX_STRIP, _CTX_STRIP)]],
                ctx_buf.at[b, pl.ds(j * _CTX_STRIP, _CTX_STRIP)],
                sems.at[b])

    def drain(b):
        pltpu.make_async_copy(context_hbm.at[pl.ds(0, 20 * _CB)],
                              ctx_buf.at[b], sems.at[b]).wait()

    def compute(g, b):
        def row_body(r, carry):
            cbase = r * 20
            acc = [ctx_buf[b, cbase, pl.ds(d * 16, 16)] for d in range(4)]
            for t in range(1, 20):
                for d in range(4):
                    acc[d] = acc[d] + ctx_buf[b, cbase + t, pl.ds(d * 16, 16)]
            for d in range(4):
                sum_buf[r, pl.ds(d * 16, 16)] = acc[d]
            return carry

        lax.fori_loop(0, _CB, row_body, 0)
        pltpu.sync_copy(sum_buf, out_hbm.at[pl.ds(row0 + g * _CB, _CB)])

    issue(0, 0)
    issue(1, 1)

    def pair_body(i, carry):
        for b in range(_NBUF):
            g = i * _NBUF + b
            drain(b)
            compute(g, b)

            @pl.when(g + _NBUF < _NCH)
            def _():
                issue(g + _NBUF, b)

        return carry

    lax.fori_loop(0, _NCH // _NBUF, pair_body, 0)


def _cn_body(cn_idx, center_hbm, ctxsum_hbm, out_hbm,
             idx_0, idx_1, cn_buf, cs_buf, score_buf, sems, csem):
    wid = lax.axis_index("s") * 2 + lax.axis_index("c")
    row0 = wid * _RW
    idx0 = wid * (_RW * 6)
    idx_v = (idx_0, idx_1)

    def issue(g, b):
        pltpu.sync_copy(cn_idx.at[pl.ds(idx0 + g * (6 * _CB), 6 * _CB)],
                        idx_v[b])
        for j in range(_CN_SPC):
            pltpu.async_copy(
                center_hbm.at[idx_v[b].at[pl.ds(j * _CN_STRIP, _CN_STRIP)]],
                cn_buf.at[b, pl.ds(j * _CN_STRIP, _CN_STRIP)],
                sems.at[b])
        pltpu.async_copy(ctxsum_hbm.at[pl.ds(row0 + g * _CB, _CB)],
                         cs_buf.at[b], csem.at[b])

    def drain(b):
        pltpu.make_async_copy(center_hbm.at[pl.ds(0, 6 * _CB)],
                              cn_buf.at[b], sems.at[b]).wait()
        pltpu.make_async_copy(ctxsum_hbm.at[pl.ds(0, _CB)],
                              cs_buf.at[b], csem.at[b]).wait()

    lane = lax.iota(jnp.int32, 16)
    lane15 = lane == 15

    def compute(g, b):
        def row_body(r, carry):
            acc = [cs_buf[b, r, pl.ds(d * 16, 16)] for d in range(4)]
            nbase = r * 6
            for k in range(6):
                v = cn_buf[b, nbase + k, pl.ds(0, 16)] * acc[0]
                for d in range(1, 4):
                    v = v + cn_buf[b, nbase + k, pl.ds(d * 16, 16)] * acc[d]
                iv = jnp.full((16,), r * 6 + k, jnp.int32)
                plsc.store_scatter(score_buf, [iv], plsc.cumsum(v),
                                   mask=lane15)
            return carry

        lax.fori_loop(0, _CB, row_body, 0)
        pltpu.sync_copy(score_buf,
                        out_hbm.at[pl.ds((row0 + g * _CB) * 6, _CB * 6)])

    issue(0, 0)
    issue(1, 1)

    def pair_body(i, carry):
        for b in range(_NBUF):
            g = i * _NBUF + b
            drain(b)
            compute(g, b)

            @pl.when(g + _NBUF < _NCH)
            def _():
                issue(g + _NBUF, b)

        return carry

    lax.fori_loop(0, _NCH // _NBUF, pair_body, 0)


def kernel(x, center_table, context_table):
    xm = (x + _NV) % _NV
    cn_idx = xm[:, :6].reshape(_B * 6)
    ctx_idx = xm[:, 6:].reshape(_B * 20)

    mesh = plsc.VectorSubcoreMesh(core_axis_name="c", subcore_axis_name="s")
    cparams = pltpu.CompilerParams(use_tc_tiling_on_sc=False,
                                   needs_layout_passes=False)

    ctx_k = pl.kernel(
        _ctx_body,
        out_type=jax.ShapeDtypeStruct((_B, _D), jnp.float32),
        mesh=mesh,
        compiler_params=cparams,
        scratch_types=[
            pltpu.VMEM((20 * _CB,), jnp.int32),
            pltpu.VMEM((20 * _CB,), jnp.int32),
            pltpu.VMEM((_NBUF, 20 * _CB, _D), jnp.float32),
            pltpu.VMEM((_CB, _D), jnp.float32),
            pltpu.SemaphoreType.DMA((_NBUF,)),
        ],
    )
    ctx_sum = ctx_k(ctx_idx, context_table)

    cn_k = pl.kernel(
        _cn_body,
        out_type=jax.ShapeDtypeStruct((_B * 6,), jnp.float32),
        mesh=mesh,
        compiler_params=cparams,
        scratch_types=[
            pltpu.VMEM((6 * _CB,), jnp.int32),
            pltpu.VMEM((6 * _CB,), jnp.int32),
            pltpu.VMEM((_NBUF, 6 * _CB, _D), jnp.float32),
            pltpu.VMEM((_NBUF, _CB, _D), jnp.float32),
            pltpu.VMEM((_CB * 6,), jnp.float32),
            pltpu.SemaphoreType.DMA((_NBUF,)),
            pltpu.SemaphoreType.DMA((_NBUF,)),
        ],
    )
    out = cn_k(cn_idx, center_table, ctx_sum).reshape(_B, 6)
    return (out[:, :1], out[:, 1:])

# --- scband reference (transcript-rebuilt; emitter-appended) ---
"""Pipeline reference for scband-word2-vec-cbow-80453327388836 (READ-ONLY COPY).

The authoritative reference and input builder live on the scoring server;
editing this copy changes nothing except your own understanding.
"""

import jax, jax.numpy as jnp
import numpy as np

VOCAB = 1000000
NUM_VECTORS = VOCAB + 1
D = 64
NNEG = 5
B = 16384
COLS = 26  # 1 center + NNEG negatives + 20 context


def setup_inputs(seed: int = 0) -> dict:
    key = jax.random.key(seed)
    k1, k2, k3 = jax.random.split(key, 3)
    x = jax.random.randint(k1, (B, COLS), 0, NUM_VECTORS, dtype=jnp.int32)
    center_table = jax.random.normal(k2, (NUM_VECTORS, D), dtype=jnp.float32)
    context_table = jax.random.normal(k3, (NUM_VECTORS, D), dtype=jnp.float32)
    # padding_idx row (last row) zeroed, matching the torch module
    center_table = center_table.at[NUM_VECTORS - 1].set(0.0)
    context_table = context_table.at[NUM_VECTORS - 1].set(0.0)
    return {"x": x, "center_table": center_table, "context_table": context_table}


def reference(x, center_table, context_table):
    xm = (x + NUM_VECTORS) % NUM_VECTORS
    center_embedding = jnp.take(center_table, xm[:, :1], axis=0)            # [B, 1, D]
    negative_embedding = jnp.take(center_table, xm[:, 1:1 + NNEG], axis=0)  # [B, NNEG, D]
    context_embedding = jnp.take(context_table, xm[:, 1 + NNEG:], axis=0)   # [B, 20, D]
    context_sum = context_embedding.sum(axis=1, keepdims=True)              # [B, 1, D]
    positive_score = (center_embedding * context_sum).sum(axis=-1)          # [B, 1]
    negative_score = (negative_embedding * context_sum).sum(axis=-1)        # [B, NNEG]
    return (positive_score, negative_score)

if __name__ == "__main__":
    import jax
    _d = setup_inputs()
    print(jax.jit(kernel)(*tuple(_d.values())))

</pallas_src>

<mosaic_0001>
#map = affine_map<(d0, d1) -> (0)>
#map1 = affine_map<(d0, d1) -> (0, 0)>
module attributes {stable_mosaic.version = 14 : i64} {
  func.func @_cn_body(%arg0: i32, %arg1: i32, %arg2: memref<98304xi32, #tpu.memory_space<hbm>>, %arg3: memref<1000001x64xf32, #tpu.memory_space<hbm>>, %arg4: memref<16384x64xf32, #tpu.memory_space<hbm>>, %arg5: memref<98304xf32, #tpu.memory_space<hbm>>, %arg6: memref<192xi32, #tpu.memory_space<vmem>>, %arg7: memref<192xi32, #tpu.memory_space<vmem>>, %arg8: memref<2x192x64xf32, #tpu.memory_space<vmem>>, %arg9: memref<2x32x64xf32, #tpu.memory_space<vmem>>, %arg10: memref<192xf32, #tpu.memory_space<vmem>>, %arg11: memref<2x!tpu.dma_semaphore, #tpu.memory_space<semaphore_mem>>, %arg12: memref<2x!tpu.dma_semaphore, #tpu.memory_space<semaphore_mem>>) attributes {dimension_semantics = [#tpu.dimension_semantics<core_parallel>, #tpu.dimension_semantics<subcore_parallel>], iteration_bounds = array<i64: 2, 16>, scalar_prefetch = 0 : i64, scratch_operands = 7 : i64, tpu.core_type = #tpu.core_type<sc_vector_subcore>, window_params = [{transform_indices = #map}, {transform_indices = #map1}, {transform_indices = #map1}, {transform_indices = #map}]} {
    %mul3A = arith.constant 2 : i32
    %mul3A_0 = arith.muli %arg1, %mul3A : i32
    %add3A = arith.addi %mul3A_0, %arg0 : i32
    %mul3A_1 = arith.constant 512 : i32
    %mul3A_2 = arith.muli %add3A, %mul3A_1 : i32
    %mul3A_3 = arith.constant 3072 : i32
    %mul3A_4 = arith.muli %add3A, %mul3A_3 : i32
    %iota3A = tpu.iota {dimensions = array<i32: 0>} : vector<16xi32>
    %eq3A = arith.constant 15 : i32
    %eq3A_5 = vector.broadcast %eq3A : i32 to vector<16xi32>
    %eq3A_6 = arith.cmpi eq, %iota3A, %eq3A_5 : vector<16xi32>
    %add3A_7 = arith.constant 0 : i32
    %add3A_8 = arith.addi %mul3A_4, %add3A_7 : i32
    "tpu.region"() ({
      %run_scoped3A = tpu.sem_alloc : memref<!tpu.dma_semaphore, #tpu.memory_space<semaphore_mem>>
      %dma_start3A_103 = tpu.memref_slice %arg2[%add3A_8] : memref<98304xi32, #tpu.memory_space<hbm>> -> memref<192xi32, #tpu.memory_space<hbm>>
      %dma_start3A_104 = tpu.memref_slice %arg2[%add3A_8] : memref<98304xi32, #tpu.memory_space<hbm>> -> memref<192xi32, #tpu.memory_space<hbm>>
      tpu.enqueue_dma source(%dma_start3A_104 : memref<192xi32, #tpu.memory_space<hbm>>) target(%arg6 : memref<192xi32, #tpu.memory_space<vmem>>) target_semaphore(%run_scoped3A : memref<!tpu.dma_semaphore, #tpu.memory_space<semaphore_mem>>)
      %dma_wait3A = tpu.memref_slice %arg2[%add3A_8] : memref<98304xi32, #tpu.memory_space<hbm>> -> memref<192xi32, #tpu.memory_space<hbm>>
      %dma_wait3A_105 = tpu.memref_slice %arg2[%add3A_8] : memref<98304xi32, #tpu.memory_space<hbm>> -> memref<192xi32, #tpu.memory_space<hbm>>
      tpu.wait_dma2 semaphore(%run_scoped3A : memref<!tpu.dma_semaphore, #tpu.memory_space<semaphore_mem>>) src(%dma_wait3A_105 : memref<192xi32, #tpu.memory_space<hbm>>) dst(%arg6 : memref<192xi32, #tpu.memory_space<vmem>>)
      tpu.yield
    }) : () -> ()
    %dma_start3A = arith.constant 0 : i32
    %dma_start3A_9 = arith.constant 0 : i32
    %dma_start3A_10 = arith.constant 0 : i32
    %dma_start3A_11 = arith.constant 0 : i32
    %dma_start3A_12 = tpu.memref_slice %arg8[%dma_start3A, %dma_start3A_10, %dma_start3A_11] : memref<2x192x64xf32, #tpu.memory_space<vmem>> -> memref<1x96x64xf32, #tpu.memory_space<vmem>>
    %dma_start3A_13 = tpu.memref_squeeze %dma_start3A_12 : memref<1x96x64xf32, #tpu.memory_space<vmem>> -> memref<96x64xf32, #tpu.memory_space<vmem>>
    %dma_start3A_14 = arith.constant 0 : i32
    %dma_start3A_15 = tpu.memref_slice %arg6[%dma_start3A_14] : memref<192xi32, #tpu.memory_space<vmem>> -> memref<96xi32, #tpu.memory_space<vmem>>
    %dma_start3A_16 = arith.constant 0 : i32
    %dma_start3A_17 = arith.constant 0 : i32
    %dma_start3A_18 = tpu.memref_slice %arg3[%dma_start3A_16, %dma_start3A_17] : memref<1000001x64xf32, #tpu.memory_space<hbm>> -> memref<1000001x64xf32, #tpu.memory_space<hbm>>
    %dma_start3A_19 = tpu.memref_slice %arg11[%dma_start3A_9] : memref<2x!tpu.dma_semaphore, #tpu.memory_space<semaphore_mem>> -> memref<1x!tpu.dma_semaphore, #tpu.memory_space<semaphore_mem>>
    %dma_start3A_20 = tpu.memref_squeeze %dma_start3A_19 : memref<1x!tpu.dma_semaphore, #tpu.memory_space<semaphore_mem>> -> memref<!tpu.dma_semaphore, #tpu.memory_space<semaphore_mem>>
    tpu.enqueue_indirect_dma source(%dma_start3A_18 : memref<1000001x64xf32, #tpu.memory_space<hbm>>) target(%dma_start3A_13 : memref<96x64xf32, #tpu.memory_space<vmem>>) offsets(%dma_start3A_15 : memref<96xi32, #tpu.memory_space<vmem>>) semaphore(%dma_start3A_20 : memref<!tpu.dma_semaphore, #tpu.memory_space<semaphore_mem>>)
    %dma_start3A_21 = arith.constant 0 : i32
    %dma_start3A_22 = arith.constant 0 : i32
    %dma_start3A_23 = arith.constant 96 : i32
    %dma_start3A_24 = arith.constant 0 : i32
    %dma_start3A_25 = tpu.memref_slice %arg8[%dma_start3A_21, %dma_start3A_23, %dma_start3A_24] : memref<2x192x64xf32, #tpu.memory_space<vmem>> -> memref<1x96x64xf32, #tpu.memory_space<vmem>>
    %dma_start3A_26 = tpu.memref_squeeze %dma_start3A_25 : memref<1x96x64xf32, #tpu.memory_space<vmem>> -> memref<96x64xf32, #tpu.memory_space<vmem>>
    %dma_start3A_27 = arith.constant 96 : i32
    %dma_start3A_28 = tpu.memref_slice %arg6[%dma_start3A_27] : memref<192xi32, #tpu.memory_space<vmem>> -> memref<96xi32, #tpu.memory_space<vmem>>
    %dma_start3A_29 = arith.constant 0 : i32
    %dma_start3A_30 = arith.constant 0 : i32
    %dma_start3A_31 = tpu.memref_slice %arg3[%dma_start3A_29, %dma_start3A_30] : memref<1000001x64xf32, #tpu.memory_space<hbm>> -> memref<1000001x64xf32, #tpu.memory_space<hbm>>
    %dma_start3A_32 = tpu.memref_slice %arg11[%dma_start3A_22] : memref<2x!tpu.dma_semaphore, #tpu.memory_space<semaphore_mem>> -> memref<1x!tpu.dma_semaphore, #tpu.memory_space<semaphore_mem>>
    %dma_start3A_33 = tpu.memref_squeeze %dma_start3A_32 : memref<1x!tpu.dma_semaphore, #tpu.memory_space<semaphore_mem>> -> memref<!tpu.dma_semaphore, #tpu.memory_space<semaphore_mem>>
    tpu.enqueue_indirect_dma source(%dma_start3A_31 : memref<1000001x64xf32, #tpu.memory_space<hbm>>) target(%dma_start3A_26 : memref<96x64xf32, #tpu.memory_space<vmem>>) offsets(%dma_start3A_28 : memref<96xi32, #tpu.memory_space<vmem>>) semaphore(%dma_start3A_33 : memref<!tpu.dma_semaphore, #tpu.memory_space<semaphore_mem>>)
    %add3A_34 = arith.constant 0 : i32
    %add3A_35 = arith.addi %mul3A_2, %add3A_34 : i32
    %dma_start3A_36 = arith.constant 0 : i32
    %dma_start3A_37 = arith.constant 0 : i32
    %dma_start3A_38 = arith.constant 0 : i32
    %dma_start3A_39 = arith.constant 0 : i32
    %dma_start3A_40 = tpu.memref_slice %arg9[%dma_start3A_36, %dma_start3A_38, %dma_start3A_39] : memref<2x32x64xf32, #tpu.memory_space<vmem>> -> memref<1x32x64xf32, #tpu.memory_space<vmem>>
    %dma_start3A_41 = tpu.memref_squeeze %dma_start3A_40 : memref<1x32x64xf32, #tpu.memory_space<vmem>> -> memref<32x64xf32, #tpu.memory_space<vmem>>
    %dma_start3A_42 = arith.constant 0 : i32
    %dma_start3A_43 = tpu.memref_slice %arg4[%add3A_35, %dma_start3A_42] : memref<16384x64xf32, #tpu.memory_space<hbm>> -> memref<32x64xf32, #tpu.memory_space<hbm>>
    %dma_start3A_44 = tpu.memref_slice %arg12[%dma_start3A_37] : memref<2x!tpu.dma_semaphore, #tpu.memory_space<semaphore_mem>> -> memref<1x!tpu.dma_semaphore, #tpu.memory_space<semaphore_mem>>
    %dma_start3A_45 = tpu.memref_squeeze %dma_start3A_44 : memref<1x!tpu.dma_semaphore, #tpu.memory_space<semaphore_mem>> -> memref<!tpu.dma_semaphore, #tpu.memory_space<semaphore_mem>>
    %dma_start3A_46 = arith.constant 0 : i32
    %dma_start3A_47 = arith.constant 0 : i32
    %dma_start3A_48 = tpu.memref_slice %arg9[%dma_start3A_36, %dma_start3A_46, %dma_start3A_47] : memref<2x32x64xf32, #tpu.memory_space<vmem>> -> memref<1x32x64xf32, #tpu.memory_space<vmem>>
    %dma_start3A_49 = tpu.memref_squeeze %dma_start3A_48 : memref<1x32x64xf32, #tpu.memory_space<vmem>> -> memref<32x64xf32, #tpu.memory_space<vmem>>
    %dma_start3A_50 = arith.constant 0 : i32
    %dma_start3A_51 = tpu.memref_slice %arg4[%add3A_35, %dma_start3A_50] : memref<16384x64xf32, #tpu.memory_space<hbm>> -> memref<32x64xf32, #tpu.memory_space<hbm>>
    tpu.enqueue_dma source(%dma_start3A_51 : memref<32x64xf32, #tpu.memory_space<hbm>>) target(%dma_start3A_49 : memref<32x64xf32, #tpu.memory_space<vmem>>) target_semaphore(%dma_start3A_45 : memref<!tpu.dma_semaphore, #tpu.memory_space<semaphore_mem>>)
    %add3A_52 = arith.constant 192 : i32
    %add3A_53 = arith.addi %mul3A_4, %add3A_52 : i32
    "tpu.region"() ({
      %run_scoped3A = tpu.sem_alloc : memref<!tpu.dma_semaphore, #tpu.memory_space<semaphore_mem>>
      %dma_start3A_103 = tpu.memref_slice %arg2[%add3A_53] : memref<98304xi32, #tpu.memory_space<hbm>> -> memref<192xi32, #tpu.memory_space<hbm>>
      %dma_start3A_104 = tpu.memref_slice %arg2[%add3A_53] : memref<98304xi32, #tpu.memory_space<hbm>> -> memref<192xi32, #tpu.memory_space<hbm>>
      tpu.enqueue_dma source(%dma_start3A_104 : memref<192xi32, #tpu.memory_space<hbm>>) target(%arg7 : memref<192xi32, #tpu.memory_space<vmem>>) target_semaphore(%run_scoped3A : memref<!tpu.dma_semaphore, #tpu.memory_space<semaphore_mem>>)
      %dma_wait3A = tpu.memref_slice %arg2[%add3A_53] : memref<98304xi32, #tpu.memory_space<hbm>> -> memref<192xi32, #tpu.memory_space<hbm>>
      %dma_wait3A_105 = tpu.memref_slice %arg2[%add3A_53] : memref<98304xi32, #tpu.memory_space<hbm>> -> memref<192xi32, #tpu.memory_space<hbm>>
      tpu.wait_dma2 semaphore(%run_scoped3A : memref<!tpu.dma_semaphore, #tpu.memory_space<semaphore_mem>>) src(%dma_wait3A_105 : memref<192xi32, #tpu.memory_space<hbm>>) dst(%arg7 : memref<192xi32, #tpu.memory_space<vmem>>)
      tpu.yield
    }) : () -> ()
    %dma_start3A_54 = arith.constant 1 : i32
    %dma_start3A_55 = arith.constant 1 : i32
    %dma_start3A_56 = arith.constant 0 : i32
    %dma_start3A_57 = arith.constant 0 : i32
    %dma_start3A_58 = tpu.memref_slice %arg8[%dma_start3A_54, %dma_start3A_56, %dma_start3A_57] : memref<2x192x64xf32, #tpu.memory_space<vmem>> -> memref<1x96x64xf32, #tpu.memory_space<vmem>>
    %dma_start3A_59 = tpu.memref_squeeze %dma_start3A_58 : memref<1x96x64xf32, #tpu.memory_space<vmem>> -> memref<96x64xf32, #tpu.memory_space<vmem>>
    %dma_start3A_60 = arith.constant 0 : i32
    %dma_start3A_61 = tpu.memref_slice %arg7[%dma_start3A_60] : memref<192xi32, #tpu.memory_space<vmem>> -> memref<96xi32, #tpu.memory_space<vmem>>
    %dma_start3A_62 = arith.constant 0 : i32
    %dma_start3A_63 = arith.constant 0 : i32
    %dma_start3A_64 = tpu.memref_slice %arg3[%dma_start3A_62, %dma_start3A_63] : memref<1000001x64xf32, #tpu.memory_space<hbm>> -> memref<1000001x64xf32, #tpu.memory_space<hbm>>
    %dma_start3A_65 = tpu.memref_slice %arg11[%dma_start3A_55] : memref<2x!tpu.dma_semaphore, #tpu.memory_space<semaphore_mem>> -> memref<1x!tpu.dma_semaphore, #tpu.memory_space<semaphore_mem>>
    %dma_start3A_66 = tpu.memref_squeeze %dma_start3A_65 : memref<1x!tpu.dma_semaphore, #tpu.memory_space<semaphore_mem>> -> memref<!tpu.dma_semaphore, #tpu.memory_space<semaphore_mem>>
    tpu.enqueue_indirect_dma source(%dma_start3A_64 : memref<1000001x64xf32, #tpu.memory_space<hbm>>) target(%dma_start3A_59 : memref<96x64xf32, #tpu.memory_space<vmem>>) offsets(%dma_start3A_61 : memref<96xi32, #tpu.memory_space<vmem>>) semaphore(%dma_start3A_66 : memref<!tpu.dma_semaphore, #tpu.memory_space<semaphore_mem>>)
    %dma_start3A_67 = arith.constant 1 : i32
    %dma_start3A_68 = arith.constant 1 : i32
    %dma_start3A_69 = arith.constant 96 : i32
    %dma_start3A_70 = arith.constant 0 : i32
    %dma_start3A_71 = tpu.memref_slice %arg8[%dma_start3A_67, %dma_start3A_69, %dma_start3A_70] : memref<2x192x64xf32, #tpu.memory_space<vmem>> -> memref<1x96x64xf32, #tpu.memory_space<vmem>>
    %dma_start3A_72 = tpu.memref_squeeze %dma_start3A_71 : memref<1x96x64xf32, #tpu.memory_space<vmem>> -> memref<96x64xf32, #tpu.memory_space<vmem>>
    %dma_start3A_73 = arith.constant 96 : i32
    %dma_start3A_74 = tpu.memref_slice %arg7[%dma_start3A_73] : memref<192xi32, #tpu.memory_space<vmem>> -> memref<96xi32, #tpu.memory_space<vmem>>
    %dma_start3A_75 = arith.constant 0 : i32
    %dma_start3A_76 = arith.constant 0 : i32
    %dma_start3A_77 = tpu.memref_slice %arg3[%dma_start3A_75, %dma_start3A_76] : memref<1000001x64xf32, #tpu.memory_space<hbm>> -> memref<1000001x64xf32, #tpu.memory_space<hbm>>
    %dma_start3A_78 = tpu.memref_slice %arg11[%dma_start3A_68] : memref<2x!tpu.dma_semaphore, #tpu.memory_space<semaphore_mem>> -> memref<1x!tpu.dma_semaphore, #tpu.memory_space<semaphore_mem>>
    %dma_start3A_79 = tpu.memref_squeeze %dma_start3A_78 : memref<1x!tpu.dma_semaphore, #tpu.memory_space<semaphore_mem>> -> memref<!tpu.dma_semaphore, #tpu.memory_space<semaphore_mem>>
    tpu.enqueue_indirect_dma source(%dma_start3A_77 : memref<1000001x64xf32, #tpu.memory_space<hbm>>) target(%dma_start3A_72 : memref<96x64xf32, #tpu.memory_space<vmem>>) offsets(%dma_start3A_74 : memref<96xi32, #tpu.memory_space<vmem>>) semaphore(%dma_start3A_79 : memref<!tpu.dma_semaphore, #tpu.memory_space<semaphore_mem>>)
    %add3A_80 = arith.constant 32 : i32
    %add3A_81 = arith.addi %mul3A_2, %add3A_80 : i32
    %dma_start3A_82 = arith.constant 1 : i32
    %dma_start3A_83 = arith.constant 1 : i32
    %dma_start3A_84 = arith.constant 0 : i32
    %dma_start3A_85 = arith.constant 0 : i32
    %dma_start3A_86 = tpu.memref_slice %arg9[%dma_start3A_82, %dma_start3A_84, %dma_start3A_85] : memref<2x32x64xf32, #tpu.memory_space<vmem>> -> memref<1x32x64xf32, #tpu.memory_space<vmem>>
    %dma_start3A_87 = tpu.memref_squeeze %dma_start3A_86 : memref<1x32x64xf32, #tpu.memory_space<vmem>> -> memref<32x64xf32, #tpu.memory_space<vmem>>
    %dma_start3A_88 = arith.constant 0 : i32
    %dma_start3A_89 = tpu.memref_slice %arg4[%add3A_81, %dma_start3A_88] : memref<16384x64xf32, #tpu.memory_space<hbm>> -> memref<32x64xf32, #tpu.memory_space<hbm>>
    %dma_start3A_90 = tpu.memref_slice %arg12[%dma_start3A_83] : memref<2x!tpu.dma_semaphore, #tpu.memory_space<semaphore_mem>> -> memref<1x!tpu.dma_semaphore, #tpu.memory_space<semaphore_mem>>
    %dma_start3A_91 = tpu.memref_squeeze %dma_start3A_90 : memref<1x!tpu.dma_semaphore, #tpu.memory_space<semaphore_mem>> -> memref<!tpu.dma_semaphore, #tpu.memory_space<semaphore_mem>>
    %dma_start3A_92 = arith.constant 0 : i32
    %dma_start3A_93 = arith.constant 0 : i32
    %dma_start3A_94 = tpu.memref_slice %arg9[%dma_start3A_82, %dma_start3A_92, %dma_start3A_93] : memref<2x32x64xf32, #tpu.memory_space<vmem>> -> memref<1x32x64xf32, #tpu.memory_space<vmem>>
    %dma_start3A_95 = tpu.memref_squeeze %dma_start3A_94 : memref<1x32x64xf32, #tpu.memory_space<vmem>> -> memref<32x64xf32, #tpu.memory_space<vmem>>
    %dma_start3A_96 = arith.constant 0 : i32
    %dma_start3A_97 = tpu.memref_slice %arg4[%add3A_81, %dma_start3A_96] : memref<16384x64xf32, #tpu.memory_space<hbm>> -> memref<32x64xf32, #tpu.memory_space<hbm>>
    tpu.enqueue_dma source(%dma_start3A_97 : memref<32x64xf32, #tpu.memory_space<hbm>>) target(%dma_start3A_95 : memref<32x64xf32, #tpu.memory_space<vmem>>) target_semaphore(%dma_start3A_91 : memref<!tpu.dma_semaphore, #tpu.memory_space<semaphore_mem>>)
    %scan3A = arith.constant 0 : i32
    %scan3A_98 = arith.constant 0 : i32
    %scan3A_99 = arith.constant 8 : i32
    %scan3A_100 = arith.addi %scan3A_98, %scan3A_99 : i32
    %scan3A_101 = arith.constant 1 : i32
    scf.for %scan3A_103 = %scan3A_98 to %scan3A_100 step %scan3A_101  : i32 {
      %mul3A_104 = arith.constant 2 : i32
      %mul3A_105 = arith.muli %scan3A_103, %mul3A_104 : i32
      %add3A_106 = arith.constant 0 : i32
      %add3A_107 = arith.addi %mul3A_105, %add3A_106 : i32
      %dma_wait3A = arith.constant 0 : i32
      %dma_wait3A_108 = arith.constant 0 : i32
      %dma_wait3A_109 = arith.constant 0 : i32
      %dma_wait3A_110 = arith.constant 0 : i32
      %dma_wait3A_111 = tpu.memref_slice %arg8[%dma_wait3A, %dma_wait3A_109, %dma_wait3A_110] : memref<2x192x64xf32, #tpu.memory_space<vmem>> -> memref<1x192x64xf32, #tpu.memory_space<vmem>>
      %dma_wait3A_112 = tpu.memref_squeeze %dma_wait3A_111 : memref<1x192x64xf32, #tpu.memory_space<vmem>> -> memref<192x64xf32, #tpu.memory_space<vmem>>
      %dma_wait3A_113 = arith.constant 0 : i32
      %dma_wait3A_114 = arith.constant 0 : i32
      %dma_wait3A_115 = tpu.memref_slice %arg3[%dma_wait3A_113, %dma_wait3A_114] : memref<1000001x64xf32, #tpu.memory_space<hbm>> -> memref<192x64xf32, #tpu.memory_space<hbm>>
      %dma_wait3A_116 = tpu.memref_slice %arg11[%dma_wait3A_108] : memref<2x!tpu.dma_semaphore, #tpu.memory_space<semaphore_mem>> -> memref<1x!tpu.dma_semaphore, #tpu.memory_space<semaphore_mem>>
      %dma_wait3A_117 = tpu.memref_squeeze %dma_wait3A_116 : memref<1x!tpu.dma_semaphore, #tpu.memory_space<semaphore_mem>> -> memref<!tpu.dma_semaphore, #tpu.memory_space<semaphore_mem>>
      %dma_wait3A_118 = arith.constant 0 : i32
      %dma_wait3A_119 = arith.constant 0 : i32
      %dma_wait3A_120 = tpu.memref_slice %arg8[%dma_wait3A, %dma_wait3A_118, %dma_wait3A_119] : memref<2x192x64xf32, #tpu.memory_space<vmem>> -> memref<1x192x64xf32, #tpu.memory_space<vmem>>
      %dma_wait3A_121 = tpu.memref_squeeze %dma_wait3A_120 : memref<1x192x64xf32, #tpu.memory_space<vmem>> -> memref<192x64xf32, #tpu.memory_space<vmem>>
      %dma_wait3A_122 = arith.constant 0 : i32
      %dma_wait3A_123 = arith.constant 0 : i32
      %dma_wait3A_124 = tpu.memref_slice %arg3[%dma_wait3A_122, %dma_wait3A_123] : memref<1000001x64xf32, #tpu.memory_space<hbm>> -> memref<192x64xf32, #tpu.memory_space<hbm>>
      tpu.wait_dma2 semaphore(%dma_wait3A_117 : memref<!tpu.dma_semaphore, #tpu.memory_space<semaphore_mem>>) src(%dma_wait3A_124 : memref<192x64xf32, #tpu.memory_space<hbm>>) dst(%dma_wait3A_121 : memref<192x64xf32, #tpu.memory_space<vmem>>)
      %dma_wait3A_125 = arith.constant 0 : i32
      %dma_wait3A_126 = arith.constant 0 : i32
      %dma_wait3A_127 = arith.constant 0 : i32
      %dma_wait3A_128 = arith.constant 0 : i32
      %dma_wait3A_129 = tpu.memref_slice %arg9[%dma_wait3A_125, %dma_wait3A_127, %dma_wait3A_128] : memref<2x32x64xf32, #tpu.memory_space<vmem>> -> memref<1x32x64xf32, #tpu.memory_space<vmem>>
      %dma_wait3A_130 = tpu.memref_squeeze %dma_wait3A_129 : memref<1x32x64xf32, #tpu.memory_space<vmem>> -> memref<32x64xf32, #tpu.memory_space<vmem>>
      %dma_wait3A_131 = arith.constant 0 : i32
      %dma_wait3A_132 = arith.constant 0 : i32
      %dma_wait3A_133 = tpu.memref_slice %arg4[%dma_wait3A_131, %dma_wait3A_132] : memref<16384x64xf32, #tpu.memory_space<hbm>> -> memref<32x64xf32, #tpu.memory_space<hbm>>
      %dma_wait3A_134 = tpu.memref_slice %arg12[%dma_wait3A_126] : memref<2x!tpu.dma_semaphore, #tpu.memory_space<semaphore_mem>> -> memref<1x!tpu.dma_semaphore, #tpu.memory_space<semaphore_mem>>
      %dma_wait3A_135 = tpu.memref_squeeze %dma_wait3A_134 : memref<1x!tpu.dma_semaphore, #tpu.memory_space<semaphore_mem>> -> memref<!tpu.dma_semaphore, #tpu.memory_space<semaphore_mem>>
      %dma_wait3A_136 = arith.constant 0 : i32
      %dma_wait3A_137 = arith.constant 0 : i32
      %dma_wait3A_138 = tpu.memref_slice %arg9[%dma_wait3A_125, %dma_wait3A_136, %dma_wait3A_137] : memref<2x32x64xf32, #tpu.memory_space<vmem>> -> memref<1x32x64xf32, #tpu.memory_space<vmem>>
      %dma_wait3A_139 = tpu.memref_squeeze %dma_wait3A_138 : memref<1x32x64xf32, #tpu.memory_space<vmem>> -> memref<32x64xf32, #tpu.memory_space<vmem>>
      %dma_wait3A_140 = arith.constant 0 : i32
      %dma_wait3A_141 = arith.constant 0 : i32
      %dma_wait3A_142 = tpu.memref_slice %arg4[%dma_wait3A_140, %dma_wait3A_141] : memref<16384x64xf32, #tpu.memory_space<hbm>> -> memref<32x64xf32, #tpu.memory_space<hbm>>
      tpu.wait_dma2 semaphore(%dma_wait3A_135 : memref<!tpu.dma_semaphore, #tpu.memory_space<semaphore_mem>>) src(%dma_wait3A_142 : memref<32x64xf32, #tpu.memory_space<hbm>>) dst(%dma_wait3A_139 : memref<32x64xf32, #tpu.memory_space<vmem>>)
      %scan3A_143 = arith.constant 0 : i32
      %scan3A_144 = arith.constant 0 : i32
      %scan3A_145 = arith.constant 32 : i32
      %scan3A_146 = arith.addi %scan3A_144, %scan3A_145 : i32
      %scan3A_147 = arith.constant 1 : i32
      scf.for %scan3A_216 = %scan3A_144 to %scan3A_146 step %scan3A_147  : i32 {
        %get3A = arith.constant 0 : i32
        %get3A_217 = arith.index_cast %get3A : i32 to index
        %get3A_218 = arith.index_cast %scan3A_216 : i32 to index
        %get3A_219 = arith.constant 0 : index
        %get3A_220 = tpu.vector_load %arg9[%get3A_217, %get3A_218, %get3A_219] {strides = array<i32>} : memref<2x32x64xf32, #tpu.memory_space<vmem>>, vector<16xf32>,
        %get3A_221 = arith.constant 0 : i32
        %get3A_222 = arith.index_cast %get3A_221 : i32 to index
        %get3A_223 = arith.index_cast %scan3A_216 : i32 to index
        %get3A_224 = arith.constant 16 : index
        %get3A_225 = tpu.vector_load %arg9[%get3A_222, %get3A_223, %get3A_224] {strides = array<i32>} : memref<2x32x64xf32, #tpu.memory_space<vmem>>, vector<16xf32>,
        %get3A_226 = arith.constant 0 : i32
        %get3A_227 = arith.index_cast %get3A_226 : i32 to index
        %get3A_228 = arith.index_cast %scan3A_216 : i32 to index
        %get3A_229 = arith.constant 32 : index
        %get3A_230 = tpu.vector_load %arg9[%get3A_227, %get3A_228, %get3A_229] {strides = array<i32>} : memref<2x32x64xf32, #tpu.memory_space<vmem>>, vector<16xf32>,
        %get3A_231 = arith.constant 0 : i32
        %get3A_232 = arith.index_cast %get3A_231 : i32 to index
        %get3A_233 = arith.index_cast %scan3A_216 : i32 to index
        %get3A_234 = arith.constant 48 : index
        %get3A_235 = tpu.vector_load %arg9[%get3A_232, %get3A_233, %get3A_234] {strides = array<i32>} : memref<2x32x64xf32, #tpu.memory_space<vmem>>, vector<16xf32>,
        %mul3A_236 = arith.constant 6 : i32
        %mul3A_237 = arith.muli %scan3A_216, %mul3A_236 : i32
        %add3A_238 = arith.constant 0 : i32
        %add3A_239 = arith.addi %mul3A_237, %add3A_238 : i32
        %get3A_240 = arith.constant 0 : i32
        %get3A_241 = arith.index_cast %get3A_240 : i32 to index
        %get3A_242 = arith.index_cast %add3A_239 : i32 to index
        %get3A_243 = arith.constant 0 : index
        %get3A_244 = tpu.vector_load %arg8[%get3A_241, %get3A_242, %get3A_243] {strides = array<i32>} : memref<2x192x64xf32, #tpu.memory_space<vmem>>, vector<16xf32>,
        %mul3A_245 = arith.mulf %get3A_244, %get3A_220 : vector<16xf32>
        %add3A_246 = arith.constant 0 : i32
        %add3A_247 = arith.addi %mul3A_237, %add3A_246 : i32
        %get3A_248 = arith.constant 0 : i32
        %get3A_249 = arith.index_cast %get3A_248 : i32 to index
        %get3A_250 = arith.index_cast %add3A_247 : i32 to index
        %get3A_251 = arith.constant 16 : index
        %get3A_252 = tpu.vector_load %arg8[%get3A_249, %get3A_250, %get3A_251] {strides = array<i32>} : memref<2x192x64xf32, #tpu.memory_space<vmem>>, vector<16xf32>,
        %mul3A_253 = arith.mulf %get3A_252, %get3A_225 : vector<16xf32>
        %add3A_254 = arith.addf %mul3A_245, %mul3A_253 : vector<16xf32>
        %add3A_255 = arith.constant 0 : i32
        %add3A_256 = arith.addi %mul3A_237, %add3A_255 : i32
        %get3A_257 = arith.constant 0 : i32
        %get3A_258 = arith.index_cast %get3A_257 : i32 to index
        %get3A_259 = arith.index_cast %add3A_256 : i32 to index
        %get3A_260 = arith.constant 32 : index
        %get3A_261 = tpu.vector_load %arg8[%get3A_258, %get3A_259, %get3A_260] {strides = array<i32>} : memref<2x192x64xf32, #tpu.memory_space<vmem>>, vector<16xf32>,
        %mul3A_262 = arith.mulf %get3A_261, %get3A_230 : vector<16xf32>
        %add3A_263 = arith.addf %add3A_254, %mul3A_262 : vector<16xf32>
        %add3A_264 = arith.constant 0 : i32
        %add3A_265 = arith.addi %mul3A_237, %add3A_264 : i32
        %get3A_266 = arith.constant 0 : i32
        %get3A_267 = arith.index_cast %get3A_266 : i32 to index
        %get3A_268 = arith.index_cast %add3A_265 : i32 to index
        %get3A_269 = arith.constant 48 : index
        %get3A_270 = tpu.vector_load %arg8[%get3A_267, %get3A_268, %get3A_269] {strides = array<i32>} : memref<2x192x64xf32, #tpu.memory_space<vmem>>, vector<16xf32>,
        %mul3A_271 = arith.mulf %get3A_270, %get3A_235 : vector<16xf32>
        %add3A_272 = arith.addf %add3A_263, %mul3A_271 : vector<16xf32>
        %mul3A_273 = arith.constant 6 : i32
        %mul3A_274 = arith.muli %scan3A_216, %mul3A_273 : i32
        %add3A_275 = arith.constant 0 : i32
        %add3A_276 = arith.addi %mul3A_274, %add3A_275 : i32
        %broadcast_in_dim3A = vector.broadcast %add3A_276 : i32 to vector<16xi32>
        %broadcast_in_dim3A_277 = arith.constant true
        %broadcast_in_dim3A_278 = vector.broadcast %broadcast_in_dim3A_277 : i1 to vector<16xi1>
        %masked_cumsum3A = tpu.scan <sum>, %add3A_272 masked %broadcast_in_dim3A_278 : vector<16xf32>, vector<16xi1> -> vector<16xf32>
        tpu.vector_store_idx %arg10[%broadcast_in_dim3A], %masked_cumsum3A masked %eq3A_6 : memref<192xf32, #tpu.memory_space<vmem>>[vector<16xi32>], vector<16xf32>, vector<16xi1>
        %add3A_279 = arith.constant 1 : i32
        %add3A_280 = arith.addi %mul3A_237, %add3A_279 : i32
        %get3A_281 = arith.constant 0 : i32
        %get3A_282 = arith.index_cast %get3A_281 : i32 to index
        %get3A_283 = arith.index_cast %add3A_280 : i32 to index
        %get3A_284 = arith.constant 0 : index
        %get3A_285 = tpu.vector_load %arg8[%get3A_282, %get3A_283, %get3A_284] {strides = array<i32>} : memref<2x192x64xf32, #tpu.memory_space<vmem>>, vector<16xf32>,
        %mul3A_286 = arith.mulf %get3A_285, %get3A_220 : vector<16xf32>
        %add3A_287 = arith.constant 1 : i32
        %add3A_288 = arith.addi %mul3A_237, %add3A_287 : i32
        %get3A_289 = arith.constant 0 : i32
        %get3A_290 = arith.index_cast %get3A_289 : i32 to index
        %get3A_291 = arith.index_cast %add3A_288 : i32 to index
        %get3A_292 = arith.constant 16 : index
        %get3A_293 = tpu.vector_load %arg8[%get3A_290, %get3A_291, %get3A_292] {strides = array<i32>} : memref<2x192x64xf32, #tpu.memory_space<vmem>>, vector<16xf32>,
        %mul3A_294 = arith.mulf %get3A_293, %get3A_225 : vector<16xf32>
        %add3A_295 = arith.addf %mul3A_286, %mul3A_294 : vector<16xf32>
        %add3A_296 = arith.constant 1 : i32
        %add3A_297 = arith.addi %mul3A_237, %add3A_296 : i32
        %get3A_298 = arith.constant 0 : i32
        %get3A_299 = arith.index_cast %get3A_298 : i32 to index
        %get3A_300 = arith.index_cast %add3A_297 : i32 to index
        %get3A_301 = arith.constant 32 : index
        %get3A_302 = tpu.vector_load %arg8[%get3A_299, %get3A_300, %get3A_301] {strides = array<i32>} : memref<2x192x64xf32, #tpu.memory_space<vmem>>, vector<16xf32>,
        %mul3A_303 = arith.mulf %get3A_302, %get3A_230 : vector<16xf32>
        %add3A_304 = arith.addf %add3A_295, %mul3A_303 : vector<16xf32>
        %add3A_305 = arith.constant 1 : i32
        %add3A_306 = arith.addi %mul3A_237, %add3A_305 : i32
        %get3A_307 = arith.constant 0 : i32
        %get3A_308 = arith.index_cast %get3A_307 : i32 to index
        %get3A_309 = arith.index_cast %add3A_306 : i32 to index
        %get3A_310 = arith.constant 48 : index
        %get3A_311 = tpu.vector_load %arg8[%get3A_308, %get3A_309, %get3A_310] {strides = array<i32>} : memref<2x192x64xf32, #tpu.memory_space<vmem>>, vector<16xf32>,
        %mul3A_312 = arith.mulf %get3A_311, %get3A_235 : vector<16xf32>
        %add3A_313 = arith.addf %add3A_304, %mul3A_312 : vector<16xf32>
        %mul3A_314 = arith.constant 6 : i32
        %mul3A_315 = arith.muli %scan3A_216, %mul3A_314 : i32
        %add3A_316 = arith.constant 1 : i32
        %add3A_317 = arith.addi %mul3A_315, %add3A_316 : i32
        %broadcast_in_dim3A_318 = vector.broadcast %add3A_317 : i32 to vector<16xi32>
        %broadcast_in_dim3A_319 = arith.constant true
        %broadcast_in_dim3A_320 = vector.broadcast %broadcast_in_dim3A_319 : i1 to vector<16xi1>
        %masked_cumsum3A_321 = tpu.scan <sum>, %add3A_313 masked %broadcast_in_dim3A_320 : vector<16xf32>, vector<16xi1> -> vector<16xf32>
        tpu.vector_store_idx %arg10[%broadcast_in_dim3A_318], %masked_cumsum3A_321 masked %eq3A_6 : memref<192xf32, #tpu.memory_space<vmem>>[vector<16xi32>], vector<16xf32>, vector<16xi1>
        %add3A_322 = arith.constant 2 : i32
        %add3A_323 = arith.addi %mul3A_237, %add3A_322 : i32
        %get3A_324 = arith.constant 0 : i32
        %get3A_325 = arith.index_cast %get3A_324 : i32 to index
        %get3A_326 = arith.index_cast %add3A_323 : i32 to index
        %get3A_327 = arith.constant 0 : index
        %get3A_328 = tpu.vector_load %arg8[%get3A_325, %get3A_326, %get3A_327] {strides = array<i32>} : memref<2x192x64xf32, #tpu.memory_space<vmem>>, vector<16xf32>,
        %mul3A_329 = arith.mulf %get3A_328, %get3A_220 : vector<16xf32>
        %add3A_330 = arith.constant 2 : i32
        %add3A_331 = arith.addi %mul3A_237, %add3A_330 : i32
        %get3A_332 = arith.constant 0 : i32
        %get3A_333 = arith.index_cast %get3A_332 : i32 to index
        %get3A_334 = arith.index_cast %add3A_331 : i32 to index
        %get3A_335 = arith.constant 16 : index
        %get3A_336 = tpu.vector_load %arg8[%get3A_333, %get3A_334, %get3A_335] {strides = array<i32>} : memref<2x192x64xf32, #tpu.memory_space<vmem>>, vector<16xf32>,
        %mul3A_337 = arith.mulf %get3A_336, %get3A_225 : vector<16xf32>
        %add3A_338 = arith.addf %mul3A_329, %mul3A_337 : vector<16xf32>
        %add3A_339 = arith.constant 2 : i32
        %add3A_340 = arith.addi %mul3A_237, %add3A_339 : i32
        %get3A_341 = arith.constant 0 : i32
        %get3A_342 = arith.index_cast %get3A_341 : i32 to index
        %get3A_343 = arith.index_cast %add3A_340 : i32 to index
        %get3A_344 = arith.constant 32 : index
        %get3A_345 = tpu.vector_load %arg8[%get3A_342, %get3A_343, %get3A_344] {strides = array<i32>} : memref<2x192x64xf32, #tpu.memory_space<vmem>>, vector<16xf32>,
        %mul3A_346 = arith.mulf %get3A_345, %get3A_230 : vector<16xf32>
        %add3A_347 = arith.addf %add3A_338, %mul3A_346 : vector<16xf32>
        %add3A_348 = arith.constant 2 : i32
        %add3A_349 = arith.addi %mul3A_237, %add3A_348 : i32
        %get3A_350 = arith.constant 0 : i32
        %get3A_351 = arith.index_cast %get3A_350 : i32 to index
        %get3A_352 = arith.index_cast %add3A_349 : i32 to index
        %get3A_353 = arith.constant 48 : index
        %get3A_354 = tpu.vector_load %arg8[%get3A_351, %get3A_352, %get3A_353] {strides = array<i32>} : memref<2x192x64xf32, #tpu.memory_space<vmem>>, vector<16xf32>,
        %mul3A_355 = arith.mulf %get3A_354, %get3A_235 : vector<16xf32>
        %add3A_356 = arith.addf %add3A_347, %mul3A_355 : vector<16xf32>
        %mul3A_357 = arith.constant 6 : i32
        %mul3A_358 = arith.muli %scan3A_216, %mul3A_357 : i32
        %add3A_359 = arith.constant 2 : i32
        %add3A_360 = arith.addi %mul3A_358, %add3A_359 : i32
        %broadcast_in_dim3A_361 = vector.broadcast %add3A_360 : i32 to vector<16xi32>
        %broadcast_in_dim3A_362 = arith.constant true
        %broadcast_in_dim3A_363 = vector.broadcast %broadcast_in_dim3A_362 : i1 to vector<16xi1>
        %masked_cumsum3A_364 = tpu.scan <sum>, %add3A_356 masked %broadcast_in_dim3A_363 : vector<16xf32>, vector<16xi1> -> vector<16xf32>
        tpu.vector_store_idx %arg10[%broadcast_in_dim3A_361], %masked_cumsum3A_364 masked %eq3A_6 : memref<192xf32, #tpu.memory_space<vmem>>[vector<16xi32>], vector<16xf32>, vector<16xi1>
        %add3A_365 = arith.constant 3 : i32
        %add3A_366 = arith.addi %mul3A_237, %add3A_365 : i32
        %get3A_367 = arith.constant 0 : i32
        %get3A_368 = arith.index_cast %get3A_367 : i32 to index
        %get3A_369 = arith.index_cast %add3A_366 : i32 to index
        %get3A_370 = arith.constant 0 : index
        %get3A_371 = tpu.vector_load %arg8[%get3A_368, %get3A_369, %get3A_370] {strides = array<i32>} : memref<2x192x64xf32, #tpu.memory_space<vmem>>, vector<16xf32>,
        %mul3A_372 = arith.mulf %get3A_371, %get3A_220 : vector<16xf32>
        %add3A_373 = arith.constant 3 : i32
        %add3A_374 = arith.addi %mul3A_237, %add3A_373 : i32
        %get3A_375 = arith.constant 0 : i32
        %get3A_376 = arith.index_cast %get3A_375 : i32 to index
        %get3A_377 = arith.index_cast %add3A_374 : i32 to index
        %get3A_378 = arith.constant 16 : index
        %get3A_379 = tpu.vector_load %arg8[%get3A_376, %get3A_377, %get3A_378] {strides = array<i32>} : memref<2x192x64xf32, #tpu.memory_space<vmem>>, vector<16xf32>,
        %mul3A_380 = arith.mulf %get3A_379, %get3A_225 : vector<16xf32>
        %add3A_381 = arith.addf %mul3A_372, %mul3A_380 : vector<16xf32>
        %add3A_382 = arith.constant 3 : i32
        %add3A_383 = arith.addi %mul3A_237, %add3A_382 : i32
        %get3A_384 = arith.constant 0 : i32
        %get3A_385 = arith.index_cast %get3A_384 : i32 to index
        %get3A_386 = arith.index_cast %add3A_383 : i32 to index
        %get3A_387 = arith.constant 32 : index
        %get3A_388 = tpu.vector_load %arg8[%get3A_385, %get3A_386, %get3A_387] {strides = array<i32>} : memref<2x192x64xf32, #tpu.memory_space<vmem>>, vector<16xf32>,
        %mul3A_389 = arith.mulf %get3A_388, %get3A_230 : vector<16xf32>
        %add3A_390 = arith.addf %add3A_381, %mul3A_389 : vector<16xf32>
        %add3A_391 = arith.constant 3 : i32
        %add3A_392 = arith.addi %mul3A_237, %add3A_391 : i32
        %get3A_393 = arith.constant 0 : i32
        %get3A_394 = arith.index_cast %get3A_393 : i32 to index
        %get3A_395 = arith.index_cast %add3A_392 : i32 to index
        %get3A_396 = arith.constant 48 : index
        %get3A_397 = tpu.vector_load %arg8[%get3A_394, %get3A_395, %get3A_396] {strides = array<i32>} : memref<2x192x64xf32, #tpu.memory_space<vmem>>, vector<16xf32>,
        %mul3A_398 = arith.mulf %get3A_397, %get3A_235 : vector<16xf32>
        %add3A_399 = arith.addf %add3A_390, %mul3A_398 : vector<16xf32>
        %mul3A_400 = arith.constant 6 : i32
        %mul3A_401 = arith.muli %scan3A_216, %mul3A_400 : i32
        %add3A_402 = arith.constant 3 : i32
        %add3A_403 = arith.addi %mul3A_401, %add3A_402 : i32
        %broadcast_in_dim3A_404 = vector.broadcast %add3A_403 : i32 to vector<16xi32>
        %broadcast_in_dim3A_405 = arith.constant true
        %broadcast_in_dim3A_406 = vector.broadcast %broadcast_in_dim3A_405 : i1 to vector<16xi1>
        %masked_cumsum3A_407 = tpu.scan <sum>, %add3A_399 masked %broadcast_in_dim3A_406 : vector<16xf32>, vector<16xi1> -> vector<16xf32>
        tpu.vector_store_idx %arg10[%broadcast_in_dim3A_404], %masked_cumsum3A_407 masked %eq3A_6 : memref<192xf32, #tpu.memory_space<vmem>>[vector<16xi32>], vector<16xf32>, vector<16xi1>
        %add3A_408 = arith.constant 4 : i32
        %add3A_409 = arith.addi %mul3A_237, %add3A_408 : i32
        %get3A_410 = arith.constant 0 : i32
        %get3A_411 = arith.index_cast %get3A_410 : i32 to index
        %get3A_412 = arith.index_cast %add3A_409 : i32 to index
        %get3A_413 = arith.constant 0 : index
        %get3A_414 = tpu.vector_load %arg8[%get3A_411, %get3A_412, %get3A_413] {strides = array<i32>} : memref<2x192x64xf32, #tpu.memory_space<vmem>>, vector<16xf32>,
        %mul3A_415 = arith.mulf %get3A_414, %get3A_220 : vector<16xf32>
        %add3A_416 = arith.constant 4 : i32
        %add3A_417 = arith.addi %mul3A_237, %add3A_416 : i32
        %get3A_418 = arith.constant 0 : i32
        %get3A_419 = arith.index_cast %get3A_418 : i32 to index
        %get3A_420 = arith.index_cast %add3A_417 : i32 to index
        %get3A_421 = arith.constant 16 : index
        %get3A_422 = tpu.vector_load %arg8[%get3A_419, %get3A_420, %get3A_421] {strides = array<i32>} : memref<2x192x64xf32, #tpu.memory_space<vmem>>, vector<16xf32>,
        %mul3A_423 = arith.mulf %get3A_422, %get3A_225 : vector<16xf32>
        %add3A_424 = arith.addf %mul3A_415, %mul3A_423 : vector<16xf32>
        %add3A_425 = arith.constant 4 : i32
        %add3A_426 = arith.addi %mul3A_237, %add3A_425 : i32
        %get3A_427 = arith.constant 0 : i32
        %get3A_428 = arith.index_cast %get3A_427 : i32 to index
        %get3A_429 = arith.index_cast %add3A_426 : i32 to index
        %get3A_430 = arith.constant 32 : index
        %get3A_431 = tpu.vector_load %arg8[%get3A_428, %get3A_429, %get3A_430] {strides = array<i32>} : memref<2x192x64xf32, #tpu.memory_space<vmem>>, vector<16xf32>,
        %mul3A_432 = arith.mulf %get3A_431, %get3A_230 : vector<16xf32>
        %add3A_433 = arith.addf %add3A_424, %mul3A_432 : vector<16xf32>
        %add3A_434 = arith.constant 4 : i32
        %add3A_435 = arith.addi %mul3A_237, %add3A_434 : i32
        %get3A_436 = arith.constant 0 : i32
        %get3A_437 = arith.index_cast %get3A_436 : i32 to index
        %get3A_438 = arith.index_cast %add3A_435 : i32 to index
        %get3A_439 = arith.constant 48 : index
        %get3A_440 = tpu.vector_load %arg8[%get3A_437, %get3A_438, %get3A_439] {strides = array<i32>} : memref<2x192x64xf32, #tpu.memory_space<vmem>>, vector<16xf32>,
        %mul3A_441 = arith.mulf %get3A_440, %get3A_235 : vector<16xf32>
        %add3A_442 = arith.addf %add3A_433, %mul3A_441 : vector<16xf32>
        %mul3A_443 = arith.constant 6 : i32
        %mul3A_444 = arith.muli %scan3A_216, %mul3A_443 : i32
        %add3A_445 = arith.constant 4 : i32
        %add3A_446 = arith.addi %mul3A_444, %add3A_445 : i32
        %broadcast_in_dim3A_447 = vector.broadcast %add3A_446 : i32 to vector<16xi32>
        %broadcast_in_dim3A_448 = arith.constant true
        %broadcast_in_dim3A_449 = vector.broadcast %broadcast_in_dim3A_448 : i1 to vector<16xi1>
        %masked_cumsum3A_450 = tpu.scan <sum>, %add3A_442 masked %broadcast_in_dim3A_449 : vector<16xf32>, vector<16xi1> -> vector<16xf32>
        tpu.vector_store_idx %arg10[%broadcast_in_dim3A_447], %masked_cumsum3A_450 masked %eq3A_6 : memref<192xf32, #tpu.memory_space<vmem>>[vector<16xi32>], vector<16xf32>, vector<16xi1>
        %add3A_451 = arith.constant 5 : i32
        %add3A_452 = arith.addi %mul3A_237, %add3A_451 : i32
        %get3A_453 = arith.constant 0 : i32
        %get3A_454 = arith.index_cast %get3A_453 : i32 to index
        %get3A_455 = arith.index_cast %add3A_452 : i32 to index
        %get3A_456 = arith.constant 0 : index
        %get3A_457 = tpu.vector_load %arg8[%get3A_454, %get3A_455, %get3A_456] {strides = array<i32>} : memref<2x192x64xf32, #tpu.memory_space<vmem>>, vector<16xf32>,
        %mul3A_458 = arith.mulf %get3A_457, %get3A_220 : vector<16xf32>
        %add3A_459 = arith.constant 5 : i32
        %add3A_460 = arith.addi %mul3A_237, %add3A_459 : i32
        %get3A_461 = arith.constant 0 : i32
        %get3A_462 = arith.index_cast %get3A_461 : i32 to index
        %get3A_463 = arith.index_cast %add3A_460 : i32 to index
        %get3A_464 = arith.constant 16 : index
        %get3A_465 = tpu.vector_load %arg8[%get3A_462, %get3A_463, %get3A_464] {strides = array<i32>} : memref<2x192x64xf32, #tpu.memory_space<vmem>>, vector<16xf32>,
        %mul3A_466 = arith.mulf %get3A_465, %get3A_225 : vector<16xf32>
        %add3A_467 = arith.addf %mul3A_458, %mul3A_466 : vector<16xf32>
        %add3A_468 = arith.constant 5 : i32
        %add3A_469 = arith.addi %mul3A_237, %add3A_468 : i32
        %get3A_470 = arith.constant 0 : i32
        %get3A_471 = arith.index_cast %get3A_470 : i32 to index
        %get3A_472 = arith.index_cast %add3A_469 : i32 to index
        %get3A_473 = arith.constant 32 : index
        %get3A_474 = tpu.vector_load %arg8[%get3A_471, %get3A_472, %get3A_473] {strides = array<i32>} : memref<2x192x64xf32, #tpu.memory_space<vmem>>, vector<16xf32>,
        %mul3A_475 = arith.mulf %get3A_474, %get3A_230 : vector<16xf32>
        %add3A_476 = arith.addf %add3A_467, %mul3A_475 : vector<16xf32>
        %add3A_477 = arith.constant 5 : i32
        %add3A_478 = arith.addi %mul3A_237, %add3A_477 : i32
        %get3A_479 = arith.constant 0 : i32
        %get3A_480 = arith.index_cast %get3A_479 : i32 to index
        %get3A_481 = arith.index_cast %add3A_478 : i32 to index
        %get3A_482 = arith.constant 48 : index
        %get3A_483 = tpu.vector_load %arg8[%get3A_480, %get3A_481, %get3A_482] {strides = array<i32>} : memref<2x192x64xf32, #tpu.memory_space<vmem>>, vector<16xf32>,
        %mul3A_484 = arith.mulf %get3A_483, %get3A_235 : vector<16xf32>
        %add3A_485 = arith.addf %add3A_476, %mul3A_484 : vector<16xf32>
        %mul3A_486 = arith.constant 6 : i32
        %mul3A_487 = arith.muli %scan3A_216, %mul3A_486 : i32
        %add3A_488 = arith.constant 5 : i32
        %add3A_489 = arith.addi %mul3A_487, %add3A_488 : i32
        %broadcast_in_dim3A_490 = vector.broadcast %add3A_489 : i32 to vector<16xi32>
        %broadcast_in_dim3A_491 = arith.constant true
        %broadcast_in_dim3A_492 = vector.broadcast %broadcast_in_dim3A_491 : i1 to vector<16xi1>
        %masked_cumsum3A_493 = tpu.scan <sum>, %add3A_485 masked %broadcast_in_dim3A_492 : vector<16xf32>, vector<16xi1> -> vector<16xf32>
        tpu.vector_store_idx %arg10[%broadcast_in_dim3A_490], %masked_cumsum3A_493 masked %eq3A_6 : memref<192xf32, #tpu.memory_space<vmem>>[vector<16xi32>], vector<16xf32>, vector<16xi1>
      }
      %scan3A_148 = arith.constant 32 : i32
      %mul3A_149 = arith.constant 32 : i32
      %mul3A_150 = arith.muli %add3A_107, %mul3A_149 : i32
      %add3A_151 = arith.addi %mul3A_2, %mul3A_150 : i32
      %mul3A_152 = arith.constant 6 : i32
      %mul3A_153 = arith.muli %add3A_151, %mul3A_152 : i32
      "tpu.region"() ({
        %run_scoped3A = tpu.sem_alloc : memref<!tpu.dma_semaphore, #tpu.memory_space<semaphore_mem>>
        %dma_start3A_216 = tpu.memref_slice %arg5[%mul3A_153] : memref<98304xf32, #tpu.memory_space<hbm>> -> memref<192xf32, #tpu.memory_space<hbm>>
        %dma_start3A_217 = tpu.memref_slice %arg5[%mul3A_153] : memref<98304xf32, #tpu.memory_space<hbm>> -> memref<192xf32, #tpu.memory_space<hbm>>
        tpu.enqueue_dma source(%arg10 : memref<192xf32, #tpu.memory_space<vmem>>) target(%dma_start3A_217 : memref<192xf32, #tpu.memory_space<hbm>>) target_semaphore(%run_scoped3A : memref<!tpu.dma_semaphore, #tpu.memory_space<semaphore_mem>>)
        %dma_wait3A_218 = tpu.memref_slice %arg5[%mul3A_153] : memref<98304xf32, #tpu.memory_space<hbm>> -> memref<192xf32, #tpu.memory_space<hbm>>
        %dma_wait3A_219 = tpu.memref_slice %arg5[%mul3A_153] : memref<98304xf32, #tpu.memory_space<hbm>> -> memref<192xf32, #tpu.memory_space<hbm>>
        tpu.wait_dma2 semaphore(%run_scoped3A : memref<!tpu.dma_semaphore, #tpu.memory_space<semaphore_mem>>) src(%arg10 : memref<192xf32, #tpu.memory_space<vmem>>) dst(%dma_wait3A_219 : memref<192xf32, #tpu.memory_space<hbm>>)
        tpu.yield
      }) : () -> ()
      %add3A_154 = arith.constant 2 : i32
      %add3A_155 = arith.addi %add3A_107, %add3A_154 : i32
      %lt3A = arith.constant 16 : i32
      %lt3A_156 = arith.cmpi slt, %add3A_155, %lt3A : i32
      %convert_element_type3A = arith.extui %lt3A_156 : i1 to i32
      %cond3A = arith.constant 0 : i32
      %cond3A_157 = arith.cmpi ne, %convert_element_type3A, %cond3A : i32
      scf.if %cond3A_157 {
        %add3A_216 = arith.constant 2 : i32
        %add3A_217 = arith.addi %add3A_107, %add3A_216 : i32
        %mul3A_218 = arith.constant 192 : i32
        %mul3A_219 = arith.muli %add3A_217, %mul3A_218 : i32
        %add3A_220 = arith.addi %mul3A_4, %mul3A_219 : i32
        "tpu.region"() ({
          %run_scoped3A = tpu.sem_alloc : memref<!tpu.dma_semaphore, #tpu.memory_space<semaphore_mem>>
          %dma_start3A_266 = tpu.memref_slice %arg2[%add3A_220] : memref<98304xi32, #tpu.memory_space<hbm>> -> memref<192xi32, #tpu.memory_space<hbm>>
          %dma_start3A_267 = tpu.memref_slice %arg2[%add3A_220] : memref<98304xi32, #tpu.memory_space<hbm>> -> memref<192xi32, #tpu.memory_space<hbm>>
          tpu.enqueue_dma source(%dma_start3A_267 : memref<192xi32, #tpu.memory_space<hbm>>) target(%arg6 : memref<192xi32, #tpu.memory_space<vmem>>) target_semaphore(%run_scoped3A : memref<!tpu.dma_semaphore, #tpu.memory_space<semaphore_mem>>)
          %dma_wait3A_268 = tpu.memref_slice %arg2[%add3A_220] : memref<98304xi32, #tpu.memory_space<hbm>> -> memref<192xi32, #tpu.memory_space<hbm>>
          %dma_wait3A_269 = tpu.memref_slice %arg2[%add3A_220] : memref<98304xi32, #tpu.memory_space<hbm>> -> memref<192xi32, #tpu.memory_space<hbm>>
          tpu.wait_dma2 semaphore(%run_scoped3A : memref<!tpu.dma_semaphore, #tpu.memory_space<semaphore_mem>>) src(%dma_wait3A_269 : memref<192xi32, #tpu.memory_space<hbm>>) dst(%arg6 : memref<192xi32, #tpu.memory_space<vmem>>)
          tpu.yield
        }) : () -> ()
        %dma_start3A_221 = arith.constant 0 : i32
        %dma_start3A_222 = arith.constant 0 : i32
        %dma_start3A_223 = arith.constant 0 : i32
        %dma_start3A_224 = arith.constant 0 : i32
        %dma_start3A_225 = tpu.memref_slice %arg8[%dma_start3A_221, %dma_start3A_223, %dma_start3A_224] : memref<2x192x64xf32, #tpu.memory_space<vmem>> -> memref<1x96x64xf32, #tpu.memory_space<vmem>>
        %dma_start3A_226 = tpu.memref_squeeze %dma_start3A_225 : memref<1x96x64xf32, #tpu.memory_space<vmem>> -> memref<96x64xf32, #tpu.memory_space<vmem>>
        %dma_start3A_227 = arith.constant 0 : i32
        %dma_start3A_228 = tpu.memref_slice %arg6[%dma_start3A_227] : memref<192xi32, #tpu.memory_space<vmem>> -> memref<96xi32, #tpu.memory_space<vmem>>
        %dma_start3A_229 = arith.constant 0 : i32
        %dma_start3A_230 = arith.constant 0 : i32
        %dma_start3A_231 = tpu.memref_slice %arg3[%dma_start3A_229, %dma_start3A_230] : memref<1000001x64xf32, #tpu.memory_space<hbm>> -> memref<1000001x64xf32, #tpu.memory_space<hbm>>
        %dma_start3A_232 = tpu.memref_slice %arg11[%dma_start3A_222] : memref<2x!tpu.dma_semaphore, #tpu.memory_space<semaphore_mem>> -> memref<1x!tpu.dma_semaphore, #tpu.memory_space<semaphore_mem>>
        %dma_start3A_233 = tpu.memref_squeeze %dma_start3A_232 : memref<1x!tpu.dma_semaphore, #tpu.memory_space<semaphore_mem>> -> memref<!tpu.dma_semaphore, #tpu.memory_space<semaphore_mem>>
        tpu.enqueue_indirect_dma source(%dma_start3A_231 : memref<1000001x64xf32, #tpu.memory_space<hbm>>) target(%dma_start3A_226 : memref<96x64xf32, #tpu.memory_space<vmem>>) offsets(%dma_start3A_228 : memref<96xi32, #tpu.memory_space<vmem>>) semaphore(%dma_start3A_233 : memref<!tpu.dma_semaphore, #tpu.memory_space<semaphore_mem>>)
        %dma_start3A_234 = arith.constant 0 : i32
        %dma_start3A_235 = arith.constant 0 : i32
        %dma_start3A_236 = arith.constant 96 : i32
        %dma_start3A_237 = arith.constant 0 : i32
        %dma_start3A_238 = tpu.memref_slice %arg8[%dma_start3A_234, %dma_start3A_236, %dma_start3A_237] : memref<2x192x64xf32, #tpu.memory_space<vmem>> -> memref<1x96x64xf32, #tpu.memory_space<vmem>>
        %dma_start3A_239 = tpu.memref_squeeze %dma_start3A_238 : memref<1x96x64xf32, #tpu.memory_space<vmem>> -> memref<96x64xf32, #tpu.memory_space<vmem>>
        %dma_start3A_240 = arith.constant 96 : i32
        %dma_start3A_241 = tpu.memref_slice %arg6[%dma_start3A_240] : memref<192xi32, #tpu.memory_space<vmem>> -> memref<96xi32, #tpu.memory_space<vmem>>
        %dma_start3A_242 = arith.constant 0 : i32
        %dma_start3A_243 = arith.constant 0 : i32
        %dma_start3A_244 = tpu.memref_slice %arg3[%dma_start3A_242, %dma_start3A_243] : memref<1000001x64xf32, #tpu.memory_space<hbm>> -> memref<1000001x64xf32, #tpu.memory_space<hbm>>
        %dma_start3A_245 = tpu.memref_slice %arg11[%dma_start3A_235] : memref<2x!tpu.dma_semaphore, #tpu.memory_space<semaphore_mem>> -> memref<1x!tpu.dma_semaphore, #tpu.memory_space<semaphore_mem>>
        %dma_start3A_246 = tpu.memref_squeeze %dma_start3A_245 : memref<1x!tpu.dma_semaphore, #tpu.memory_space<semaphore_mem>> -> memref<!tpu.dma_semaphore, #tpu.memory_space<semaphore_mem>>
        tpu.enqueue_indirect_dma source(%dma_start3A_244 : memref<1000001x64xf32, #tpu.memory_space<hbm>>) target(%dma_start3A_239 : memref<96x64xf32, #tpu.memory_space<vmem>>) offsets(%dma_start3A_241 : memref<96xi32, #tpu.memory_space<vmem>>) semaphore(%dma_start3A_246 : memref<!tpu.dma_semaphore, #tpu.memory_space<semaphore_mem>>)
        %mul3A_247 = arith.constant 32 : i32
        %mul3A_248 = arith.muli %add3A_217, %mul3A_247 : i32
        %add3A_249 = arith.addi %mul3A_2, %mul3A_248 : i32
        %dma_start3A_250 = arith.constant 0 : i32
        %dma_start3A_251 = arith.constant 0 : i32
        %dma_start3A_252 = arith.constant 0 : i32
        %dma_start3A_253 = arith.constant 0 : i32
        %dma_start3A_254 = tpu.memref_slice %arg9[%dma_start3A_250, %dma_start3A_252, %dma_start3A_253] : memref<2x32x64xf32, #tpu.memory_space<vmem>> -> memref<1x32x64xf32, #tpu.memory_space<vmem>>
        %dma_start3A_255 = tpu.memref_squeeze %dma_start3A_254 : memref<1x32x64xf32, #tpu.memory_space<vmem>> -> memref<32x64xf32, #tpu.memory_space<vmem>>
        %dma_start3A_256 = arith.constant 0 : i32
        %dma_start3A_257 = tpu.memref_slice %arg4[%add3A_249, %dma_start3A_256] : memref<16384x64xf32, #tpu.memory_space<hbm>> -> memref<32x64xf32, #tpu.memory_space<hbm>>
        %dma_start3A_258 = tpu.memref_slice %arg12[%dma_start3A_251] : memref<2x!tpu.dma_semaphore, #tpu.memory_space<semaphore_mem>> -> memref<1x!tpu.dma_semaphore, #tpu.memory_space<semaphore_mem>>
        %dma_start3A_259 = tpu.memref_squeeze %dma_start3A_258 : memref<1x!tpu.dma_semaphore, #tpu.memory_space<semaphore_mem>> -> memref<!tpu.dma_semaphore, #tpu.memory_space<semaphore_mem>>
        %dma_start3A_260 = arith.constant 0 : i32
        %dma_start3A_261 = arith.constant 0 : i32
        %dma_start3A_262 = tpu.memref_slice %arg9[%dma_start3A_250, %dma_start3A_260, %dma_start3A_261] : memref<2x32x64xf32, #tpu.memory_space<vmem>> -> memref<1x32x64xf32, #tpu.memory_space<vmem>>
        %dma_start3A_263 = tpu.memref_squeeze %dma_start3A_262 : memref<1x32x64xf32, #tpu.memory_space<vmem>> -> memref<32x64xf32, #tpu.memory_space<vmem>>
        %dma_start3A_264 = arith.constant 0 : i32
        %dma_start3A_265 = tpu.memref_slice %arg4[%add3A_249, %dma_start3A_264] : memref<16384x64xf32, #tpu.memory_space<hbm>> -> memref<32x64xf32, #tpu.memory_space<hbm>>
        tpu.enqueue_dma source(%dma_start3A_265 : memref<32x64xf32, #tpu.memory_space<hbm>>) target(%dma_start3A_263 : memref<32x64xf32, #tpu.memory_space<vmem>>) target_semaphore(%dma_start3A_259 : memref<!tpu.dma_semaphore, #tpu.memory_space<semaphore_mem>>)
      } else {
      }
      %mul3A_158 = arith.constant 2 : i32
      %mul3A_159 = arith.muli %scan3A_103, %mul3A_158 : i32
      %add3A_160 = arith.constant 1 : i32
      %add3A_161 = arith.addi %mul3A_159, %add3A_160 : i32
      %dma_wait3A_162 = arith.constant 1 : i32
      %dma_wait3A_163 = arith.constant 1 : i32
      %dma_wait3A_164 = arith.constant 0 : i32
      %dma_wait3A_165 = arith.constant 0 : i32
      %dma_wait3A_166 = tpu.memref_slice %arg8[%dma_wait3A_162, %dma_wait3A_164, %dma_wait3A_165] : memref<2x192x64xf32, #tpu.memory_space<vmem>> -> memref<1x192x64xf32, #tpu.memory_space<vmem>>
      %dma_wait3A_167 = tpu.memref_squeeze %dma_wait3A_166 : memref<1x192x64xf32, #tpu.memory_space<vmem>> -> memref<192x64xf32, #tpu.memory_space<vmem>>
      %dma_wait3A_168 = arith.constant 0 : i32
      %dma_wait3A_169 = arith.constant 0 : i32
      %dma_wait3A_170 = tpu.memref_slice %arg3[%dma_wait3A_168, %dma_wait3A_169] : memref<1000001x64xf32, #tpu.memory_space<hbm>> -> memref<192x64xf32, #tpu.memory_space<hbm>>
      %dma_wait3A_171 = tpu.memref_slice %arg11[%dma_wait3A_163] : memref<2x!tpu.dma_semaphore, #tpu.memory_space<semaphore_mem>> -> memref<1x!tpu.dma_semaphore, #tpu.memory_space<semaphore_mem>>
      %dma_wait3A_172 = tpu.memref_squeeze %dma_wait3A_171 : memref<1x!tpu.dma_semaphore, #tpu.memory_space<semaphore_mem>> -> memref<!tpu.dma_semaphore, #tpu.memory_space<semaphore_mem>>
      %dma_wait3A_173 = arith.constant 0 : i32
      %dma_wait3A_174 = arith.constant 0 : i32
      %dma_wait3A_175 = tpu.memref_slice %arg8[%dma_wait3A_162, %dma_wait3A_173, %dma_wait3A_174] : memref<2x192x64xf32, #tpu.memory_space<vmem>> -> memref<1x192x64xf32, #tpu.memory_space<vmem>>
      %dma_wait3A_176 = tpu.memref_squeeze %dma_wait3A_175 : memref<1x192x64xf32, #tpu.memory_space<vmem>> -> memref<192x64xf32, #tpu.memory_space<vmem>>
      %dma_wait3A_177 = arith.constant 0 : i32
      %dma_wait3A_178 = arith.constant 0 : i32
      %dma_wait3A_179 = tpu.memref_slice %arg3[%dma_wait3A_177, %dma_wait3A_178] : memref<1000001x64xf32, #tpu.memory_space<hbm>> -> memref<192x64xf32, #tpu.memory_space<hbm>>
      tpu.wait_dma2 semaphore(%dma_wait3A_172 : memref<!tpu.dma_semaphore, #tpu.memory_space<semaphore_mem>>) src(%dma_wait3A_179 : memref<192x64xf32, #tpu.memory_space<hbm>>) dst(%dma_wait3A_176 : memref<192x64xf32, #tpu.memory_space<vmem>>)
      %dma_wait3A_180 = arith.constant 1 : i32
      %dma_wait3A_181 = arith.constant 1 : i32
      %dma_wait3A_182 = arith.constant 0 : i32
      %dma_wait3A_183 = arith.constant 0 : i32
      %dma_wait3A_184 = tpu.memref_slice %arg9[%dma_wait3A_180, %dma_wait3A_182, %dma_wait3A_183] : memref<2x32x64xf32, #tpu.memory_space<vmem>> -> memref<1x32x64xf32, #tpu.memory_space<vmem>>
      %dma_wait3A_185 = tpu.memref_squeeze %dma_wait3A_184 : memref<1x32x64xf32, #tpu.memory_space<vmem>> -> memref<32x64xf32, #tpu.memory_space<vmem>>
      %dma_wait3A_186 = arith.constant 0 : i32
      %dma_wait3A_187 = arith.constant 0 : i32
      %dma_wait3A_188 = tpu.memref_slice %arg4[%dma_wait3A_186, %dma_wait3A_187] : memref<16384x64xf32, #tpu.memory_space<hbm>> -> memref<32x64xf32, #tpu.memory_space<hbm>>
      %dma_wait3A_189 = tpu.memref_slice %arg12[%dma_wait3A_181] : memref<2x!tpu.dma_semaphore, #tpu.memory_space<semaphore_mem>> -> memref<1x!tpu.dma_semaphore, #tpu.memory_space<semaphore_mem>>
      %dma_wait3A_190 = tpu.memref_squeeze %dma_wait3A_189 : memref<1x!tpu.dma_semaphore, #tpu.memory_space<semaphore_mem>> -> memref<!tpu.dma_semaphore, #tpu.memory_space<semaphore_mem>>
      %dma_wait3A_191 = arith.constant 0 : i32
      %dma_wait3A_192 = arith.constant 0 : i32
      %dma_wait3A_193 = tpu.memref_slice %arg9[%dma_wait3A_180, %dma_wait3A_191, %dma_wait3A_192] : memref<2x32x64xf32, #tpu.memory_space<vmem>> -> memref<1x32x64xf32, #tpu.memory_space<vmem>>
      %dma_wait3A_194 = tpu.memref_squeeze %dma_wait3A_193 : memref<1x32x64xf32, #tpu.memory_space<vmem>> -> memref<32x64xf32, #tpu.memory_space<vmem>>
      %dma_wait3A_195 = arith.constant 0 : i32
      %dma_wait3A_196 = arith.constant 0 : i32
      %dma_wait3A_197 = tpu.memref_slice %arg4[%dma_wait3A_195, %dma_wait3A_196] : memref<16384x64xf32, #tpu.memory_space<hbm>> -> memref<32x64xf32, #tpu.memory_space<hbm>>
      tpu.wait_dma2 semaphore(%dma_wait3A_190 : memref<!tpu.dma_semaphore, #tpu.memory_space<semaphore_mem>>) src(%dma_wait3A_197 : memref<32x64xf32, #tpu.memory_space<hbm>>) dst(%dma_wait3A_194 : memref<32x64xf32, #tpu.memory_space<vmem>>)
      %scan3A_198 = arith.constant 0 : i32
      %scan3A_199 = arith.constant 0 : i32
      %scan3A_200 = arith.constant 32 : i32
      %scan3A_201 = arith.addi %scan3A_199, %scan3A_200 : i32
      %scan3A_202 = arith.constant 1 : i32
      scf.for %scan3A_216 = %scan3A_199 to %scan3A_201 step %scan3A_202  : i32 {
        %get3A = arith.constant 1 : i32
        %get3A_217 = arith.index_cast %get3A : i32 to index
        %get3A_218 = arith.index_cast %scan3A_216 : i32 to index
        %get3A_219 = arith.constant 0 : index
        %get3A_220 = tpu.vector_load %arg9[%get3A_217, %get3A_218, %get3A_219] {strides = array<i32>} : memref<2x32x64xf32, #tpu.memory_space<vmem>>, vector<16xf32>,
        %get3A_221 = arith.constant 1 : i32
        %get3A_222 = arith.index_cast %get3A_221 : i32 to index
        %get3A_223 = arith.index_cast %scan3A_216 : i32 to index
        %get3A_224 = arith.constant 16 : index
        %get3A_225 = tpu.vector_load %arg9[%get3A_222, %get3A_223, %get3A_224] {strides = array<i32>} : memref<2x32x64xf32, #tpu.memory_space<vmem>>, vector<16xf32>,
        %get3A_226 = arith.constant 1 : i32
        %get3A_227 = arith.index_cast %get3A_226 : i32 to index
        %get3A_228 = arith.index_cast %scan3A_216 : i32 to index
        %get3A_229 = arith.constant 32 : index
        %get3A_230 = tpu.vector_load %arg9[%get3A_227, %get3A_228, %get3A_229] {strides = array<i32>} : memref<2x32x64xf32, #tpu.memory_space<vmem>>, vector<16xf32>,
        %get3A_231 = arith.constant 1 : i32
        %get3A_232 = arith.index_cast %get3A_231 : i32 to index
        %get3A_233 = arith.index_cast %scan3A_216 : i32 to index
        %get3A_234 = arith.constant 48 : index
        %get3A_235 = tpu.vector_load %arg9[%get3A_232, %get3A_233, %get3A_234] {strides = array<i32>} : memref<2x32x64xf32, #tpu.memory_space<vmem>>, vector<16xf32>,
        %mul3A_236 = arith.constant 6 : i32
        %mul3A_237 = arith.muli %scan3A_216, %mul3A_236 : i32
        %add3A_238 = arith.constant 0 : i32
        %add3A_239 = arith.addi %mul3A_237, %add3A_238 : i32
        %get3A_240 = arith.constant 1 : i32
        %get3A_241 = arith.index_cast %get3A_240 : i32 to index
        %get3A_242 = arith.index_cast %add3A_239 : i32 to index
        %get3A_243 = arith.constant 0 : index
        %get3A_244 = tpu.vector_load %arg8[%get3A_241, %get3A_242, %get3A_243] {strides = array<i32>} : memref<2x192x64xf32, #tpu.memory_space<vmem>>, vector<16xf32>,
        %mul3A_245 = arith.mulf %get3A_244, %get3A_220 : vector<16xf32>
        %add3A_246 = arith.constant 0 : i32
        %add3A_247 = arith.addi %mul3A_237, %add3A_246 : i32
        %get3A_248 = arith.constant 1 : i32
        %get3A_249 = arith.index_cast %get3A_248 : i32 to index
        %get3A_250 = arith.index_cast %add3A_247 : i32 to index
        %get3A_251 = arith.constant 16 : index
        %get3A_252 = tpu.vector_load %arg8[%get3A_249, %get3A_250, %get3A_251] {strides = array<i32>} : memref<2x192x64xf32, #tpu.memory_space<vmem>>, vector<16xf32>,
        %mul3A_253 = arith.mulf %get3A_252, %get3A_225 : vector<16xf32>
        %add3A_254 = arith.addf %mul3A_245, %mul3A_253 : vector<16xf32>
        %add3A_255 = arith.constant 0 : i32
        %add3A_256 = arith.addi %mul3A_237, %add3A_255 : i32
        %get3A_257 = arith.constant 1 : i32
        %get3A_258 = arith.index_cast %get3A_257 : i32 to index
        %get3A_259 = arith.index_cast %add3A_256 : i32 to index
        %get3A_260 = arith.constant 32 : index
        %get3A_261 = tpu.vector_load %arg8[%get3A_258, %get3A_259, %get3A_260] {strides = array<i32>} : memref<2x192x64xf32, #tpu.memory_space<vmem>>, vector<16xf32>,
        %mul3A_262 = arith.mulf %get3A_261, %get3A_230 : vector<16xf32>
        %add3A_263 = arith.addf %add3A_254, %mul3A_262 : vector<16xf32>
        %add3A_264 = arith.constant 0 : i32
        %add3A_265 = arith.addi %mul3A_237, %add3A_264 : i32
        %get3A_266 = arith.constant 1 : i32
        %get3A_267 = arith.index_cast %get3A_266 : i32 to index
        %get3A_268 = arith.index_cast %add3A_265 : i32 to index
        %get3A_269 = arith.constant 48 : index
        %get3A_270 = tpu.vector_load %arg8[%get3A_267, %get3A_268, %get3A_269] {strides = array<i32>} : memref<2x192x64xf32, #tpu.memory_space<vmem>>, vector<16xf32>,
        %mul3A_271 = arith.mulf %get3A_270, %get3A_235 : vector<16xf32>
        %add3A_272 = arith.addf %add3A_263, %mul3A_271 : vector<16xf32>
        %mul3A_273 = arith.constant 6 : i32
        %mul3A_274 = arith.muli %scan3A_216, %mul3A_273 : i32
        %add3A_275 = arith.constant 0 : i32
        %add3A_276 = arith.addi %mul3A_274, %add3A_275 : i32
        %broadcast_in_dim3A = vector.broadcast %add3A_276 : i32 to vector<16xi32>
        %broadcast_in_dim3A_277 = arith.constant true
        %broadcast_in_dim3A_278 = vector.broadcast %broadcast_in_dim3A_277 : i1 to vector<16xi1>
        %masked_cumsum3A = tpu.scan <sum>, %add3A_272 masked %broadcast_in_dim3A_278 : vector<16xf32>, vector<16xi1> -> vector<16xf32>
        tpu.vector_store_idx %arg10[%broadcast_in_dim3A], %masked_cumsum3A masked %eq3A_6 : memref<192xf32, #tpu.memory_space<vmem>>[vector<16xi32>], vector<16xf32>, vector<16xi1>
        %add3A_279 = arith.constant 1 : i32
        %add3A_280 = arith.addi %mul3A_237, %add3A_279 : i32
        %get3A_281 = arith.constant 1 : i32
        %get3A_282 = arith.index_cast %get3A_281 : i32 to index
        %get3A_283 = arith.index_cast %add3A_280 : i32 to index
        %get3A_284 = arith.constant 0 : index
        %get3A_285 = tpu.vector_load %arg8[%get3A_282, %get3A_283, %get3A_284] {strides = array<i32>} : memref<2x192x64xf32, #tpu.memory_space<vmem>>, vector<16xf32>,
        %mul3A_286 = arith.mulf %get3A_285, %get3A_220 : vector<16xf32>
        %add3A_287 = arith.constant 1 : i32
        %add3A_288 = arith.addi %mul3A_237, %add3A_287 : i32
        %get3A_289 = arith.constant 1 : i32
        %get3A_290 = arith.index_cast %get3A_289 : i32 to index
        %get3A_291 = arith.index_cast %add3A_288 : i32 to index
        %get3A_292 = arith.constant 16 : index
        %get3A_293 = tpu.vector_load %arg8[%get3A_290, %get3A_291, %get3A_292] {strides = array<i32>} : memref<2x192x64xf32, #tpu.memory_space<vmem>>, vector<16xf32>,
        %mul3A_294 = arith.mulf %get3A_293, %get3A_225 : vector<16xf32>
        %add3A_295 = arith.addf %mul3A_286, %mul3A_294 : vector<16xf32>
        %add3A_296 = arith.constant 1 : i32
        %add3A_297 = arith.addi %mul3A_237, %add3A_296 : i32
        %get3A_298 = arith.constant 1 : i32
        %get3A_299 = arith.index_cast %get3A_298 : i32 to index
        %get3A_300 = arith.index_cast %add3A_297 : i32 to index
        %get3A_301 = arith.constant 32 : index
        %get3A_302 = tpu.vector_load %arg8[%get3A_299, %get3A_300, %get3A_301] {strides = array<i32>} : memref<2x192x64xf32, #tpu.memory_space<vmem>>, vector<16xf32>,
        %mul3A_303 = arith.mulf %get3A_302, %get3A_230 : vector<16xf32>
        %add3A_304 = arith.addf %add3A_295, %mul3A_303 : vector<16xf32>
        %add3A_305 = arith.constant 1 : i32
        %add3A_306 = arith.addi %mul3A_237, %add3A_305 : i32
        %get3A_307 = arith.constant 1 : i32
        %get3A_308 = arith.index_cast %get3A_307 : i32 to index
        %get3A_309 = arith.index_cast %add3A_306 : i32 to index
        %get3A_310 = arith.constant 48 : index
        %get3A_311 = tpu.vector_load %arg8[%get3A_308, %get3A_309, %get3A_310] {strides = array<i32>} : memref<2x192x64xf32, #tpu.memory_space<vmem>>, vector<16xf32>,
        %mul3A_312 = arith.mulf %get3A_311, %get3A_235 : vector<16xf32>
        %add3A_313 = arith.addf %add3A_304, %mul3A_312 : vector<16xf32>
        %mul3A_314 = arith.constant 6 : i32
        %mul3A_315 = arith.muli %scan3A_216, %mul3A_314 : i32
        %add3A_316 = arith.constant 1 : i32
        %add3A_317 = arith.addi %mul3A_315, %add3A_316 : i32
        %broadcast_in_dim3A_318 = vector.broadcast %add3A_317 : i32 to vector<16xi32>
        %broadcast_in_dim3A_319 = arith.constant true
        %broadcast_in_dim3A_320 = vector.broadcast %broadcast_in_dim3A_319 : i1 to vector<16xi1>
        %masked_cumsum3A_321 = tpu.scan <sum>, %add3A_313 masked %broadcast_in_dim3A_320 : vector<16xf32>, vector<16xi1> -> vector<16xf32>
        tpu.vector_store_idx %arg10[%broadcast_in_dim3A_318], %masked_cumsum3A_321 masked %eq3A_6 : memref<192xf32, #tpu.memory_space<vmem>>[vector<16xi32>], vector<16xf32>, vector<16xi1>
        %add3A_322 = arith.constant 2 : i32
        %add3A_323 = arith.addi %mul3A_237, %add3A_322 : i32
        %get3A_324 = arith.constant 1 : i32
        %get3A_325 = arith.index_cast %get3A_324 : i32 to index
        %get3A_326 = arith.index_cast %add3A_323 : i32 to index
        %get3A_327 = arith.constant 0 : index
        %get3A_328 = tpu.vector_load %arg8[%get3A_325, %get3A_326, %get3A_327] {strides = array<i32>} : memref<2x192x64xf32, #tpu.memory_space<vmem>>, vector<16xf32>,
        %mul3A_329 = arith.mulf %get3A_328, %get3A_220 : vector<16xf32>
        %add3A_330 = arith.constant 2 : i32
        %add3A_331 = arith.addi %mul3A_237, %add3A_330 : i32
        %get3A_332 = arith.constant 1 : i32
        %get3A_333 = arith.index_cast %get3A_332 : i32 to index
        %get3A_334 = arith.index_cast %add3A_331 : i32 to index
        %get3A_335 = arith.constant 16 : index
        %get3A_336 = tpu.vector_load %arg8[%get3A_333, %get3A_334, %get3A_335] {strides = array<i32>} : memref<2x192x64xf32, #tpu.memory_space<vmem>>, vector<16xf32>,
        %mul3A_337 = arith.mulf %get3A_336, %get3A_225 : vector<16xf32>
        %add3A_338 = arith.addf %mul3A_329, %mul3A_337 : vector<16xf32>
        %add3A_339 = arith.constant 2 : i32
        %add3A_340 = arith.addi %mul3A_237, %add3A_339 : i32
        %get3A_341 = arith.constant 1 : i32
        %get3A_342 = arith.index_cast %get3A_341 : i32 to index
        %get3A_343 = arith.index_cast %add3A_340 : i32 to index
        %get3A_344 = arith.constant 32 : index
        %get3A_345 = tpu.vector_load %arg8[%get3A_342, %get3A_343, %get3A_344] {strides = array<i32>} : memref<2x192x64xf32, #tpu.memory_space<vmem>>, vector<16xf32>,
        %mul3A_346 = arith.mulf %get3A_345, %get3A_230 : vector<16xf32>
        %add3A_347 = arith.addf %add3A_338, %mul3A_346 : vector<16xf32>
        %add3A_348 = arith.constant 2 : i32
        %add3A_349 = arith.addi %mul3A_237, %add3A_348 : i32
        %get3A_350 = arith.constant 1 : i32
        %get3A_351 = arith.index_cast %get3A_350 : i32 to index
        %get3A_352 = arith.index_cast %add3A_349 : i32 to index
        %get3A_353 = arith.constant 48 : index
        %get3A_354 = tpu.vector_load %arg8[%get3A_351, %get3A_352, %get3A_353] {strides = array<i32>} : memref<2x192x64xf32, #tpu.memory_space<vmem>>, vector<16xf32>,
        %mul3A_355 = arith.mulf %get3A_354, %get3A_235 : vector<16xf32>
        %add3A_356 = arith.addf %add3A_347, %mul3A_355 : vector<16xf32>
        %mul3A_357 = arith.constant 6 : i32
        %mul3A_358 = arith.muli %scan3A_216, %mul3A_357 : i32
        %add3A_359 = arith.constant 2 : i32
        %add3A_360 = arith.addi %mul3A_358, %add3A_359 : i32
        %broadcast_in_dim3A_361 = vector.broadcast %add3A_360 : i32 to vector<16xi32>
        %broadcast_in_dim3A_362 = arith.constant true
        %broadcast_in_dim3A_363 = vector.broadcast %broadcast_in_dim3A_362 : i1 to vector<16xi1>
        %masked_cumsum3A_364 = tpu.scan <sum>, %add3A_356 masked %broadcast_in_dim3A_363 : vector<16xf32>, vector<16xi1> -> vector<16xf32>
        tpu.vector_store_idx %arg10[%broadcast_in_dim3A_361], %masked_cumsum3A_364 masked %eq3A_6 : memref<192xf32, #tpu.memory_space<vmem>>[vector<16xi32>], vector<16xf32>, vector<16xi1>
        %add3A_365 = arith.constant 3 : i32
        %add3A_366 = arith.addi %mul3A_237, %add3A_365 : i32
        %get3A_367 = arith.constant 1 : i32
        %get3A_368 = arith.index_cast %get3A_367 : i32 to index
        %get3A_369 = arith.index_cast %add3A_366 : i32 to index
        %get3A_370 = arith.constant 0 : index
        %get3A_371 = tpu.vector_load %arg8[%get3A_368, %get3A_369, %get3A_370] {strides = array<i32>} : memref<2x192x64xf32, #tpu.memory_space<vmem>>, vector<16xf32>,
        %mul3A_372 = arith.mulf %get3A_371, %get3A_220 : vector<16xf32>
        %add3A_373 = arith.constant 3 : i32
        %add3A_374 = arith.addi %mul3A_237, %add3A_373 : i32
        %get3A_375 = arith.constant 1 : i32
        %get3A_376 = arith.index_cast %get3A_375 : i32 to index
        %get3A_377 = arith.index_cast %add3A_374 : i32 to index
        %get3A_378 = arith.constant 16 : index
        %get3A_379 = tpu.vector_load %arg8[%get3A_376, %get3A_377, %get3A_378] {strides = array<i32>} : memref<2x192x64xf32, #tpu.memory_space<vmem>>, vector<16xf32>,
        %mul3A_380 = arith.mulf %get3A_379, %get3A_225 : vector<16xf32>
        %add3A_381 = arith.addf %mul3A_372, %mul3A_380 : vector<16xf32>
        %add3A_382 = arith.constant 3 : i32
        %add3A_383 = arith.addi %mul3A_237, %add3A_382 : i32
        %get3A_384 = arith.constant 1 : i32
        %get3A_385 = arith.index_cast %get3A_384 : i32 to index
        %get3A_386 = arith.index_cast %add3A_383 : i32 to index
        %get3A_387 = arith.constant 32 : index
        %get3A_388 = tpu.vector_load %arg8[%get3A_385, %get3A_386, %get3A_387] {strides = array<i32>} : memref<2x192x64xf32, #tpu.memory_space<vmem>>, vector<16xf32>,
        %mul3A_389 = arith.mulf %get3A_388, %get3A_230 : vector<16xf32>
        %add3A_390 = arith.addf %add3A_381, %mul3A_389 : vector<16xf32>
        %add3A_391 = arith.constant 3 : i32
        %add3A_392 = arith.addi %mul3A_237, %add3A_391 : i32
        %get3A_393 = arith.constant 1 : i32
        %get3A_394 = arith.index_cast %get3A_393 : i32 to index
        %get3A_395 = arith.index_cast %add3A_392 : i32 to index
        %get3A_396 = arith.constant 48 : index
        %get3A_397 = tpu.vector_load %arg8[%get3A_394, %get3A_395, %get3A_396] {strides = array<i32>} : memref<2x192x64xf32, #tpu.memory_space<vmem>>, vector<16xf32>,
        %mul3A_398 = arith.mulf %get3A_397, %get3A_235 : vector<16xf32>
        %add3A_399 = arith.addf %add3A_390, %mul3A_398 : vector<16xf32>
        %mul3A_400 = arith.constant 6 : i32
        %mul3A_401 = arith.muli %scan3A_216, %mul3A_400 : i32
        %add3A_402 = arith.constant 3 : i32
        %add3A_403 = arith.addi %mul3A_401, %add3A_402 : i32
        %broadcast_in_dim3A_404 = vector.broadcast %add3A_403 : i32 to vector<16xi32>
        %broadcast_in_dim3A_405 = arith.constant true
        %broadcast_in_dim3A_406 = vector.broadcast %broadcast_in_dim3A_405 : i1 to vector<16xi1>
        %masked_cumsum3A_407 = tpu.scan <sum>, %add3A_399 masked %broadcast_in_dim3A_406 : vector<16xf32>, vector<16xi1> -> vector<16xf32>
        tpu.vector_store_idx %arg10[%broadcast_in_dim3A_404], %masked_cumsum3A_407 masked %eq3A_6 : memref<192xf32, #tpu.memory_space<vmem>>[vector<16xi32>], vector<16xf32>, vector<16xi1>
        %add3A_408 = arith.constant 4 : i32
        %add3A_409 = arith.addi %mul3A_237, %add3A_408 : i32
        %get3A_410 = arith.constant 1 : i32
        %get3A_411 = arith.index_cast %get3A_410 : i32 to index
        %get3A_412 = arith.index_cast %add3A_409 : i32 to index
        %get3A_413 = arith.constant 0 : index
        %get3A_414 = tpu.vector_load %arg8[%get3A_411, %get3A_412, %get3A_413] {strides = array<i32>} : memref<2x192x64xf32, #tpu.memory_space<vmem>>, vector<16xf32>,
        %mul3A_415 = arith.mulf %get3A_414, %get3A_220 : vector<16xf32>
        %add3A_416 = arith.constant 4 : i32
        %add3A_417 = arith.addi %mul3A_237, %add3A_416 : i32
        %get3A_418 = arith.constant 1 : i32
        %get3A_419 = arith.index_cast %get3A_418 : i32 to index
        %get3A_420 = arith.index_cast %add3A_417 : i32 to index
        %get3A_421 = arith.constant 16 : index
        %get3A_422 = tpu.vector_load %arg8[%get3A_419, %get3A_420, %get3A_421] {strides = array<i32>} : memref<2x192x64xf32, #tpu.memory_space<vmem>>, vector<16xf32>,
        %mul3A_423 = arith.mulf %get3A_422, %get3A_225 : vector<16xf32>
        %add3A_424 = arith.addf %mul3A_415, %mul3A_423 : vector<16xf32>
        %add3A_425 = arith.constant 4 : i32
        %add3A_426 = arith.addi %mul3A_237, %add3A_425 : i32
        %get3A_427 = arith.constant 1 : i32
        %get3A_428 = arith.index_cast %get3A_427 : i32 to index
        %get3A_429 = arith.index_cast %add3A_426 : i32 to index
        %get3A_430 = arith.constant 32 : index
        %get3A_431 = tpu.vector_load %arg8[%get3A_428, %get3A_429, %get3A_430] {strides = array<i32>} : memref<2x192x64xf32, #tpu.memory_space<vmem>>, vector<16xf32>,
        %mul3A_432 = arith.mulf %get3A_431, %get3A_230 : vector<16xf32>
        %add3A_433 = arith.addf %add3A_424, %mul3A_432 : vector<16xf32>
        %add3A_434 = arith.constant 4 : i32
        %add3A_435 = arith.addi %mul3A_237, %add3A_434 : i32
        %get3A_436 = arith.constant 1 : i32
        %get3A_437 = arith.index_cast %get3A_436 : i32 to index
        %get3A_438 = arith.index_cast %add3A_435 : i32 to index
        %get3A_439 = arith.constant 48 : index
        %get3A_440 = tpu.vector_load %arg8[%get3A_437, %get3A_438, %get3A_439] {strides = array<i32>} : memref<2x192x64xf32, #tpu.memory_space<vmem>>, vector<16xf32>,
        %mul3A_441 = arith.mulf %get3A_440, %get3A_235 : vector<16xf32>
        %add3A_442 = arith.addf %add3A_433, %mul3A_441 : vector<16xf32>
        %mul3A_443 = arith.constant 6 : i32
        %mul3A_444 = arith.muli %scan3A_216, %mul3A_443 : i32
        %add3A_445 = arith.constant 4 : i32
        %add3A_446 = arith.addi %mul3A_444, %add3A_445 : i32
        %broadcast_in_dim3A_447 = vector.broadcast %add3A_446 : i32 to vector<16xi32>
        %broadcast_in_dim3A_448 = arith.constant true
        %broadcast_in_dim3A_449 = vector.broadcast %broadcast_in_dim3A_448 : i1 to vector<16xi1>
        %masked_cumsum3A_450 = tpu.scan <sum>, %add3A_442 masked %broadcast_in_dim3A_449 : vector<16xf32>, vector<16xi1> -> vector<16xf32>
        tpu.vector_store_idx %arg10[%broadcast_in_dim3A_447], %masked_cumsum3A_450 masked %eq3A_6 : memref<192xf32, #tpu.memory_space<vmem>>[vector<16xi32>], vector<16xf32>, vector<16xi1>
        %add3A_451 = arith.constant 5 : i32
        %add3A_452 = arith.addi %mul3A_237, %add3A_451 : i32
        %get3A_453 = arith.constant 1 : i32
        %get3A_454 = arith.index_cast %get3A_453 : i32 to index
        %get3A_455 = arith.index_cast %add3A_452 : i32 to index
        %get3A_456 = arith.constant 0 : index
        %get3A_457 = tpu.vector_load %arg8[%get3A_454, %get3A_455, %get3A_456] {strides = array<i32>} : memref<2x192x64xf32, #tpu.memory_space<vmem>>, vector<16xf32>,
        %mul3A_458 = arith.mulf %get3A_457, %get3A_220 : vector<16xf32>
        %add3A_459 = arith.constant 5 : i32
        %add3A_460 = arith.addi %mul3A_237, %add3A_459 : i32
        %get3A_461 = arith.constant 1 : i32
        %get3A_462 = arith.index_cast %get3A_461 : i32 to index
        %get3A_463 = arith.index_cast %add3A_460 : i32 to index
        %get3A_464 = arith.constant 16 : index
        %get3A_465 = tpu.vector_load %arg8[%get3A_462, %get3A_463, %get3A_464] {strides = array<i32>} : memref<2x192x64xf32, #tpu.memory_space<vmem>>, vector<16xf32>,
        %mul3A_466 = arith.mulf %get3A_465, %get3A_225 : vector<16xf32>
        %add3A_467 = arith.addf %mul3A_458, %mul3A_466 : vector<16xf32>
        %add3A_468 = arith.constant 5 : i32
        %add3A_469 = arith.addi %mul3A_237, %add3A_468 : i32
        %get3A_470 = arith.constant 1 : i32
        %get3A_471 = arith.index_cast %get3A_470 : i32 to index
        %get3A_472 = arith.index_cast %add3A_469 : i32 to index
        %get3A_473 = arith.constant 32 : index
        %get3A_474 = tpu.vector_load %arg8[%get3A_471, %get3A_472, %get3A_473] {strides = array<i32>} : memref<2x192x64xf32, #tpu.memory_space<vmem>>, vector<16xf32>,
        %mul3A_475 = arith.mulf %get3A_474, %get3A_230 : vector<16xf32>
        %add3A_476 = arith.addf %add3A_467, %mul3A_475 : vector<16xf32>
        %add3A_477 = arith.constant 5 : i32
        %add3A_478 = arith.addi %mul3A_237, %add3A_477 : i32
        %get3A_479 = arith.constant 1 : i32
        %get3A_480 = arith.index_cast %get3A_479 : i32 to index
        %get3A_481 = arith.index_cast %add3A_478 : i32 to index
        %get3A_482 = arith.constant 48 : index
        %get3A_483 = tpu.vector_load %arg8[%get3A_480, %get3A_481, %get3A_482] {strides = array<i32>} : memref<2x192x64xf32, #tpu.memory_space<vmem>>, vector<16xf32>,
        %mul3A_484 = arith.mulf %get3A_483, %get3A_235 : vector<16xf32>
        %add3A_485 = arith.addf %add3A_476, %mul3A_484 : vector<16xf32>
        %mul3A_486 = arith.constant 6 : i32
        %mul3A_487 = arith.muli %scan3A_216, %mul3A_486 : i32
        %add3A_488 = arith.constant 5 : i32
        %add3A_489 = arith.addi %mul3A_487, %add3A_488 : i32
        %broadcast_in_dim3A_490 = vector.broadcast %add3A_489 : i32 to vector<16xi32>
        %broadcast_in_dim3A_491 = arith.constant true
        %broadcast_in_dim3A_492 = vector.broadcast %broadcast_in_dim3A_491 : i1 to vector<16xi1>
        %masked_cumsum3A_493 = tpu.scan <sum>, %add3A_485 masked %broadcast_in_dim3A_492 : vector<16xf32>, vector<16xi1> -> vector<16xf32>
        tpu.vector_store_idx %arg10[%broadcast_in_dim3A_490], %masked_cumsum3A_493 masked %eq3A_6 : memref<192xf32, #tpu.memory_space<vmem>>[vector<16xi32>], vector<16xf32>, vector<16xi1>
      }
      %scan3A_203 = arith.constant 32 : i32
      %mul3A_204 = arith.constant 32 : i32
      %mul3A_205 = arith.muli %add3A_161, %mul3A_204 : i32
      %add3A_206 = arith.addi %mul3A_2, %mul3A_205 : i32
      %mul3A_207 = arith.constant 6 : i32
      %mul3A_208 = arith.muli %add3A_206, %mul3A_207 : i32
      "tpu.region"() ({
        %run_scoped3A = tpu.sem_alloc : memref<!tpu.dma_semaphore, #tpu.memory_space<semaphore_mem>>
        %dma_start3A_216 = tpu.memref_slice %arg5[%mul3A_208] : memref<98304xf32, #tpu.memory_space<hbm>> -> memref<192xf32, #tpu.memory_space<hbm>>
        %dma_start3A_217 = tpu.memref_slice %arg5[%mul3A_208] : memref<98304xf32, #tpu.memory_space<hbm>> -> memref<192xf32, #tpu.memory_space<hbm>>
        tpu.enqueue_dma source(%arg10 : memref<192xf32, #tpu.memory_space<vmem>>) target(%dma_start3A_217 : memref<192xf32, #tpu.memory_space<hbm>>) target_semaphore(%run_scoped3A : memref<!tpu.dma_semaphore, #tpu.memory_space<semaphore_mem>>)
        %dma_wait3A_218 = tpu.memref_slice %arg5[%mul3A_208] : memref<98304xf32, #tpu.memory_space<hbm>> -> memref<192xf32, #tpu.memory_space<hbm>>
        %dma_wait3A_219 = tpu.memref_slice %arg5[%mul3A_208] : memref<98304xf32, #tpu.memory_space<hbm>> -> memref<192xf32, #tpu.memory_space<hbm>>
        tpu.wait_dma2 semaphore(%run_scoped3A : memref<!tpu.dma_semaphore, #tpu.memory_space<semaphore_mem>>) src(%arg10 : memref<192xf32, #tpu.memory_space<vmem>>) dst(%dma_wait3A_219 : memref<192xf32, #tpu.memory_space<hbm>>)
        tpu.yield
      }) : () -> ()
      %add3A_209 = arith.constant 2 : i32
      %add3A_210 = arith.addi %add3A_161, %add3A_209 : i32
      %lt3A_211 = arith.constant 16 : i32
      %lt3A_212 = arith.cmpi slt, %add3A_210, %lt3A_211 : i32
      %convert_element_type3A_213 = arith.extui %lt3A_212 : i1 to i32
      %cond3A_214 = arith.constant 0 : i32
      %cond3A_215 = arith.cmpi ne, %convert_element_type3A_213, %cond3A_214 : i32
      scf.if %cond3A_215 {
        %add3A_216 = arith.constant 2 : i32
        %add3A_217 = arith.addi %add3A_161, %add3A_216 : i32
        %mul3A_218 = arith.constant 192 : i32
        %mul3A_219 = arith.muli %add3A_217, %mul3A_218 : i32
        %add3A_220 = arith.addi %mul3A_4, %mul3A_219 : i32
        "tpu.region"() ({
          %run_scoped3A = tpu.sem_alloc : memref<!tpu.dma_semaphore, #tpu.memory_space<semaphore_mem>>
          %dma_start3A_266 = tpu.memref_slice %arg2[%add3A_220] : memref<98304xi32, #tpu.memory_space<hbm>> -> memref<192xi32, #tpu.memory_space<hbm>>
          %dma_start3A_267 = tpu.memref_slice %arg2[%add3A_220] : memref<98304xi32, #tpu.memory_space<hbm>> -> memref<192xi32, #tpu.memory_space<hbm>>
          tpu.enqueue_dma source(%dma_start3A_267 : memref<192xi32, #tpu.memory_space<hbm>>) target(%arg7 : memref<192xi32, #tpu.memory_space<vmem>>) target_semaphore(%run_scoped3A : memref<!tpu.dma_semaphore, #tpu.memory_space<semaphore_mem>>)
          %dma_wait3A_268 = tpu.memref_slice %arg2[%add3A_220] : memref<98304xi32, #tpu.memory_space<hbm>> -> memref<192xi32, #tpu.memory_space<hbm>>
          %dma_wait3A_269 = tpu.memref_slice %arg2[%add3A_220] : memref<98304xi32, #tpu.memory_space<hbm>> -> memref<192xi32, #tpu.memory_space<hbm>>
          tpu.wait_dma2 semaphore(%run_scoped3A : memref<!tpu.dma_semaphore, #tpu.memory_space<semaphore_mem>>) src(%dma_wait3A_269 : memref<192xi32, #tpu.memory_space<hbm>>) dst(%arg7 : memref<192xi32, #tpu.memory_space<vmem>>)
          tpu.yield
        }) : () -> ()
        %dma_start3A_221 = arith.constant 1 : i32
        %dma_start3A_222 = arith.constant 1 : i32
        %dma_start3A_223 = arith.constant 0 : i32
        %dma_start3A_224 = arith.constant 0 : i32
        %dma_start3A_225 = tpu.memref_slice %arg8[%dma_start3A_221, %dma_start3A_223, %dma_start3A_224] : memref<2x192x64xf32, #tpu.memory_space<vmem>> -> memref<1x96x64xf32, #tpu.memory_space<vmem>>
        %dma_start3A_226 = tpu.memref_squeeze %dma_start3A_225 : memref<1x96x64xf32, #tpu.memory_space<vmem>> -> memref<96x64xf32, #tpu.memory_space<vmem>>
        %dma_start3A_227 = arith.constant 0 : i32
        %dma_start3A_228 = tpu.memref_slice %arg7[%dma_start3A_227] : memref<192xi32, #tpu.memory_space<vmem>> -> memref<96xi32, #tpu.memory_space<vmem>>
        %dma_start3A_229 = arith.constant 0 : i32
        %dma_start3A_230 = arith.constant 0 : i32
        %dma_start3A_231 = tpu.memref_slice %arg3[%dma_start3A_229, %dma_start3A_230] : memref<1000001x64xf32, #tpu.memory_space<hbm>> -> memref<1000001x64xf32, #tpu.memory_space<hbm>>
        %dma_start3A_232 = tpu.memref_slice %arg11[%dma_start3A_222] : memref<2x!tpu.dma_semaphore, #tpu.memory_space<semaphore_mem>> -> memref<1x!tpu.dma_semaphore, #tpu.memory_space<semaphore_mem>>
        %dma_start3A_233 = tpu.memref_squeeze %dma_start3A_232 : memref<1x!tpu.dma_semaphore, #tpu.memory_space<semaphore_mem>> -> memref<!tpu.dma_semaphore, #tpu.memory_space<semaphore_mem>>
        tpu.enqueue_indirect_dma source(%dma_start3A_231 : memref<1000001x64xf32, #tpu.memory_space<hbm>>) target(%dma_start3A_226 : memref<96x64xf32, #tpu.memory_space<vmem>>) offsets(%dma_start3A_228 : memref<96xi32, #tpu.memory_space<vmem>>) semaphore(%dma_start3A_233 : memref<!tpu.dma_semaphore, #tpu.memory_space<semaphore_mem>>)
        %dma_start3A_234 = arith.constant 1 : i32
        %dma_start3A_235 = arith.constant 1 : i32
        %dma_start3A_236 = arith.constant 96 : i32
        %dma_start3A_237 = arith.constant 0 : i32
        %dma_start3A_238 = tpu.memref_slice %arg8[%dma_start3A_234, %dma_start3A_236, %dma_start3A_237] : memref<2x192x64xf32, #tpu.memory_space<vmem>> -> memref<1x96x64xf32, #tpu.memory_space<vmem>>
        %dma_start3A_239 = tpu.memref_squeeze %dma_start3A_238 : memref<1x96x64xf32, #tpu.memory_space<vmem>> -> memref<96x64xf32, #tpu.memory_space<vmem>>
        %dma_start3A_240 = arith.constant 96 : i32
        %dma_start3A_241 = tpu.memref_slice %arg7[%dma_start3A_240] : memref<192xi32, #tpu.memory_space<vmem>> -> memref<96xi32, #tpu.memory_space<vmem>>
        %dma_start3A_242 = arith.constant 0 : i32
        %dma_start3A_243 = arith.constant 0 : i32
        %dma_start3A_244 = tpu.memref_slice %arg3[%dma_start3A_242, %dma_start3A_243] : memref<1000001x64xf32, #tpu.memory_space<hbm>> -> memref<1000001x64xf32, #tpu.memory_space<hbm>>
        %dma_start3A_245 = tpu.memref_slice %arg11[%dma_start3A_235] : memref<2x!tpu.dma_semaphore, #tpu.memory_space<semaphore_mem>> -> memref<1x!tpu.dma_semaphore, #tpu.memory_space<semaphore_mem>>
        %dma_start3A_246 = tpu.memref_squeeze %dma_start3A_245 : memref<1x!tpu.dma_semaphore, #tpu.memory_space<semaphore_mem>> -> memref<!tpu.dma_semaphore, #tpu.memory_space<semaphore_mem>>
        tpu.enqueue_indirect_dma source(%dma_start3A_244 : memref<1000001x64xf32, #tpu.memory_space<hbm>>) target(%dma_start3A_239 : memref<96x64xf32, #tpu.memory_space<vmem>>) offsets(%dma_start3A_241 : memref<96xi32, #tpu.memory_space<vmem>>) semaphore(%dma_start3A_246 : memref<!tpu.dma_semaphore, #tpu.memory_space<semaphore_mem>>)
        %mul3A_247 = arith.constant 32 : i32
        %mul3A_248 = arith.muli %add3A_217, %mul3A_247 : i32
        %add3A_249 = arith.addi %mul3A_2, %mul3A_248 : i32
        %dma_start3A_250 = arith.constant 1 : i32
        %dma_start3A_251 = arith.constant 1 : i32
        %dma_start3A_252 = arith.constant 0 : i32
        %dma_start3A_253 = arith.constant 0 : i32
        %dma_start3A_254 = tpu.memref_slice %arg9[%dma_start3A_250, %dma_start3A_252, %dma_start3A_253] : memref<2x32x64xf32, #tpu.memory_space<vmem>> -> memref<1x32x64xf32, #tpu.memory_space<vmem>>
        %dma_start3A_255 = tpu.memref_squeeze %dma_start3A_254 : memref<1x32x64xf32, #tpu.memory_space<vmem>> -> memref<32x64xf32, #tpu.memory_space<vmem>>
        %dma_start3A_256 = arith.constant 0 : i32
        %dma_start3A_257 = tpu.memref_slice %arg4[%add3A_249, %dma_start3A_256] : memref<16384x64xf32, #tpu.memory_space<hbm>> -> memref<32x64xf32, #tpu.memory_space<hbm>>
        %dma_start3A_258 = tpu.memref_slice %arg12[%dma_start3A_251] : memref<2x!tpu.dma_semaphore, #tpu.memory_space<semaphore_mem>> -> memref<1x!tpu.dma_semaphore, #tpu.memory_space<semaphore_mem>>
        %dma_start3A_259 = tpu.memref_squeeze %dma_start3A_258 : memref<1x!tpu.dma_semaphore, #tpu.memory_space<semaphore_mem>> -> memref<!tpu.dma_semaphore, #tpu.memory_space<semaphore_mem>>
        %dma_start3A_260 = arith.constant 0 : i32
        %dma_start3A_261 = arith.constant 0 : i32
        %dma_start3A_262 = tpu.memref_slice %arg9[%dma_start3A_250, %dma_start3A_260, %dma_start3A_261] : memref<2x32x64xf32, #tpu.memory_space<vmem>> -> memref<1x32x64xf32, #tpu.memory_space<vmem>>
        %dma_start3A_263 = tpu.memref_squeeze %dma_start3A_262 : memref<1x32x64xf32, #tpu.memory_space<vmem>> -> memref<32x64xf32, #tpu.memory_space<vmem>>
        %dma_start3A_264 = arith.constant 0 : i32
        %dma_start3A_265 = tpu.memref_slice %arg4[%add3A_249, %dma_start3A_264] : memref<16384x64xf32, #tpu.memory_space<hbm>> -> memref<32x64xf32, #tpu.memory_space<hbm>>
        tpu.enqueue_dma source(%dma_start3A_265 : memref<32x64xf32, #tpu.memory_space<hbm>>) target(%dma_start3A_263 : memref<32x64xf32, #tpu.memory_space<vmem>>) target_semaphore(%dma_start3A_259 : memref<!tpu.dma_semaphore, #tpu.memory_space<semaphore_mem>>)
      } else {
      }
    }
    %scan3A_102 = arith.constant 8 : i32
    return
  }
}

#map = affine_map<(d0, d1) -> (0)>
#map1 = affine_map<(d0, d1) -> (0, 0)>
module attributes {stable_mosaic.version = 14 : i64} {
  func.func @_ctx_body(%arg0: i32, %arg1: i32, %arg2: memref<327680xi32, #tpu.memory_space<hbm>>, %arg3: memref<1000001x64xf32, #tpu.memory_space<hbm>>, %arg4: memref<16384x64xf32, #tpu.memory_space<hbm>>, %arg5: memref<640xi32, #tpu.memory_space<vmem>>, %arg6: memref<640xi32, #tpu.memory_space<vmem>>, %arg7: memref<2x640x64xf32, #tpu.memory_space<vmem>>, %arg8: memref<32x64xf32, #tpu.memory_space<vmem>>, %arg9: memref<2x!tpu.dma_semaphore, #tpu.memory_space<semaphore_mem>>) attributes {dimension_semantics = [#tpu.dimension_semantics<core_parallel>, #tpu.dimension_semantics<subcore_parallel>], iteration_bounds = array<i64: 2, 16>, scalar_prefetch = 0 : i64, scratch_operands = 5 : i64, tpu.core_type = #tpu.core_type<sc_vector_subcore>, window_params = [{transform_indices = #map}, {transform_indices = #map1}, {transform_indices = #map1}]} {
    %mul3A = arith.constant 2 : i32
    %mul3A_0 = arith.muli %arg1, %mul3A : i32
    %add3A = arith.addi %mul3A_0, %arg0 : i32
    %mul3A_1 = arith.constant 512 : i32
    %mul3A_2 = arith.muli %add3A, %mul3A_1 : i32
    %mul3A_3 = arith.constant 10240 : i32
    %mul3A_4 = arith.muli %add3A, %mul3A_3 : i32
    %add3A_5 = arith.constant 0 : i32
    %add3A_6 = arith.addi %mul3A_4, %add3A_5 : i32
    "tpu.region"() ({
      %run_scoped3A = tpu.sem_alloc : memref<!tpu.dma_semaphore, #tpu.memory_space<semaphore_mem>>
      %dma_start3A_143 = tpu.memref_slice %arg2[%add3A_6] : memref<327680xi32, #tpu.memory_space<hbm>> -> memref<640xi32, #tpu.memory_space<hbm>>
      %dma_start3A_144 = tpu.memref_slice %arg2[%add3A_6] : memref<327680xi32, #tpu.memory_space<hbm>> -> memref<640xi32, #tpu.memory_space<hbm>>
      tpu.enqueue_dma source(%dma_start3A_144 : memref<640xi32, #tpu.memory_space<hbm>>) target(%arg5 : memref<640xi32, #tpu.memory_space<vmem>>) target_semaphore(%run_scoped3A : memref<!tpu.dma_semaphore, #tpu.memory_space<semaphore_mem>>)
      %dma_wait3A = tpu.memref_slice %arg2[%add3A_6] : memref<327680xi32, #tpu.memory_space<hbm>> -> memref<640xi32, #tpu.memory_space<hbm>>
      %dma_wait3A_145 = tpu.memref_slice %arg2[%add3A_6] : memref<327680xi32, #tpu.memory_space<hbm>> -> memref<640xi32, #tpu.memory_space<hbm>>
      tpu.wait_dma2 semaphore(%run_scoped3A : memref<!tpu.dma_semaphore, #tpu.memory_space<semaphore_mem>>) src(%dma_wait3A_145 : memref<640xi32, #tpu.memory_space<hbm>>) dst(%arg5 : memref<640xi32, #tpu.memory_space<vmem>>)
      tpu.yield
    }) : () -> ()
    %dma_start3A = arith.constant 0 : i32
    %dma_start3A_7 = arith.constant 0 : i32
    %dma_start3A_8 = arith.constant 0 : i32
    %dma_start3A_9 = arith.constant 0 : i32
    %dma_start3A_10 = tpu.memref_slice %arg7[%dma_start3A, %dma_start3A_8, %dma_start3A_9] : memref<2x640x64xf32, #tpu.memory_space<vmem>> -> memref<1x128x64xf32, #tpu.memory_space<vmem>>
    %dma_start3A_11 = tpu.memref_squeeze %dma_start3A_10 : memref<1x128x64xf32, #tpu.memory_space<vmem>> -> memref<128x64xf32, #tpu.memory_space<vmem>>
    %dma_start3A_12 = arith.constant 0 : i32
    %dma_start3A_13 = tpu.memref_slice %arg5[%dma_start3A_12] : memref<640xi32, #tpu.memory_space<vmem>> -> memref<128xi32, #tpu.memory_space<vmem>>
    %dma_start3A_14 = arith.constant 0 : i32
    %dma_start3A_15 = arith.constant 0 : i32
    %dma_start3A_16 = tpu.memref_slice %arg3[%dma_start3A_14, %dma_start3A_15] : memref<1000001x64xf32, #tpu.memory_space<hbm>> -> memref<1000001x64xf32, #tpu.memory_space<hbm>>
    %dma_start3A_17 = tpu.memref_slice %arg9[%dma_start3A_7] : memref<2x!tpu.dma_semaphore, #tpu.memory_space<semaphore_mem>> -> memref<1x!tpu.dma_semaphore, #tpu.memory_space<semaphore_mem>>
    %dma_start3A_18 = tpu.memref_squeeze %dma_start3A_17 : memref<1x!tpu.dma_semaphore, #tpu.memory_space<semaphore_mem>> -> memref<!tpu.dma_semaphore, #tpu.memory_space<semaphore_mem>>
    tpu.enqueue_indirect_dma source(%dma_start3A_16 : memref<1000001x64xf32, #tpu.memory_space<hbm>>) target(%dma_start3A_11 : memref<128x64xf32, #tpu.memory_space<vmem>>) offsets(%dma_start3A_13 : memref<128xi32, #tpu.memory_space<vmem>>) semaphore(%dma_start3A_18 : memref<!tpu.dma_semaphore, #tpu.memory_space<semaphore_mem>>)
    %dma_start3A_19 = arith.constant 0 : i32
    %dma_start3A_20 = arith.constant 0 : i32
    %dma_start3A_21 = arith.constant 128 : i32
    %dma_start3A_22 = arith.constant 0 : i32
    %dma_start3A_23 = tpu.memref_slice %arg7[%dma_start3A_19, %dma_start3A_21, %dma_start3A_22] : memref<2x640x64xf32, #tpu.memory_space<vmem>> -> memref<1x128x64xf32, #tpu.memory_space<vmem>>
    %dma_start3A_24 = tpu.memref_squeeze %dma_start3A_23 : memref<1x128x64xf32, #tpu.memory_space<vmem>> -> memref<128x64xf32, #tpu.memory_space<vmem>>
    %dma_start3A_25 = arith.constant 128 : i32
    %dma_start3A_26 = tpu.memref_slice %arg5[%dma_start3A_25] : memref<640xi32, #tpu.memory_space<vmem>> -> memref<128xi32, #tpu.memory_space<vmem>>
    %dma_start3A_27 = arith.constant 0 : i32
    %dma_start3A_28 = arith.constant 0 : i32
    %dma_start3A_29 = tpu.memref_slice %arg3[%dma_start3A_27, %dma_start3A_28] : memref<1000001x64xf32, #tpu.memory_space<hbm>> -> memref<1000001x64xf32, #tpu.memory_space<hbm>>
    %dma_start3A_30 = tpu.memref_slice %arg9[%dma_start3A_20] : memref<2x!tpu.dma_semaphore, #tpu.memory_space<semaphore_mem>> -> memref<1x!tpu.dma_semaphore, #tpu.memory_space<semaphore_mem>>
    %dma_start3A_31 = tpu.memref_squeeze %dma_start3A_30 : memref<1x!tpu.dma_semaphore, #tpu.memory_space<semaphore_mem>> -> memref<!tpu.dma_semaphore, #tpu.memory_space<semaphore_mem>>
    tpu.enqueue_indirect_dma source(%dma_start3A_29 : memref<1000001x64xf32, #tpu.memory_space<hbm>>) target(%dma_start3A_24 : memref<128x64xf32, #tpu.memory_space<vmem>>) offsets(%dma_start3A_26 : memref<128xi32, #tpu.memory_space<vmem>>) semaphore(%dma_start3A_31 : memref<!tpu.dma_semaphore, #tpu.memory_space<semaphore_mem>>)
    %dma_start3A_32 = arith.constant 0 : i32
    %dma_start3A_33 = arith.constant 0 : i32
    %dma_start3A_34 = arith.constant 256 : i32
    %dma_start3A_35 = arith.constant 0 : i32
    %dma_start3A_36 = tpu.memref_slice %arg7[%dma_start3A_32, %dma_start3A_34, %dma_start3A_35] : memref<2x640x64xf32, #tpu.memory_space<vmem>> -> memref<1x128x64xf32, #tpu.memory_space<vmem>>
    %dma_start3A_37 = tpu.memref_squeeze %dma_start3A_36 : memref<1x128x64xf32, #tpu.memory_space<vmem>> -> memref<128x64xf32, #tpu.memory_space<vmem>>
    %dma_start3A_38 = arith.constant 256 : i32
    %dma_start3A_39 = tpu.memref_slice %arg5[%dma_start3A_38] : memref<640xi32, #tpu.memory_space<vmem>> -> memref<128xi32, #tpu.memory_space<vmem>>
    %dma_start3A_40 = arith.constant 0 : i32
    %dma_start3A_41 = arith.constant 0 : i32
    %dma_start3A_42 = tpu.memref_slice %arg3[%dma_start3A_40, %dma_start3A_41] : memref<1000001x64xf32, #tpu.memory_space<hbm>> -> memref<1000001x64xf32, #tpu.memory_space<hbm>>
    %dma_start3A_43 = tpu.memref_slice %arg9[%dma_start3A_33] : memref<2x!tpu.dma_semaphore, #tpu.memory_space<semaphore_mem>> -> memref<1x!tpu.dma_semaphore, #tpu.memory_space<semaphore_mem>>
    %dma_start3A_44 = tpu.memref_squeeze %dma_start3A_43 : memref<1x!tpu.dma_semaphore, #tpu.memory_space<semaphore_mem>> -> memref<!tpu.dma_semaphore, #tpu.memory_space<semaphore_mem>>
    tpu.enqueue_indirect_dma source(%dma_start3A_42 : memref<1000001x64xf32, #tpu.memory_space<hbm>>) target(%dma_start3A_37 : memref<128x64xf32, #tpu.memory_space<vmem>>) offsets(%dma_start3A_39 : memref<128xi32, #tpu.memory_space<vmem>>) semaphore(%dma_start3A_44 : memref<!tpu.dma_semaphore, #tpu.memory_space<semaphore_mem>>)
    %dma_start3A_45 = arith.constant 0 : i32
    %dma_start3A_46 = arith.constant 0 : i32
    %dma_start3A_47 = arith.constant 384 : i32
    %dma_start3A_48 = arith.constant 0 : i32
    %dma_start3A_49 = tpu.memref_slice %arg7[%dma_start3A_45, %dma_start3A_47, %dma_start3A_48] : memref<2x640x64xf32, #tpu.memory_space<vmem>> -> memref<1x128x64xf32, #tpu.memory_space<vmem>>
    %dma_start3A_50 = tpu.memref_squeeze %dma_start3A_49 : memref<1x128x64xf32, #tpu.memory_space<vmem>> -> memref<128x64xf32, #tpu.memory_space<vmem>>
    %dma_start3A_51 = arith.constant 384 : i32
    %dma_start3A_52 = tpu.memref_slice %arg5[%dma_start3A_51] : memref<640xi32, #tpu.memory_space<vmem>> -> memref<128xi32, #tpu.memory_space<vmem>>
    %dma_start3A_53 = arith.constant 0 : i32
    %dma_start3A_54 = arith.constant 0 : i32
    %dma_start3A_55 = tpu.memref_slice %arg3[%dma_start3A_53, %dma_start3A_54] : memref<1000001x64xf32, #tpu.memory_space<hbm>> -> memref<1000001x64xf32, #tpu.memory_space<hbm>>
    %dma_start3A_56 = tpu.memref_slice %arg9[%dma_start3A_46] : memref<2x!tpu.dma_semaphore, #tpu.memory_space<semaphore_mem>> -> memref<1x!tpu.dma_semaphore, #tpu.memory_space<semaphore_mem>>
    %dma_start3A_57 = tpu.memref_squeeze %dma_start3A_56 : memref<1x!tpu.dma_semaphore, #tpu.memory_space<semaphore_mem>> -> memref<!tpu.dma_semaphore, #tpu.memory_space<semaphore_mem>>
    tpu.enqueue_indirect_dma source(%dma_start3A_55 : memref<1000001x64xf32, #tpu.memory_space<hbm>>) target(%dma_start3A_50 : memref<128x64xf32, #tpu.memory_space<vmem>>) offsets(%dma_start3A_52 : memref<128xi32, #tpu.memory_space<vmem>>) semaphore(%dma_start3A_57 : memref<!tpu.dma_semaphore, #tpu.memory_space<semaphore_mem>>)
    %dma_start3A_58 = arith.constant 0 : i32
    %dma_start3A_59 = arith.constant 0 : i32
    %dma_start3A_60 = arith.constant 512 : i32
    %dma_start3A_61 = arith.constant 0 : i32
    %dma_start3A_62 = tpu.memref_slice %arg7[%dma_start3A_58, %dma_start3A_60, %dma_start3A_61] : memref<2x640x64xf32, #tpu.memory_space<vmem>> -> memref<1x128x64xf32, #tpu.memory_space<vmem>>
    %dma_start3A_63 = tpu.memref_squeeze %dma_start3A_62 : memref<1x128x64xf32, #tpu.memory_space<vmem>> -> memref<128x64xf32, #tpu.memory_space<vmem>>
    %dma_start3A_64 = arith.constant 512 : i32
    %dma_start3A_65 = tpu.memref_slice %arg5[%dma_start3A_64] : memref<640xi32, #tpu.memory_space<vmem>> -> memref<128xi32, #tpu.memory_space<vmem>>
    %dma_start3A_66 = arith.constant 0 : i32
    %dma_start3A_67 = arith.constant 0 : i32
    %dma_start3A_68 = tpu.memref_slice %arg3[%dma_start3A_66, %dma_start3A_67] : memref<1000001x64xf32, #tpu.memory_space<hbm>> -> memref<1000001x64xf32, #tpu.memory_space<hbm>>
    %dma_start3A_69 = tpu.memref_slice %arg9[%dma_start3A_59] : memref<2x!tpu.dma_semaphore, #tpu.memory_space<semaphore_mem>> -> memref<1x!tpu.dma_semaphore, #tpu.memory_space<semaphore_mem>>
    %dma_start3A_70 = tpu.memref_squeeze %dma_start3A_69 : memref<1x!tpu.dma_semaphore, #tpu.memory_space<semaphore_mem>> -> memref<!tpu.dma_semaphore, #tpu.memory_space<semaphore_mem>>
    tpu.enqueue_indirect_dma source(%dma_start3A_68 : memref<1000001x64xf32, #tpu.memory_space<hbm>>) target(%dma_start3A_63 : memref<128x64xf32, #tpu.memory_space<vmem>>) offsets(%dma_start3A_65 : memref<128xi32, #tpu.memory_space<vmem>>) semaphore(%dma_start3A_70 : memref<!tpu.dma_semaphore, #tpu.memory_space<semaphore_mem>>)
    %add3A_71 = arith.constant 640 : i32
    %add3A_72 = arith.addi %mul3A_4, %add3A_71 : i32
    "tpu.region"() ({
      %run_scoped3A = tpu.sem_alloc : memref<!tpu.dma_semaphore, #tpu.memory_space<semaphore_mem>>
      %dma_start3A_143 = tpu.memref_slice %arg2[%add3A_72] : memref<327680xi32, #tpu.memory_space<hbm>> -> memref<640xi32, #tpu.memory_space<hbm>>
      %dma_start3A_144 = tpu.memref_slice %arg2[%add3A_72] : memref<327680xi32, #tpu.memory_space<hbm>> -> memref<640xi32, #tpu.memory_space<hbm>>
      tpu.enqueue_dma source(%dma_start3A_144 : memref<640xi32, #tpu.memory_space<hbm>>) target(%arg6 : memref<640xi32, #tpu.memory_space<vmem>>) target_semaphore(%run_scoped3A : memref<!tpu.dma_semaphore, #tpu.memory_space<semaphore_mem>>)
      %dma_wait3A = tpu.memref_slice %arg2[%add3A_72] : memref<327680xi32, #tpu.memory_space<hbm>> -> memref<640xi32, #tpu.memory_space<hbm>>
      %dma_wait3A_145 = tpu.memref_slice %arg2[%add3A_72] : memref<327680xi32, #tpu.memory_space<hbm>> -> memref<640xi32, #tpu.memory_space<hbm>>
      tpu.wait_dma2 semaphore(%run_scoped3A : memref<!tpu.dma_semaphore, #tpu.memory_space<semaphore_mem>>) src(%dma_wait3A_145 : memref<640xi32, #tpu.memory_space<hbm>>) dst(%arg6 : memref<640xi32, #tpu.memory_space<vmem>>)
      tpu.yield
    }) : () -> ()
    %dma_start3A_73 = arith.constant 1 : i32
    %dma_start3A_74 = arith.constant 1 : i32
    %dma_start3A_75 = arith.constant 0 : i32
    %dma_start3A_76 = arith.constant 0 : i32
    %dma_start3A_77 = tpu.memref_slice %arg7[%dma_start3A_73, %dma_start3A_75, %dma_start3A_76] : memref<2x640x64xf32, #tpu.memory_space<vmem>> -> memref<1x128x64xf32, #tpu.memory_space<vmem>>
    %dma_start3A_78 = tpu.memref_squeeze %dma_start3A_77 : memref<1x128x64xf32, #tpu.memory_space<vmem>> -> memref<128x64xf32, #tpu.memory_space<vmem>>
    %dma_start3A_79 = arith.constant 0 : i32
    %dma_start3A_80 = tpu.memref_slice %arg6[%dma_start3A_79] : memref<640xi32, #tpu.memory_space<vmem>> -> memref<128xi32, #tpu.memory_space<vmem>>
    %dma_start3A_81 = arith.constant 0 : i32
    %dma_start3A_82 = arith.constant 0 : i32
    %dma_start3A_83 = tpu.memref_slice %arg3[%dma_start3A_81, %dma_start3A_82] : memref<1000001x64xf32, #tpu.memory_space<hbm>> -> memref<1000001x64xf32, #tpu.memory_space<hbm>>
    %dma_start3A_84 = tpu.memref_slice %arg9[%dma_start3A_74] : memref<2x!tpu.dma_semaphore, #tpu.memory_space<semaphore_mem>> -> memref<1x!tpu.dma_semaphore, #tpu.memory_space<semaphore_mem>>
    %dma_start3A_85 = tpu.memref_squeeze %dma_start3A_84 : memref<1x!tpu.dma_semaphore, #tpu.memory_space<semaphore_mem>> -> memref<!tpu.dma_semaphore, #tpu.memory_space<semaphore_mem>>
    tpu.enqueue_indirect_dma source(%dma_start3A_83 : memref<1000001x64xf32, #tpu.memory_space<hbm>>) target(%dma_start3A_78 : memref<128x64xf32, #tpu.memory_space<vmem>>) offsets(%dma_start3A_80 : memref<128xi32, #tpu.memory_space<vmem>>) semaphore(%dma_start3A_85 : memref<!tpu.dma_semaphore, #tpu.memory_space<semaphore_mem>>)
    %dma_start3A_86 = arith.constant 1 : i32
    %dma_start3A_87 = arith.constant 1 : i32
    %dma_start3A_88 = arith.constant 128 : i32
    %dma_start3A_89 = arith.constant 0 : i32
    %dma_start3A_90 = tpu.memref_slice %arg7[%dma_start3A_86, %dma_start3A_88, %dma_start3A_89] : memref<2x640x64xf32, #tpu.memory_space<vmem>> -> memref<1x128x64xf32, #tpu.memory_space<vmem>>
    %dma_start3A_91 = tpu.memref_squeeze %dma_start3A_90 : memref<1x128x64xf32, #tpu.memory_space<vmem>> -> memref<128x64xf32, #tpu.memory_space<vmem>>
    %dma_start3A_92 = arith.constant 128 : i32
    %dma_start3A_93 = tpu.memref_slice %arg6[%dma_start3A_92] : memref<640xi32, #tpu.memory_space<vmem>> -> memref<128xi32, #tpu.memory_space<vmem>>
    %dma_start3A_94 = arith.constant 0 : i32
    %dma_start3A_95 = arith.constant 0 : i32
    %dma_start3A_96 = tpu.memref_slice %arg3[%dma_start3A_94, %dma_start3A_95] : memref<1000001x64xf32, #tpu.memory_space<hbm>> -> memref<1000001x64xf32, #tpu.memory_space<hbm>>
    %dma_start3A_97 = tpu.memref_slice %arg9[%dma_start3A_87] : memref<2x!tpu.dma_semaphore, #tpu.memory_space<semaphore_mem>> -> memref<1x!tpu.dma_semaphore, #tpu.memory_space<semaphore_mem>>
    %dma_start3A_98 = tpu.memref_squeeze %dma_start3A_97 : memref<1x!tpu.dma_semaphore, #tpu.memory_space<semaphore_mem>> -> memref<!tpu.dma_semaphore, #tpu.memory_space<semaphore_mem>>
    tpu.enqueue_indirect_dma source(%dma_start3A_96 : memref<1000001x64xf32, #tpu.memory_space<hbm>>) target(%dma_start3A_91 : memref<128x64xf32, #tpu.memory_space<vmem>>) offsets(%dma_start3A_93 : memref<128xi32, #tpu.memory_space<vmem>>) semaphore(%dma_start3A_98 : memref<!tpu.dma_semaphore, #tpu.memory_space<semaphore_mem>>)
    %dma_start3A_99 = arith.constant 1 : i32
    %dma_start3A_100 = arith.constant 1 : i32
    %dma_start3A_101 = arith.constant 256 : i32
    %dma_start3A_102 = arith.constant 0 : i32
    %dma_start3A_103 = tpu.memref_slice %arg7[%dma_start3A_99, %dma_start3A_101, %dma_start3A_102] : memref<2x640x64xf32, #tpu.memory_space<vmem>> -> memref<1x128x64xf32, #tpu.memory_space<vmem>>
    %dma_start3A_104 = tpu.memref_squeeze %dma_start3A_103 : memref<1x128x64xf32, #tpu.memory_space<vmem>> -> memref<128x64xf32, #tpu.memory_space<vmem>>
    %dma_start3A_105 = arith.constant 256 : i32
    %dma_start3A_106 = tpu.memref_slice %arg6[%dma_start3A_105] : memref<640xi32, #tpu.memory_space<vmem>> -> memref<128xi32, #tpu.memory_space<vmem>>
    %dma_start3A_107 = arith.constant 0 : i32
    %dma_start3A_108 = arith.constant 0 : i32
    %dma_start3A_109 = tpu.memref_slice %arg3[%dma_start3A_107, %dma_start3A_108] : memref<1000001x64xf32, #tpu.memory_space<hbm>> -> memref<1000001x64xf32, #tpu.memory_space<hbm>>
    %dma_start3A_110 = tpu.memref_slice %arg9[%dma_start3A_100] : memref<2x!tpu.dma_semaphore, #tpu.memory_space<semaphore_mem>> -> memref<1x!tpu.dma_semaphore, #tpu.memory_space<semaphore_mem>>
    %dma_start3A_111 = tpu.memref_squeeze %dma_start3A_110 : memref<1x!tpu.dma_semaphore, #tpu.memory_space<semaphore_mem>> -> memref<!tpu.dma_semaphore, #tpu.memory_space<semaphore_mem>>
    tpu.enqueue_indirect_dma source(%dma_start3A_109 : memref<1000001x64xf32, #tpu.memory_space<hbm>>) target(%dma_start3A_104 : memref<128x64xf32, #tpu.memory_space<vmem>>) offsets(%dma_start3A_106 : memref<128xi32, #tpu.memory_space<vmem>>) semaphore(%dma_start3A_111 : memref<!tpu.dma_semaphore, #tpu.memory_space<semaphore_mem>>)
    %dma_start3A_112 = arith.constant 1 : i32
    %dma_start3A_113 = arith.constant 1 : i32
    %dma_start3A_114 = arith.constant 384 : i32
    %dma_start3A_115 = arith.constant 0 : i32
    %dma_start3A_116 = tpu.memref_slice %arg7[%dma_start3A_112, %dma_start3A_114, %dma_start3A_115] : memref<2x640x64xf32, #tpu.memory_space<vmem>> -> memref<1x128x64xf32, #tpu.memory_space<vmem>>
    %dma_start3A_117 = tpu.memref_squeeze %dma_start3A_116 : memref<1x128x64xf32, #tpu.memory_space<vmem>> -> memref<128x64xf32, #tpu.memory_space<vmem>>
    %dma_start3A_118 = arith.constant 384 : i32
    %dma_start3A_119 = tpu.memref_slice %arg6[%dma_start3A_118] : memref<640xi32, #tpu.memory_space<vmem>> -> memref<128xi32, #tpu.memory_space<vmem>>
    %dma_start3A_120 = arith.constant 0 : i32
    %dma_start3A_121 = arith.constant 0 : i32
    %dma_start3A_122 = tpu.memref_slice %arg3[%dma_start3A_120, %dma_start3A_121] : memref<1000001x64xf32, #tpu.memory_space<hbm>> -> memref<1000001x64xf32, #tpu.memory_space<hbm>>
    %dma_start3A_123 = tpu.memref_slice %arg9[%dma_start3A_113] : memref<2x!tpu.dma_semaphore, #tpu.memory_space<semaphore_mem>> -> memref<1x!tpu.dma_semaphore, #tpu.memory_space<semaphore_mem>>
    %dma_start3A_124 = tpu.memref_squeeze %dma_start3A_123 : memref<1x!tpu.dma_semaphore, #tpu.memory_space<semaphore_mem>> -> memref<!tpu.dma_semaphore, #tpu.memory_space<semaphore_mem>>
    tpu.enqueue_indirect_dma source(%dma_start3A_122 : memref<1000001x64xf32, #tpu.memory_space<hbm>>) target(%dma_start3A_117 : memref<128x64xf32, #tpu.memory_space<vmem>>) offsets(%dma_start3A_119 : memref<128xi32, #tpu.memory_space<vmem>>) semaphore(%dma_start3A_124 : memref<!tpu.dma_semaphore, #tpu.memory_space<semaphore_mem>>)
    %dma_start3A_125 = arith.constant 1 : i32
    %dma_start3A_126 = arith.constant 1 : i32
    %dma_start3A_127 = arith.constant 512 : i32
    %dma_start3A_128 = arith.constant 0 : i32
    %dma_start3A_129 = tpu.memref_slice %arg7[%dma_start3A_125, %dma_start3A_127, %dma_start3A_128] : memref<2x640x64xf32, #tpu.memory_space<vmem>> -> memref<1x128x64xf32, #tpu.memory_space<vmem>>
    %dma_start3A_130 = tpu.memref_squeeze %dma_start3A_129 : memref<1x128x64xf32, #tpu.memory_space<vmem>> -> memref<128x64xf32, #tpu.memory_space<vmem>>
    %dma_start3A_131 = arith.constant 512 : i32
    %dma_start3A_132 = tpu.memref_slice %arg6[%dma_start3A_131] : memref<640xi32, #tpu.memory_space<vmem>> -> memref<128xi32, #tpu.memory_space<vmem>>
    %dma_start3A_133 = arith.constant 0 : i32
    %dma_start3A_134 = arith.constant 0 : i32
    %dma_start3A_135 = tpu.memref_slice %arg3[%dma_start3A_133, %dma_start3A_134] : memref<1000001x64xf32, #tpu.memory_space<hbm>> -> memref<1000001x64xf32, #tpu.memory_space<hbm>>
    %dma_start3A_136 = tpu.memref_slice %arg9[%dma_start3A_126] : memref<2x!tpu.dma_semaphore, #tpu.memory_space<semaphore_mem>> -> memref<1x!tpu.dma_semaphore, #tpu.memory_space<semaphore_mem>>
    %dma_start3A_137 = tpu.memref_squeeze %dma_start3A_136 : memref<1x!tpu.dma_semaphore, #tpu.memory_space<semaphore_mem>> -> memref<!tpu.dma_semaphore, #tpu.memory_space<semaphore_mem>>
    tpu.enqueue_indirect_dma source(%dma_start3A_135 : memref<1000001x64xf32, #tpu.memory_space<hbm>>) target(%dma_start3A_130 : memref<128x64xf32, #tpu.memory_space<vmem>>) offsets(%dma_start3A_132 : memref<128xi32, #tpu.memory_space<vmem>>) semaphore(%dma_start3A_137 : memref<!tpu.dma_semaphore, #tpu.memory_space<semaphore_mem>>)
    %scan3A = arith.constant 0 : i32
    %scan3A_138 = arith.constant 0 : i32
    %scan3A_139 = arith.constant 8 : i32
    %scan3A_140 = arith.addi %scan3A_138, %scan3A_139 : i32
    %scan3A_141 = arith.constant 1 : i32
    scf.for %scan3A_143 = %scan3A_138 to %scan3A_140 step %scan3A_141  : i32 {
      %mul3A_144 = arith.constant 2 : i32
      %mul3A_145 = arith.muli %scan3A_143, %mul3A_144 : i32
      %add3A_146 = arith.constant 0 : i32
      %add3A_147 = arith.addi %mul3A_145, %add3A_146 : i32
      %dma_wait3A = arith.constant 0 : i32
      %dma_wait3A_148 = arith.constant 0 : i32
      %dma_wait3A_149 = arith.constant 0 : i32
      %dma_wait3A_150 = arith.constant 0 : i32
      %dma_wait3A_151 = tpu.memref_slice %arg7[%dma_wait3A, %dma_wait3A_149, %dma_wait3A_150] : memref<2x640x64xf32, #tpu.memory_space<vmem>> -> memref<1x640x64xf32, #tpu.memory_space<vmem>>
      %dma_wait3A_152 = tpu.memref_squeeze %dma_wait3A_151 : memref<1x640x64xf32, #tpu.memory_space<vmem>> -> memref<640x64xf32, #tpu.memory_space<vmem>>
      %dma_wait3A_153 = arith.constant 0 : i32
      %dma_wait3A_154 = arith.constant 0 : i32
      %dma_wait3A_155 = tpu.memref_slice %arg3[%dma_wait3A_153, %dma_wait3A_154] : memref<1000001x64xf32, #tpu.memory_space<hbm>> -> memref<640x64xf32, #tpu.memory_space<hbm>>
      %dma_wait3A_156 = tpu.memref_slice %arg9[%dma_wait3A_148] : memref<2x!tpu.dma_semaphore, #tpu.memory_space<semaphore_mem>> -> memref<1x!tpu.dma_semaphore, #tpu.memory_space<semaphore_mem>>
      %dma_wait3A_157 = tpu.memref_squeeze %dma_wait3A_156 : memref<1x!tpu.dma_semaphore, #tpu.memory_space<semaphore_mem>> -> memref<!tpu.dma_semaphore, #tpu.memory_space<semaphore_mem>>
      %dma_wait3A_158 = arith.constant 0 : i32
      %dma_wait3A_159 = arith.constant 0 : i32
      %dma_wait3A_160 = tpu.memref_slice %arg7[%dma_wait3A, %dma_wait3A_158, %dma_wait3A_159] : memref<2x640x64xf32, #tpu.memory_space<vmem>> -> memref<1x640x64xf32, #tpu.memory_space<vmem>>
      %dma_wait3A_161 = tpu.memref_squeeze %dma_wait3A_160 : memref<1x640x64xf32, #tpu.memory_space<vmem>> -> memref<640x64xf32, #tpu.memory_space<vmem>>
      %dma_wait3A_162 = arith.constant 0 : i32
      %dma_wait3A_163 = arith.constant 0 : i32
      %dma_wait3A_164 = tpu.memref_slice %arg3[%dma_wait3A_162, %dma_wait3A_163] : memref<1000001x64xf32, #tpu.memory_space<hbm>> -> memref<640x64xf32, #tpu.memory_space<hbm>>
      tpu.wait_dma2 semaphore(%dma_wait3A_157 : memref<!tpu.dma_semaphore, #tpu.memory_space<semaphore_mem>>) src(%dma_wait3A_164 : memref<640x64xf32, #tpu.memory_space<hbm>>) dst(%dma_wait3A_161 : memref<640x64xf32, #tpu.memory_space<vmem>>)
      %scan3A_165 = arith.constant 0 : i32
      %scan3A_166 = arith.constant 0 : i32
      %scan3A_167 = arith.constant 32 : i32
      %scan3A_168 = arith.addi %scan3A_166, %scan3A_167 : i32
      %scan3A_169 = arith.constant 1 : i32
      scf.for %scan3A_216 = %scan3A_166 to %scan3A_168 step %scan3A_169  : i32 {
        %mul3A_217 = arith.constant 20 : i32
        %mul3A_218 = arith.muli %scan3A_216, %mul3A_217 : i32
        %get3A = arith.constant 0 : i32
        %get3A_219 = arith.index_cast %get3A : i32 to index
        %get3A_220 = arith.index_cast %mul3A_218 : i32 to index
        %get3A_221 = arith.constant 0 : index
        %get3A_222 = tpu.vector_load %arg7[%get3A_219, %get3A_220, %get3A_221] {strides = array<i32>} : memref<2x640x64xf32, #tpu.memory_space<vmem>>, vector<16xf32>,
        %get3A_223 = arith.constant 0 : i32
        %get3A_224 = arith.index_cast %get3A_223 : i32 to index
        %get3A_225 = arith.index_cast %mul3A_218 : i32 to index
        %get3A_226 = arith.constant 16 : index
        %get3A_227 = tpu.vector_load %arg7[%get3A_224, %get3A_225, %get3A_226] {strides = array<i32>} : memref<2x640x64xf32, #tpu.memory_space<vmem>>, vector<16xf32>,
        %get3A_228 = arith.constant 0 : i32
        %get3A_229 = arith.index_cast %get3A_228 : i32 to index
        %get3A_230 = arith.index_cast %mul3A_218 : i32 to index
        %get3A_231 = arith.constant 32 : index
        %get3A_232 = tpu.vector_load %arg7[%get3A_229, %get3A_230, %get3A_231] {strides = array<i32>} : memref<2x640x64xf32, #tpu.memory_space<vmem>>, vector<16xf32>,
        %get3A_233 = arith.constant 0 : i32
        %get3A_234 = arith.index_cast %get3A_233 : i32 to index
        %get3A_235 = arith.index_cast %mul3A_218 : i32 to index
        %get3A_236 = arith.constant 48 : index
        %get3A_237 = tpu.vector_load %arg7[%get3A_234, %get3A_235, %get3A_236] {strides = array<i32>} : memref<2x640x64xf32, #tpu.memory_space<vmem>>, vector<16xf32>,
        %add3A_238 = arith.constant 1 : i32
        %add3A_239 = arith.addi %mul3A_218, %add3A_238 : i32
        %get3A_240 = arith.constant 0 : i32
        %get3A_241 = arith.index_cast %get3A_240 : i32 to index
        %get3A_242 = arith.index_cast %add3A_239 : i32 to index
        %get3A_243 = arith.constant 0 : index
        %get3A_244 = tpu.vector_load %arg7[%get3A_241, %get3A_242, %get3A_243] {strides = array<i32>} : memref<2x640x64xf32, #tpu.memory_space<vmem>>, vector<16xf32>,
        %add3A_245 = arith.addf %get3A_222, %get3A_244 : vector<16xf32>
        %add3A_246 = arith.constant 1 : i32
        %add3A_247 = arith.addi %mul3A_218, %add3A_246 : i32
        %get3A_248 = arith.constant 0 : i32
        %get3A_249 = arith.index_cast %get3A_248 : i32 to index
        %get3A_250 = arith.index_cast %add3A_247 : i32 to index
        %get3A_251 = arith.constant 16 : index
        %get3A_252 = tpu.vector_load %arg7[%get3A_249, %get3A_250, %get3A_251] {strides = array<i32>} : memref<2x640x64xf32, #tpu.memory_space<vmem>>, vector<16xf32>,
        %add3A_253 = arith.addf %get3A_227, %get3A_252 : vector<16xf32>
        %add3A_254 = arith.constant 1 : i32
        %add3A_255 = arith.addi %mul3A_218, %add3A_254 : i32
        %get3A_256 = arith.constant 0 : i32
        %get3A_257 = arith.index_cast %get3A_256 : i32 to index
        %get3A_258 = arith.index_cast %add3A_255 : i32 to index
        %get3A_259 = arith.constant 32 : index
        %get3A_260 = tpu.vector_load %arg7[%get3A_257, %get3A_258, %get3A_259] {strides = array<i32>} : memref<2x640x64xf32, #tpu.memory_space<vmem>>, vector<16xf32>,
        %add3A_261 = arith.addf %get3A_232, %get3A_260 : vector<16xf32>
        %add3A_262 = arith.constant 1 : i32
        %add3A_263 = arith.addi %mul3A_218, %add3A_262 : i32
        %get3A_264 = arith.constant 0 : i32
        %get3A_265 = arith.index_cast %get3A_264 : i32 to index
        %get3A_266 = arith.index_cast %add3A_263 : i32 to index
        %get3A_267 = arith.constant 48 : index
        %get3A_268 = tpu.vector_load %arg7[%get3A_265, %get3A_266, %get3A_267] {strides = array<i32>} : memref<2x640x64xf32, #tpu.memory_space<vmem>>, vector<16xf32>,
        %add3A_269 = arith.addf %get3A_237, %get3A_268 : vector<16xf32>
        %add3A_270 = arith.constant 2 : i32
        %add3A_271 = arith.addi %mul3A_218, %add3A_270 : i32
        %get3A_272 = arith.constant 0 : i32
        %get3A_273 = arith.index_cast %get3A_272 : i32 to index
        %get3A_274 = arith.index_cast %add3A_271 : i32 to index
        %get3A_275 = arith.constant 0 : index
        %get3A_276 = tpu.vector_load %arg7[%get3A_273, %get3A_274, %get3A_275] {strides = array<i32>} : memref<2x640x64xf32, #tpu.memory_space<vmem>>, vector<16xf32>,
        %add3A_277 = arith.addf %add3A_245, %get3A_276 : vector<16xf32>
        %add3A_278 = arith.constant 2 : i32
        %add3A_279 = arith.addi %mul3A_218, %add3A_278 : i32
        %get3A_280 = arith.constant 0 : i32
        %get3A_281 = arith.index_cast %get3A_280 : i32 to index
        %get3A_282 = arith.index_cast %add3A_279 : i32 to index
        %get3A_283 = arith.constant 16 : index
        %get3A_284 = tpu.vector_load %arg7[%get3A_281, %get3A_282, %get3A_283] {strides = array<i32>} : memref<2x640x64xf32, #tpu.memory_space<vmem>>, vector<16xf32>,
        %add3A_285 = arith.addf %add3A_253, %get3A_284 : vector<16xf32>
        %add3A_286 = arith.constant 2 : i32
        %add3A_287 = arith.addi %mul3A_218, %add3A_286 : i32
        %get3A_288 = arith.constant 0 : i32
        %get3A_289 = arith.index_cast %get3A_288 : i32 to index
        %get3A_290 = arith.index_cast %add3A_287 : i32 to index
        %get3A_291 = arith.constant 32 : index
        %get3A_292 = tpu.vector_load %arg7[%get3A_289, %get3A_290, %get3A_291] {strides = array<i32>} : memref<2x640x64xf32, #tpu.memory_space<vmem>>, vector<16xf32>,
        %add3A_293 = arith.addf %add3A_261, %get3A_292 : vector<16xf32>
        %add3A_294 = arith.constant 2 : i32
        %add3A_295 = arith.addi %mul3A_218, %add3A_294 : i32
        %get3A_296 = arith.constant 0 : i32
        %get3A_297 = arith.index_cast %get3A_296 : i32 to index
        %get3A_298 = arith.index_cast %add3A_295 : i32 to index
        %get3A_299 = arith.constant 48 : index
        %get3A_300 = tpu.vector_load %arg7[%get3A_297, %get3A_298, %get3A_299] {strides = array<i32>} : memref<2x640x64xf32, #tpu.memory_space<vmem>>, vector<16xf32>,
        %add3A_301 = arith.addf %add3A_269, %get3A_300 : vector<16xf32>
        %add3A_302 = arith.constant 3 : i32
        %add3A_303 = arith.addi %mul3A_218, %add3A_302 : i32
        %get3A_304 = arith.constant 0 : i32
        %get3A_305 = arith.index_cast %get3A_304 : i32 to index
        %get3A_306 = arith.index_cast %add3A_303 : i32 to index
        %get3A_307 = arith.constant 0 : index
        %get3A_308 = tpu.vector_load %arg7[%get3A_305, %get3A_306, %get3A_307] {strides = array<i32>} : memref<2x640x64xf32, #tpu.memory_space<vmem>>, vector<16xf32>,
        %add3A_309 = arith.addf %add3A_277, %get3A_308 : vector<16xf32>
        %add3A_310 = arith.constant 3 : i32
        %add3A_311 = arith.addi %mul3A_218, %add3A_310 : i32
        %get3A_312 = arith.constant 0 : i32
        %get3A_313 = arith.index_cast %get3A_312 : i32 to index
        %get3A_314 = arith.index_cast %add3A_311 : i32 to index
        %get3A_315 = arith.constant 16 : index
        %get3A_316 = tpu.vector_load %arg7[%get3A_313, %get3A_314, %get3A_315] {strides = array<i32>} : memref<2x640x64xf32, #tpu.memory_space<vmem>>, vector<16xf32>,
        %add3A_317 = arith.addf %add3A_285, %get3A_316 : vector<16xf32>
        %add3A_318 = arith.constant 3 : i32
        %add3A_319 = arith.addi %mul3A_218, %add3A_318 : i32
        %get3A_320 = arith.constant 0 : i32
        %get3A_321 = arith.index_cast %get3A_320 : i32 to index
        %get3A_322 = arith.index_cast %add3A_319 : i32 to index
        %get3A_323 = arith.constant 32 : index
        %get3A_324 = tpu.vector_load %arg7[%get3A_321, %get3A_322, %get3A_323] {strides = array<i32>} : memref<2x640x64xf32, #tpu.memory_space<vmem>>, vector<16xf32>,
        %add3A_325 = arith.addf %add3A_293, %get3A_324 : vector<16xf32>
        %add3A_326 = arith.constant 3 : i32
        %add3A_327 = arith.addi %mul3A_218, %add3A_326 : i32
        %get3A_328 = arith.constant 0 : i32
        %get3A_329 = arith.index_cast %get3A_328 : i32 to index
        %get3A_330 = arith.index_cast %add3A_327 : i32 to index
        %get3A_331 = arith.constant 48 : index
        %get3A_332 = tpu.vector_load %arg7[%get3A_329, %get3A_330, %get3A_331] {strides = array<i32>} : memref<2x640x64xf32, #tpu.memory_space<vmem>>, vector<16xf32>,
        %add3A_333 = arith.addf %add3A_301, %get3A_332 : vector<16xf32>
        %add3A_334 = arith.constant 4 : i32
        %add3A_335 = arith.addi %mul3A_218, %add3A_334 : i32
        %get3A_336 = arith.constant 0 : i32
        %get3A_337 = arith.index_cast %get3A_336 : i32 to index
        %get3A_338 = arith.index_cast %add3A_335 : i32 to index
        %get3A_339 = arith.constant 0 : index
        %get3A_340 = tpu.vector_load %arg7[%get3A_337, %get3A_338, %get3A_339] {strides = array<i32>} : memref<2x640x64xf32, #tpu.memory_space<vmem>>, vector<16xf32>,
        %add3A_341 = arith.addf %add3A_309, %get3A_340 : vector<16xf32>
        %add3A_342 = arith.constant 4 : i32
        %add3A_343 = arith.addi %mul3A_218, %add3A_342 : i32
        %get3A_344 = arith.constant 0 : i32
        %get3A_345 = arith.index_cast %get3A_344 : i32 to index
        %get3A_346 = arith.index_cast %add3A_343 : i32 to index
        %get3A_347 = arith.constant 16 : index
        %get3A_348 = tpu.vector_load %arg7[%get3A_345, %get3A_346, %get3A_347] {strides = array<i32>} : memref<2x640x64xf32, #tpu.memory_space<vmem>>, vector<16xf32>,
        %add3A_349 = arith.addf %add3A_317, %get3A_348 : vector<16xf32>
        %add3A_350 = arith.constant 4 : i32
        %add3A_351 = arith.addi %mul3A_218, %add3A_350 : i32
        %get3A_352 = arith.constant 0 : i32
        %get3A_353 = arith.index_cast %get3A_352 : i32 to index
        %get3A_354 = arith.index_cast %add3A_351 : i32 to index
        %get3A_355 = arith.constant 32 : index
        %get3A_356 = tpu.vector_load %arg7[%get3A_353, %get3A_354, %get3A_355] {strides = array<i32>} : memref<2x640x64xf32, #tpu.memory_space<vmem>>, vector<16xf32>,
        %add3A_357 = arith.addf %add3A_325, %get3A_356 : vector<16xf32>
        %add3A_358 = arith.constant 4 : i32
        %add3A_359 = arith.addi %mul3A_218, %add3A_358 : i32
        %get3A_360 = arith.constant 0 : i32
        %get3A_361 = arith.index_cast %get3A_360 : i32 to index
        %get3A_362 = arith.index_cast %add3A_359 : i32 to index
        %get3A_363 = arith.constant 48 : index
        %get3A_364 = tpu.vector_load %arg7[%get3A_361, %get3A_362, %get3A_363] {strides = array<i32>} : memref<2x640x64xf32, #tpu.memory_space<vmem>>, vector<16xf32>,
        %add3A_365 = arith.addf %add3A_333, %get3A_364 : vector<16xf32>
        %add3A_366 = arith.constant 5 : i32
        %add3A_367 = arith.addi %mul3A_218, %add3A_366 : i32
        %get3A_368 = arith.constant 0 : i32
        %get3A_369 = arith.index_cast %get3A_368 : i32 to index
        %get3A_370 = arith.index_cast %add3A_367 : i32 to index
        %get3A_371 = arith.constant 0 : index
        %get3A_372 = tpu.vector_load %arg7[%get3A_369, %get3A_370, %get3A_371] {strides = array<i32>} : memref<2x640x64xf32, #tpu.memory_space<vmem>>, vector<16xf32>,
        %add3A_373 = arith.addf %add3A_341, %get3A_372 : vector<16xf32>
        %add3A_374 = arith.constant 5 : i32
        %add3A_375 = arith.addi %mul3A_218, %add3A_374 : i32
        %get3A_376 = arith.constant 0 : i32
        %get3A_377 = arith.index_cast %get3A_376 : i32 to index
        %get3A_378 = arith.index_cast %add3A_375 : i32 to index
        %get3A_379 = arith.constant 16 : index
        %get3A_380 = tpu.vector_load %arg7[%get3A_377, %get3A_378, %get3A_379] {strides = array<i32>} : memref<2x640x64xf32, #tpu.memory_space<vmem>>, vector<16xf32>,
        %add3A_381 = arith.addf %add3A_349, %get3A_380 : vector<16xf32>
        %add3A_382 = arith.constant 5 : i32
        %add3A_383 = arith.addi %mul3A_218, %add3A_382 : i32
        %get3A_384 = arith.constant 0 : i32
        %get3A_385 = arith.index_cast %get3A_384 : i32 to index
        %get3A_386 = arith.index_cast %add3A_383 : i32 to index
        %get3A_387 = arith.constant 32 : index
        %get3A_388 = tpu.vector_load %arg7[%get3A_385, %get3A_386, %get3A_387] {strides = array<i32>} : memref<2x640x64xf32, #tpu.memory_space<vmem>>, vector<16xf32>,
        %add3A_389 = arith.addf %add3A_357, %get3A_388 : vector<16xf32>
        %add3A_390 = arith.constant 5 : i32
        %add3A_391 = arith.addi %mul3A_218, %add3A_390 : i32
        %get3A_392 = arith.constant 0 : i32
        %get3A_393 = arith.index_cast %get3A_392 : i32 to index
        %get3A_394 = arith.index_cast %add3A_391 : i32 to index
        %get3A_395 = arith.constant 48 : index
        %get3A_396 = tpu.vector_load %arg7[%get3A_393, %get3A_394, %get3A_395] {strides = array<i32>} : memref<2x640x64xf32, #tpu.memory_space<vmem>>, vector<16xf32>,
        %add3A_397 = arith.addf %add3A_365, %get3A_396 : vector<16xf32>
        %add3A_398 = arith.constant 6 : i32
        %add3A_399 = arith.addi %mul3A_218, %add3A_398 : i32
        %get3A_400 = arith.constant 0 : i32
        %get3A_401 = arith.index_cast %get3A_400 : i32 to index
        %get3A_402 = arith.index_cast %add3A_399 : i32 to index
        %get3A_403 = arith.constant 0 : index
        %get3A_404 = tpu.vector_load %arg7[%get3A_401, %get3A_402, %get3A_403] {strides = array<i32>} : memref<2x640x64xf32, #tpu.memory_space<vmem>>, vector<16xf32>,
        %add3A_405 = arith.addf %add3A_373, %get3A_404 : vector<16xf32>
        %add3A_406 = arith.constant 6 : i32
        %add3A_407 = arith.addi %mul3A_218, %add3A_406 : i32
        %get3A_408 = arith.constant 0 : i32
        %get3A_409 = arith.index_cast %get3A_408 : i32 to index
        %get3A_410 = arith.index_cast %add3A_407 : i32 to index
        %get3A_411 = arith.constant 16 : index
        %get3A_412 = tpu.vector_load %arg7[%get3A_409, %get3A_410, %get3A_411] {strides = array<i32>} : memref<2x640x64xf32, #tpu.memory_space<vmem>>, vector<16xf32>,
        %add3A_413 = arith.addf %add3A_381, %get3A_412 : vector<16xf32>
        %add3A_414 = arith.constant 6 : i32
        %add3A_415 = arith.addi %mul3A_218, %add3A_414 : i32
        %get3A_416 = arith.constant 0 : i32
        %get3A_417 = arith.index_cast %get3A_416 : i32 to index
        %get3A_418 = arith.index_cast %add3A_415 : i32 to index
        %get3A_419 = arith.constant 32 : index
        %get3A_420 = tpu.vector_load %arg7[%get3A_417, %get3A_418, %get3A_419] {strides = array<i32>} : memref<2x640x64xf32, #tpu.memory_space<vmem>>, vector<16xf32>,
        %add3A_421 = arith.addf %add3A_389, %get3A_420 : vector<16xf32>
        %add3A_422 = arith.constant 6 : i32
        %add3A_423 = arith.addi %mul3A_218, %add3A_422 : i32
        %get3A_424 = arith.constant 0 : i32
        %get3A_425 = arith.index_cast %get3A_424 : i32 to index
        %get3A_426 = arith.index_cast %add3A_423 : i32 to index
        %get3A_427 = arith.constant 48 : index
        %get3A_428 = tpu.vector_load %arg7[%get3A_425, %get3A_426, %get3A_427] {strides = array<i32>} : memref<2x640x64xf32, #tpu.memory_space<vmem>>, vector<16xf32>,
        %add3A_429 = arith.addf %add3A_397, %get3A_428 : vector<16xf32>
        %add3A_430 = arith.constant 7 : i32
        %add3A_431 = arith.addi %mul3A_218, %add3A_430 : i32
        %get3A_432 = arith.constant 0 : i32
        %get3A_433 = arith.index_cast %get3A_432 : i32 to index
        %get3A_434 = arith.index_cast %add3A_431 : i32 to index
        %get3A_435 = arith.constant 0 : index
        %get3A_436 = tpu.vector_load %arg7[%get3A_433, %get3A_434, %get3A_435] {strides = array<i32>} : memref<2x640x64xf32, #tpu.memory_space<vmem>>, vector<16xf32>,
        %add3A_437 = arith.addf %add3A_405, %get3A_436 : vector<16xf32>
        %add3A_438 = arith.constant 7 : i32
        %add3A_439 = arith.addi %mul3A_218, %add3A_438 : i32
        %get3A_440 = arith.constant 0 : i32
        %get3A_441 = arith.index_cast %get3A_440 : i32 to index
        %get3A_442 = arith.index_cast %add3A_439 : i32 to index
        %get3A_443 = arith.constant 16 : index
        %get3A_444 = tpu.vector_load %arg7[%get3A_441, %get3A_442, %get3A_443] {strides = array<i32>} : memref<2x640x64xf32, #tpu.memory_space<vmem>>, vector<16xf32>,
        %add3A_445 = arith.addf %add3A_413, %get3A_444 : vector<16xf32>
        %add3A_446 = arith.constant 7 : i32
        %add3A_447 = arith.addi %mul3A_218, %add3A_446 : i32
        %get3A_448 = arith.constant 0 : i32
        %get3A_449 = arith.index_cast %get3A_448 : i32 to index
        %get3A_450 = arith.index_cast %add3A_447 : i32 to index
        %get3A_451 = arith.constant 32 : index
        %get3A_452 = tpu.vector_load %arg7[%get3A_449, %get3A_450, %get3A_451] {strides = array<i32>} : memref<2x640x64xf32, #tpu.memory_space<vmem>>, vector<16xf32>,
        %add3A_453 = arith.addf %add3A_421, %get3A_452 : vector<16xf32>
        %add3A_454 = arith.constant 7 : i32
        %add3A_455 = arith.addi %mul3A_218, %add3A_454 : i32
        %get3A_456 = arith.constant 0 : i32
        %get3A_457 = arith.index_cast %get3A_456 : i32 to index
        %get3A_458 = arith.index_cast %add3A_455 : i32 to index
        %get3A_459 = arith.constant 48 : index
        %get3A_460 = tpu.vector_load %arg7[%get3A_457, %get3A_458, %get3A_459] {strides = array<i32>} : memref<2x640x64xf32, #tpu.memory_space<vmem>>, vector<16xf32>,
        %add3A_461 = arith.addf %add3A_429, %get3A_460 : vector<16xf32>
        %add3A_462 = arith.constant 8 : i32
        %add3A_463 = arith.addi %mul3A_218, %add3A_462 : i32
        %get3A_464 = arith.constant 0 : i32
        %get3A_465 = arith.index_cast %get3A_464 : i32 to index
        %get3A_466 = arith.index_cast %add3A_463 : i32 to index
        %get3A_467 = arith.constant 0 : index
        %get3A_468 = tpu.vector_load %arg7[%get3A_465, %get3A_466, %get3A_467] {strides = array<i32>} : memref<2x640x64xf32, #tpu.memory_space<vmem>>, vector<16xf32>,
        %add3A_469 = arith.addf %add3A_437, %get3A_468 : vector<16xf32>
        %add3A_470 = arith.constant 8 : i32
        %add3A_471 = arith.addi %mul3A_218, %add3A_470 : i32
        %get3A_472 = arith.constant 0 : i32
        %get3A_473 = arith.index_cast %get3A_472 : i32 to index
        %get3A_474 = arith.index_cast %add3A_471 : i32 to index
        %get3A_475 = arith.constant 16 : index
        %get3A_476 = tpu.vector_load %arg7[%get3A_473, %get3A_474, %get3A_475] {strides = array<i32>} : memref<2x640x64xf32, #tpu.memory_space<vmem>>, vector<16xf32>,
        %add3A_477 = arith.addf %add3A_445, %get3A_476 : vector<16xf32>
        %add3A_478 = arith.constant 8 : i32
        %add3A_479 = arith.addi %mul3A_218, %add3A_478 : i32
        %get3A_480 = arith.constant 0 : i32
        %get3A_481 = arith.index_cast %get3A_480 : i32 to index
        %get3A_482 = arith.index_cast %add3A_479 : i32 to index
        %get3A_483 = arith.constant 32 : index
        %get3A_484 = tpu.vector_load %arg7[%get3A_481, %get3A_482, %get3A_483] {strides = array<i32>} : memref<2x640x64xf32, #tpu.memory_space<vmem>>, vector<16xf32>,
        %add3A_485 = arith.addf %add3A_453, %get3A_484 : vector<16xf32>
        %add3A_486 = arith.constant 8 : i32
        %add3A_487 = arith.addi %mul3A_218, %add3A_486 : i32
        %get3A_488 = arith.constant 0 : i32
        %get3A_489 = arith.index_cast %get3A_488 : i32 to index
        %get3A_490 = arith.index_cast %add3A_487 : i32 to index
        %get3A_491 = arith.constant 48 : index
        %get3A_492 = tpu.vector_load %arg7[%get3A_489, %get3A_490, %get3A_491] {strides = array<i32>} : memref<2x640x64xf32, #tpu.memory_space<vmem>>, vector<16xf32>,
        %add3A_493 = arith.addf %add3A_461, %get3A_492 : vector<16xf32>
        %add3A_494 = arith.constant 9 : i32
        %add3A_495 = arith.addi %mul3A_218, %add3A_494 : i32
        %get3A_496 = arith.constant 0 : i32
        %get3A_497 = arith.index_cast %get3A_496 : i32 to index
        %get3A_498 = arith.index_cast %add3A_495 : i32 to index
        %get3A_499 = arith.constant 0 : index
        %get3A_500 = tpu.vector_load %arg7[%get3A_497, %get3A_498, %get3A_499] {strides = array<i32>} : memref<2x640x64xf32, #tpu.memory_space<vmem>>, vector<16xf32>,
        %add3A_501 = arith.addf %add3A_469, %get3A_500 : vector<16xf32>
        %add3A_502 = arith.constant 9 : i32
        %add3A_503 = arith.addi %mul3A_218, %add3A_502 : i32
        %get3A_504 = arith.constant 0 : i32
        %get3A_505 = arith.index_cast %get3A_504 : i32 to index
        %get3A_506 = arith.index_cast %add3A_503 : i32 to index
        %get3A_507 = arith.constant 16 : index
        %get3A_508 = tpu.vector_load %arg7[%get3A_505, %get3A_506, %get3A_507] {strides = array<i32>} : memref<2x640x64xf32, #tpu.memory_space<vmem>>, vector<16xf32>,
        %add3A_509 = arith.addf %add3A_477, %get3A_508 : vector<16xf32>
        %add3A_510 = arith.constant 9 : i32
        %add3A_511 = arith.addi %mul3A_218, %add3A_510 : i32
        %get3A_512 = arith.constant 0 : i32
        %get3A_513 = arith.index_cast %get3A_512 : i32 to index
        %get3A_514 = arith.index_cast %add3A_511 : i32 to index
        %get3A_515 = arith.constant 32 : index
        %get3A_516 = tpu.vector_load %arg7[%get3A_513, %get3A_514, %get3A_515] {strides = array<i32>} : memref<2x640x64xf32, #tpu.memory_space<vmem>>, vector<16xf32>,
        %add3A_517 = arith.addf %add3A_485, %get3A_516 : vector<16xf32>
        %add3A_518 = arith.constant 9 : i32
        %add3A_519 = arith.addi %mul3A_218, %add3A_518 : i32
        %get3A_520 = arith.constant 0 : i32
        %get3A_521 = arith.index_cast %get3A_520 : i32 to index
        %get3A_522 = arith.index_cast %add3A_519 : i32 to index
        %get3A_523 = arith.constant 48 : index
        %get3A_524 = tpu.vector_load %arg7[%get3A_521, %get3A_522, %get3A_523] {strides = array<i32>} : memref<2x640x64xf32, #tpu.memory_space<vmem>>, vector<16xf32>,
        %add3A_525 = arith.addf %add3A_493, %get3A_524 : vector<16xf32>
        %add3A_526 = arith.constant 10 : i32
        %add3A_527 = arith.addi %mul3A_218, %add3A_526 : i32
        %get3A_528 = arith.constant 0 : i32
        %get3A_529 = arith.index_cast %get3A_528 : i32 to index
        %get3A_530 = arith.index_cast %add3A_527 : i32 to index
        %get3A_531 = arith.constant 0 : index
        %get3A_532 = tpu.vector_load %arg7[%get3A_529, %get3A_530, %get3A_531] {strides = array<i32>} : memref<2x640x64xf32, #tpu.memory_space<vmem>>, vector<16xf32>,
        %add3A_533 = arith.addf %add3A_501, %get3A_532 : vector<16xf32>
        %add3A_534 = arith.constant 10 : i32
        %add3A_535 = arith.addi %mul3A_218, %add3A_534 : i32
        %get3A_536 = arith.constant 0 : i32
        %get3A_537 = arith.index_cast %get3A_536 : i32 to index
        %get3A_538 = arith.index_cast %add3A_535 : i32 to index
        %get3A_539 = arith.constant 16 : index
        %get3A_540 = tpu.vector_load %arg7[%get3A_537, %get3A_538, %get3A_539] {strides = array<i32>} : memref<2x640x64xf32, #tpu.memory_space<vmem>>, vector<16xf32>,
        %add3A_541 = arith.addf %add3A_509, %get3A_540 : vector<16xf32>
        %add3A_542 = arith.constant 10 : i32
        %add3A_543 = arith.addi %mul3A_218, %add3A_542 : i32
        %get3A_544 = arith.constant 0 : i32
        %get3A_545 = arith.index_cast %get3A_544 : i32 to index
        %get3A_546 = arith.index_cast %add3A_543 : i32 to index
        %get3A_547 = arith.constant 32 : index
        %get3A_548 = tpu.vector_load %arg7[%get3A_545, %get3A_546, %get3A_547] {strides = array<i32>} : memref<2x640x64xf32, #tpu.memory_space<vmem>>, vector<16xf32>,
        %add3A_549 = arith.addf %add3A_517, %get3A_548 : vector<16xf32>
        %add3A_550 = arith.constant 10 : i32
        %add3A_551 = arith.addi %mul3A_218, %add3A_550 : i32
        %get3A_552 = arith.constant 0 : i32
        %get3A_553 = arith.index_cast %get3A_552 : i32 to index
        %get3A_554 = arith.index_cast %add3A_551 : i32 to index
        %get3A_555 = arith.constant 48 : index
        %get3A_556 = tpu.vector_load %arg7[%get3A_553, %get3A_554, %get3A_555] {strides = array<i32>} : memref<2x640x64xf32, #tpu.memory_space<vmem>>, vector<16xf32>,
        %add3A_557 = arith.addf %add3A_525, %get3A_556 : vector<16xf32>
        %add3A_558 = arith.constant 11 : i32
        %add3A_559 = arith.addi %mul3A_218, %add3A_558 : i32
        %get3A_560 = arith.constant 0 : i32
        %get3A_561 = arith.index_cast %get3A_560 : i32 to index
        %get3A_562 = arith.index_cast %add3A_559 : i32 to index
        %get3A_563 = arith.constant 0 : index
        %get3A_564 = tpu.vector_load %arg7[%get3A_561, %get3A_562, %get3A_563] {strides = array<i32>} : memref<2x640x64xf32, #tpu.memory_space<vmem>>, vector<16xf32>,
        %add3A_565 = arith.addf %add3A_533, %get3A_564 : vector<16xf32>
        %add3A_566 = arith.constant 11 : i32
        %add3A_567 = arith.addi %mul3A_218, %add3A_566 : i32
        %get3A_568 = arith.constant 0 : i32
        %get3A_569 = arith.index_cast %get3A_568 : i32 to index
        %get3A_570 = arith.index_cast %add3A_567 : i32 to index
        %get3A_571 = arith.constant 16 : index
        %get3A_572 = tpu.vector_load %arg7[%get3A_569, %get3A_570, %get3A_571] {strides = array<i32>} : memref<2x640x64xf32, #tpu.memory_space<vmem>>, vector<16xf32>,
        %add3A_573 = arith.addf %add3A_541, %get3A_572 : vector<16xf32>
        %add3A_574 = arith.constant 11 : i32
        %add3A_575 = arith.addi %mul3A_218, %add3A_574 : i32
        %get3A_576 = arith.constant 0 : i32
        %get3A_577 = arith.index_cast %get3A_576 : i32 to index
        %get3A_578 = arith.index_cast %add3A_575 : i32 to index
        %get3A_579 = arith.constant 32 : index
        %get3A_580 = tpu.vector_load %arg7[%get3A_577, %get3A_578, %get3A_579] {strides = array<i32>} : memref<2x640x64xf32, #tpu.memory_space<vmem>>, vector<16xf32>,
        %add3A_581 = arith.addf %add3A_549, %get3A_580 : vector<16xf32>
        %add3A_582 = arith.constant 11 : i32
        %add3A_583 = arith.addi %mul3A_218, %add3A_582 : i32
        %get3A_584 = arith.constant 0 : i32
        %get3A_585 = arith.index_cast %get3A_584 : i32 to index
        %get3A_586 = arith.index_cast %add3A_583 : i32 to index
        %get3A_587 = arith.constant 48 : index
        %get3A_588 = tpu.vector_load %arg7[%get3A_585, %get3A_586, %get3A_587] {strides = array<i32>} : memref<2x640x64xf32, #tpu.memory_space<vmem>>, vector<16xf32>,
        %add3A_589 = arith.addf %add3A_557, %get3A_588 : vector<16xf32>
        %add3A_590 = arith.constant 12 : i32
        %add3A_591 = arith.addi %mul3A_218, %add3A_590 : i32
        %get3A_592 = arith.constant 0 : i32
        %get3A_593 = arith.index_cast %get3A_592 : i32 to index
        %get3A_594 = arith.index_cast %add3A_591 : i32 to index
        %get3A_595 = arith.constant 0 : index
        %get3A_596 = tpu.vector_load %arg7[%get3A_593, %get3A_594, %get3A_595] {strides = array<i32>} : memref<2x640x64xf32, #tpu.memory_space<vmem>>, vector<16xf32>,
        %add3A_597 = arith.addf %add3A_565, %get3A_596 : vector<16xf32>
        %add3A_598 = arith.constant 12 : i32
        %add3A_599 = arith.addi %mul3A_218, %add3A_598 : i32
        %get3A_600 = arith.constant 0 : i32
        %get3A_601 = arith.index_cast %get3A_600 : i32 to index
        %get3A_602 = arith.index_cast %add3A_599 : i32 to index
        %get3A_603 = arith.constant 16 : index
        %get3A_604 = tpu.vector_load %arg7[%get3A_601, %get3A_602, %get3A_603] {strides = array<i32>} : memref<2x640x64xf32, #tpu.memory_space<vmem>>, vector<16xf32>,
        %add3A_605 = arith.addf %add3A_573, %get3A_604 : vector<16xf32>
        %add3A_606 = arith.constant 12 : i32
        %add3A_607 = arith.addi %mul3A_218, %add3A_606 : i32
        %get3A_608 = arith.constant 0 : i32
        %get3A_609 = arith.index_cast %get3A_608 : i32 to index
        %get3A_610 = arith.index_cast %add3A_607 : i32 to index
        %get3A_611 = arith.constant 32 : index
        %get3A_612 = tpu.vector_load %arg7[%get3A_609, %get3A_610, %get3A_611] {strides = array<i32>} : memref<2x640x64xf32, #tpu.memory_space<vmem>>, vector<16xf32>,
        %add3A_613 = arith.addf %add3A_581, %get3A_612 : vector<16xf32>
        %add3A_614 = arith.constant 12 : i32
        %add3A_615 = arith.addi %mul3A_218, %add3A_614 : i32
        %get3A_616 = arith.constant 0 : i32
        %get3A_617 = arith.index_cast %get3A_616 : i32 to index
        %get3A_618 = arith.index_cast %add3A_615 : i32 to index
        %get3A_619 = arith.constant 48 : index
        %get3A_620 = tpu.vector_load %arg7[%get3A_617, %get3A_618, %get3A_619] {strides = array<i32>} : memref<2x640x64xf32, #tpu.memory_space<vmem>>, vector<16xf32>,
        %add3A_621 = arith.addf %add3A_589, %get3A_620 : vector<16xf32>
        %add3A_622 = arith.constant 13 : i32
        %add3A_623 = arith.addi %mul3A_218, %add3A_622 : i32
        %get3A_624 = arith.constant 0 : i32
        %get3A_625 = arith.index_cast %get3A_624 : i32 to index
        %get3A_626 = arith.index_cast %add3A_623 : i32 to index
        %get3A_627 = arith.constant 0 : index
        %get3A_628 = tpu.vector_load %arg7[%get3A_625, %get3A_626, %get3A_627] {strides = array<i32>} : memref<2x640x64xf32, #tpu.memory_space<vmem>>, vector<16xf32>,
        %add3A_629 = arith.addf %add3A_597, %get3A_628 : vector<16xf32>
        %add3A_630 = arith.constant 13 : i32
        %add3A_631 = arith.addi %mul3A_218, %add3A_630 : i32
        %get3A_632 = arith.constant 0 : i32
        %get3A_633 = arith.index_cast %get3A_632 : i32 to index
        %get3A_634 = arith.index_cast %add3A_631 : i32 to index
        %get3A_635 = arith.constant 16 : index
        %get3A_636 = tpu.vector_load %arg7[%get3A_633, %get3A_634, %get3A_635] {strides = array<i32>} : memref<2x640x64xf32, #tpu.memory_space<vmem>>, vector<16xf32>,
        %add3A_637 = arith.addf %add3A_605, %get3A_636 : vector<16xf32>
        %add3A_638 = arith.constant 13 : i32
        %add3A_639 = arith.addi %mul3A_218, %add3A_638 : i32
        %get3A_640 = arith.constant 0 : i32
        %get3A_641 = arith.index_cast %get3A_640 : i32 to index
        %get3A_642 = arith.index_cast %add3A_639 : i32 to index
        %get3A_643 = arith.constant 32 : index
        %get3A_644 = tpu.vector_load %arg7[%get3A_641, %get3A_642, %get3A_643] {strides = array<i32>} : memref<2x640x64xf32, #tpu.memory_space<vmem>>, vector<16xf32>,
        %add3A_645 = arith.addf %add3A_613, %get3A_644 : vector<16xf32>
        %add3A_646 = arith.constant 13 : i32
        %add3A_647 = arith.addi %mul3A_218, %add3A_646 : i32
        %get3A_648 = arith.constant 0 : i32
        %get3A_649 = arith.index_cast %get3A_648 : i32 to index
        %get3A_650 = arith.index_cast %add3A_647 : i32 to index
        %get3A_651 = arith.constant 48 : index
        %get3A_652 = tpu.vector_load %arg7[%get3A_649, %get3A_650, %get3A_651] {strides = array<i32>} : memref<2x640x64xf32, #tpu.memory_space<vmem>>, vector<16xf32>,
        %add3A_653 = arith.addf %add3A_621, %get3A_652 : vector<16xf32>
        %add3A_654 = arith.constant 14 : i32
        %add3A_655 = arith.addi %mul3A_218, %add3A_654 : i32
        %get3A_656 = arith.constant 0 : i32
        %get3A_657 = arith.index_cast %get3A_656 : i32 to index
        %get3A_658 = arith.index_cast %add3A_655 : i32 to index
        %get3A_659 = arith.constant 0 : index
        %get3A_660 = tpu.vector_load %arg7[%get3A_657, %get3A_658, %get3A_659] {strides = array<i32>} : memref<2x640x64xf32, #tpu.memory_space<vmem>>, vector<16xf32>,
        %add3A_661 = arith.addf %add3A_629, %get3A_660 : vector<16xf32>
        %add3A_662 = arith.constant 14 : i32
        %add3A_663 = arith.addi %mul3A_218, %add3A_662 : i32
        %get3A_664 = arith.constant 0 : i32
        %get3A_665 = arith.index_cast %get3A_664 : i32 to index
        %get3A_666 = arith.index_cast %add3A_663 : i32 to index
        %get3A_667 = arith.constant 16 : index
        %get3A_668 = tpu.vector_load %arg7[%get3A_665, %get3A_666, %get3A_667] {strides = array<i32>} : memref<2x640x64xf32, #tpu.memory_space<vmem>>, vector<16xf32>,
        %add3A_669 = arith.addf %add3A_637, %get3A_668 : vector<16xf32>
        %add3A_670 = arith.constant 14 : i32
        %add3A_671 = arith.addi %mul3A_218, %add3A_670 : i32
        %get3A_672 = arith.constant 0 : i32
        %get3A_673 = arith.index_cast %get3A_672 : i32 to index
        %get3A_674 = arith.index_cast %add3A_671 : i32 to index
        %get3A_675 = arith.constant 32 : index
        %get3A_676 = tpu.vector_load %arg7[%get3A_673, %get3A_674, %get3A_675] {strides = array<i32>} : memref<2x640x64xf32, #tpu.memory_space<vmem>>, vector<16xf32>,
        %add3A_677 = arith.addf %add3A_645, %get3A_676 : vector<16xf32>
        %add3A_678 = arith.constant 14 : i32
        %add3A_679 = arith.addi %mul3A_218, %add3A_678 : i32
        %get3A_680 = arith.constant 0 : i32
        %get3A_681 = arith.index_cast %get3A_680 : i32 to index
        %get3A_682 = arith.index_cast %add3A_679 : i32 to index
        %get3A_683 = arith.constant 48 : index
        %get3A_684 = tpu.vector_load %arg7[%get3A_681, %get3A_682, %get3A_683] {strides = array<i32>} : memref<2x640x64xf32, #tpu.memory_space<vmem>>, vector<16xf32>,
        %add3A_685 = arith.addf %add3A_653, %get3A_684 : vector<16xf32>
        %add3A_686 = arith.constant 15 : i32
        %add3A_687 = arith.addi %mul3A_218, %add3A_686 : i32
        %get3A_688 = arith.constant 0 : i32
        %get3A_689 = arith.index_cast %get3A_688 : i32 to index
        %get3A_690 = arith.index_cast %add3A_687 : i32 to index
        %get3A_691 = arith.constant 0 : index
        %get3A_692 = tpu.vector_load %arg7[%get3A_689, %get3A_690, %get3A_691] {strides = array<i32>} : memref<2x640x64xf32, #tpu.memory_space<vmem>>, vector<16xf32>,
        %add3A_693 = arith.addf %add3A_661, %get3A_692 : vector<16xf32>
        %add3A_694 = arith.constant 15 : i32
        %add3A_695 = arith.addi %mul3A_218, %add3A_694 : i32
        %get3A_696 = arith.constant 0 : i32
        %get3A_697 = arith.index_cast %get3A_696 : i32 to index
        %get3A_698 = arith.index_cast %add3A_695 : i32 to index
        %get3A_699 = arith.constant 16 : index
        %get3A_700 = tpu.vector_load %arg7[%get3A_697, %get3A_698, %get3A_699] {strides = array<i32>} : memref<2x640x64xf32, #tpu.memory_space<vmem>>, vector<16xf32>,
        %add3A_701 = arith.addf %add3A_669, %get3A_700 : vector<16xf32>
        %add3A_702 = arith.constant 15 : i32
        %add3A_703 = arith.addi %mul3A_218, %add3A_702 : i32
        %get3A_704 = arith.constant 0 : i32
        %get3A_705 = arith.index_cast %get3A_704 : i32 to index
        %get3A_706 = arith.index_cast %add3A_703 : i32 to index
        %get3A_707 = arith.constant 32 : index
        %get3A_708 = tpu.vector_load %arg7[%get3A_705, %get3A_706, %get3A_707] {strides = array<i32>} : memref<2x640x64xf32, #tpu.memory_space<vmem>>, vector<16xf32>,
        %add3A_709 = arith.addf %add3A_677, %get3A_708 : vector<16xf32>
        %add3A_710 = arith.constant 15 : i32
        %add3A_711 = arith.addi %mul3A_218, %add3A_710 : i32
        %get3A_712 = arith.constant 0 : i32
        %get3A_713 = arith.index_cast %get3A_712 : i32 to index
        %get3A_714 = arith.index_cast %add3A_711 : i32 to index
        %get3A_715 = arith.constant 48 : index
        %get3A_716 = tpu.vector_load %arg7[%get3A_713, %get3A_714, %get3A_715] {strides = array<i32>} : memref<2x640x64xf32, #tpu.memory_space<vmem>>, vector<16xf32>,
        %add3A_717 = arith.addf %add3A_685, %get3A_716 : vector<16xf32>
        %add3A_718 = arith.constant 16 : i32
        %add3A_719 = arith.addi %mul3A_218, %add3A_718 : i32
        %get3A_720 = arith.constant 0 : i32
        %get3A_721 = arith.index_cast %get3A_720 : i32 to index
        %get3A_722 = arith.index_cast %add3A_719 : i32 to index
        %get3A_723 = arith.constant 0 : index
        %get3A_724 = tpu.vector_load %arg7[%get3A_721, %get3A_722, %get3A_723] {strides = array<i32>} : memref<2x640x64xf32, #tpu.memory_space<vmem>>, vector<16xf32>,
        %add3A_725 = arith.addf %add3A_693, %get3A_724 : vector<16xf32>
        %add3A_726 = arith.constant 16 : i32
        %add3A_727 = arith.addi %mul3A_218, %add3A_726 : i32
        %get3A_728 = arith.constant 0 : i32
        %get3A_729 = arith.index_cast %get3A_728 : i32 to index
        %get3A_730 = arith.index_cast %add3A_727 : i32 to index
        %get3A_731 = arith.constant 16 : index
        %get3A_732 = tpu.vector_load %arg7[%get3A_729, %get3A_730, %get3A_731] {strides = array<i32>} : memref<2x640x64xf32, #tpu.memory_space<vmem>>, vector<16xf32>,
        %add3A_733 = arith.addf %add3A_701, %get3A_732 : vector<16xf32>
        %add3A_734 = arith.constant 16 : i32
        %add3A_735 = arith.addi %mul3A_218, %add3A_734 : i32
        %get3A_736 = arith.constant 0 : i32
        %get3A_737 = arith.index_cast %get3A_736 : i32 to index
        %get3A_738 = arith.index_cast %add3A_735 : i32 to index
        %get3A_739 = arith.constant 32 : index
        %get3A_740 = tpu.vector_load %arg7[%get3A_737, %get3A_738, %get3A_739] {strides = array<i32>} : memref<2x640x64xf32, #tpu.memory_space<vmem>>, vector<16xf32>,
        %add3A_741 = arith.addf %add3A_709, %get3A_740 : vector<16xf32>
        %add3A_742 = arith.constant 16 : i32
        %add3A_743 = arith.addi %mul3A_218, %add3A_742 : i32
        %get3A_744 = arith.constant 0 : i32
        %get3A_745 = arith.index_cast %get3A_744 : i32 to index
        %get3A_746 = arith.index_cast %add3A_743 : i32 to index
        %get3A_747 = arith.constant 48 : index
        %get3A_748 = tpu.vector_load %arg7[%get3A_745, %get3A_746, %get3A_747] {strides = array<i32>} : memref<2x640x64xf32, #tpu.memory_space<vmem>>, vector<16xf32>,
        %add3A_749 = arith.addf %add3A_717, %get3A_748 : vector<16xf32>
        %add3A_750 = arith.constant 17 : i32
        %add3A_751 = arith.addi %mul3A_218, %add3A_750 : i32
        %get3A_752 = arith.constant 0 : i32
        %get3A_753 = arith.index_cast %get3A_752 : i32 to index
        %get3A_754 = arith.index_cast %add3A_751 : i32 to index
        %get3A_755 = arith.constant 0 : index
        %get3A_756 = tpu.vector_load %arg7[%get3A_753, %get3A_754, %get3A_755] {strides = array<i32>} : memref<2x640x64xf32, #tpu.memory_space<vmem>>, vector<16xf32>,
        %add3A_757 = arith.addf %add3A_725, %get3A_756 : vector<16xf32>
        %add3A_758 = arith.constant 17 : i32
        %add3A_759 = arith.addi %mul3A_218, %add3A_758 : i32
        %get3A_760 = arith.constant 0 : i32
        %get3A_761 = arith.index_cast %get3A_760 : i32 to index
        %get3A_762 = arith.index_cast %add3A_759 : i32 to index
        %get3A_763 = arith.constant 16 : index
        %get3A_764 = tpu.vector_load %arg7[%get3A_761, %get3A_762, %get3A_763] {strides = array<i32>} : memref<2x640x64xf32, #tpu.memory_space<vmem>>, vector<16xf32>,
        %add3A_765 = arith.addf %add3A_733, %get3A_764 : vector<16xf32>
        %add3A_766 = arith.constant 17 : i32
        %add3A_767 = arith.addi %mul3A_218, %add3A_766 : i32
        %get3A_768 = arith.constant 0 : i32
        %get3A_769 = arith.index_cast %get3A_768 : i32 to index
        %get3A_770 = arith.index_cast %add3A_767 : i32 to index
        %get3A_771 = arith.constant 32 : index
        %get3A_772 = tpu.vector_load %arg7[%get3A_769, %get3A_770, %get3A_771] {strides = array<i32>} : memref<2x640x64xf32, #tpu.memory_space<vmem>>, vector<16xf32>,
        %add3A_773 = arith.addf %add3A_741, %get3A_772 : vector<16xf32>
        %add3A_774 = arith.constant 17 : i32
        %add3A_775 = arith.addi %mul3A_218, %add3A_774 : i32
        %get3A_776 = arith.constant 0 : i32
        %get3A_777 = arith.index_cast %get3A_776 : i32 to index
        %get3A_778 = arith.index_cast %add3A_775 : i32 to index
        %get3A_779 = arith.constant 48 : index
        %get3A_780 = tpu.vector_load %arg7[%get3A_777, %get3A_778, %get3A_779] {strides = array<i32>} : memref<2x640x64xf32, #tpu.memory_space<vmem>>, vector<16xf32>,
        %add3A_781 = arith.addf %add3A_749, %get3A_780 : vector<16xf32>
        %add3A_782 = arith.constant 18 : i32
        %add3A_783 = arith.addi %mul3A_218, %add3A_782 : i32
        %get3A_784 = arith.constant 0 : i32
        %get3A_785 = arith.index_cast %get3A_784 : i32 to index
        %get3A_786 = arith.index_cast %add3A_783 : i32 to index
        %get3A_787 = arith.constant 0 : index
        %get3A_788 = tpu.vector_load %arg7[%get3A_785, %get3A_786, %get3A_787] {strides = array<i32>} : memref<2x640x64xf32, #tpu.memory_space<vmem>>, vector<16xf32>,
        %add3A_789 = arith.addf %add3A_757, %get3A_788 : vector<16xf32>
        %add3A_790 = arith.constant 18 : i32
        %add3A_791 = arith.addi %mul3A_218, %add3A_790 : i32
        %get3A_792 = arith.constant 0 : i32
        %get3A_793 = arith.index_cast %get3A_792 : i32 to index
        %get3A_794 = arith.index_cast %add3A_791 : i32 to index
        %get3A_795 = arith.constant 16 : index
        %get3A_796 = tpu.vector_load %arg7[%get3A_793, %get3A_794, %get3A_795] {strides = array<i32>} : memref<2x640x64xf32, #tpu.memory_space<vmem>>, vector<16xf32>,
        %add3A_797 = arith.addf %add3A_765, %get3A_796 : vector<16xf32>
        %add3A_798 = arith.constant 18 : i32
        %add3A_799 = arith.addi %mul3A_218, %add3A_798 : i32
        %get3A_800 = arith.constant 0 : i32
        %get3A_801 = arith.index_cast %get3A_800 : i32 to index
        %get3A_802 = arith.index_cast %add3A_799 : i32 to index
        %get3A_803 = arith.constant 32 : index
        %get3A_804 = tpu.vector_load %arg7[%get3A_801, %get3A_802, %get3A_803] {strides = array<i32>} : memref<2x640x64xf32, #tpu.memory_space<vmem>>, vector<16xf32>,
        %add3A_805 = arith.addf %add3A_773, %get3A_804 : vector<16xf32>
        %add3A_806 = arith.constant 18 : i32
        %add3A_807 = arith.addi %mul3A_218, %add3A_806 : i32
        %get3A_808 = arith.constant 0 : i32
        %get3A_809 = arith.index_cast %get3A_808 : i32 to index
        %get3A_810 = arith.index_cast %add3A_807 : i32 to index
        %get3A_811 = arith.constant 48 : index
        %get3A_812 = tpu.vector_load %arg7[%get3A_809, %get3A_810, %get3A_811] {strides = array<i32>} : memref<2x640x64xf32, #tpu.memory_space<vmem>>, vector<16xf32>,
        %add3A_813 = arith.addf %add3A_781, %get3A_812 : vector<16xf32>
        %add3A_814 = arith.constant 19 : i32
        %add3A_815 = arith.addi %mul3A_218, %add3A_814 : i32
        %get3A_816 = arith.constant 0 : i32
        %get3A_817 = arith.index_cast %get3A_816 : i32 to index
        %get3A_818 = arith.index_cast %add3A_815 : i32 to index
        %get3A_819 = arith.constant 0 : index
        %get3A_820 = tpu.vector_load %arg7[%get3A_817, %get3A_818, %get3A_819] {strides = array<i32>} : memref<2x640x64xf32, #tpu.memory_space<vmem>>, vector<16xf32>,
        %add3A_821 = arith.addf %add3A_789, %get3A_820 : vector<16xf32>
        %add3A_822 = arith.constant 19 : i32
        %add3A_823 = arith.addi %mul3A_218, %add3A_822 : i32
        %get3A_824 = arith.constant 0 : i32
        %get3A_825 = arith.index_cast %get3A_824 : i32 to index
        %get3A_826 = arith.index_cast %add3A_823 : i32 to index
        %get3A_827 = arith.constant 16 : index
        %get3A_828 = tpu.vector_load %arg7[%get3A_825, %get3A_826, %get3A_827] {strides = array<i32>} : memref<2x640x64xf32, #tpu.memory_space<vmem>>, vector<16xf32>,
        %add3A_829 = arith.addf %add3A_797, %get3A_828 : vector<16xf32>
        %add3A_830 = arith.constant 19 : i32
        %add3A_831 = arith.addi %mul3A_218, %add3A_830 : i32
        %get3A_832 = arith.constant 0 : i32
        %get3A_833 = arith.index_cast %get3A_832 : i32 to index
        %get3A_834 = arith.index_cast %add3A_831 : i32 to index
        %get3A_835 = arith.constant 32 : index
        %get3A_836 = tpu.vector_load %arg7[%get3A_833, %get3A_834, %get3A_835] {strides = array<i32>} : memref<2x640x64xf32, #tpu.memory_space<vmem>>, vector<16xf32>,
        %add3A_837 = arith.addf %add3A_805, %get3A_836 : vector<16xf32>
        %add3A_838 = arith.constant 19 : i32
        %add3A_839 = arith.addi %mul3A_218, %add3A_838 : i32
        %get3A_840 = arith.constant 0 : i32
        %get3A_841 = arith.index_cast %get3A_840 : i32 to index
        %get3A_842 = arith.index_cast %add3A_839 : i32 to index
        %get3A_843 = arith.constant 48 : index
        %get3A_844 = tpu.vector_load %arg7[%get3A_841, %get3A_842, %get3A_843] {strides = array<i32>} : memref<2x640x64xf32, #tpu.memory_space<vmem>>, vector<16xf32>,
        %add3A_845 = arith.addf %add3A_813, %get3A_844 : vector<16xf32>
        %swap3A = arith.index_cast %scan3A_216 : i32 to index
        %swap3A_846 = arith.constant 0 : index
        %swap3A_847 = tpu.vector_load %arg8[%swap3A, %swap3A_846] {strides = array<i32>} : memref<32x64xf32, #tpu.memory_space<vmem>>, vector<16xf32>,
        tpu.vector_store %arg8[%swap3A, %swap3A_846], %add3A_821 {strides = array<i32>} : memref<32x64xf32, #tpu.memory_space<vmem>>, vector<16xf32>,
        %swap3A_848 = arith.index_cast %scan3A_216 : i32 to index
        %swap3A_849 = arith.constant 16 : index
        %swap3A_850 = tpu.vector_load %arg8[%swap3A_848, %swap3A_849] {strides = array<i32>} : memref<32x64xf32, #tpu.memory_space<vmem>>, vector<16xf32>,
        tpu.vector_store %arg8[%swap3A_848, %swap3A_849], %add3A_829 {strides = array<i32>} : memref<32x64xf32, #tpu.memory_space<vmem>>, vector<16xf32>,
        %swap3A_851 = arith.index_cast %scan3A_216 : i32 to index
        %swap3A_852 = arith.constant 32 : index
        %swap3A_853 = tpu.vector_load %arg8[%swap3A_851, %swap3A_852] {strides = array<i32>} : memref<32x64xf32, #tpu.memory_space<vmem>>, vector<16xf32>,
        tpu.vector_store %arg8[%swap3A_851, %swap3A_852], %add3A_837 {strides = array<i32>} : memref<32x64xf32, #tpu.memory_space<vmem>>, vector<16xf32>,
        %swap3A_854 = arith.index_cast %scan3A_216 : i32 to index
        %swap3A_855 = arith.constant 48 : index
        %swap3A_856 = tpu.vector_load %arg8[%swap3A_854, %swap3A_855] {strides = array<i32>} : memref<32x64xf32, #tpu.memory_space<vmem>>, vector<16xf32>,
        tpu.vector_store %arg8[%swap3A_854, %swap3A_855], %add3A_845 {strides = array<i32>} : memref<32x64xf32, #tpu.memory_space<vmem>>, vector<16xf32>,
      }
      %scan3A_170 = arith.constant 32 : i32
      %mul3A_171 = arith.constant 32 : i32
      %mul3A_172 = arith.muli %add3A_147, %mul3A_171 : i32
      %add3A_173 = arith.addi %mul3A_2, %mul3A_172 : i32
      "tpu.region"() ({
        %run_scoped3A = tpu.sem_alloc : memref<!tpu.dma_semaphore, #tpu.memory_space<semaphore_mem>>
        %dma_start3A_216 = arith.constant 0 : i32
        %dma_start3A_217 = tpu.memref_slice %arg4[%add3A_173, %dma_start3A_216] : memref<16384x64xf32, #tpu.memory_space<hbm>> -> memref<32x64xf32, #tpu.memory_space<hbm>>
        %dma_start3A_218 = arith.constant 0 : i32
        %dma_start3A_219 = tpu.memref_slice %arg4[%add3A_173, %dma_start3A_218] : memref<16384x64xf32, #tpu.memory_space<hbm>> -> memref<32x64xf32, #tpu.memory_space<hbm>>
        tpu.enqueue_dma source(%arg8 : memref<32x64xf32, #tpu.memory_space<vmem>>) target(%dma_start3A_219 : memref<32x64xf32, #tpu.memory_space<hbm>>) target_semaphore(%run_scoped3A : memref<!tpu.dma_semaphore, #tpu.memory_space<semaphore_mem>>)
        %dma_wait3A_220 = arith.constant 0 : i32
        %dma_wait3A_221 = tpu.memref_slice %arg4[%add3A_173, %dma_wait3A_220] : memref<16384x64xf32, #tpu.memory_space<hbm>> -> memref<32x64xf32, #tpu.memory_space<hbm>>
        %dma_wait3A_222 = arith.constant 0 : i32
        %dma_wait3A_223 = tpu.memref_slice %arg4[%add3A_173, %dma_wait3A_222] : memref<16384x64xf32, #tpu.memory_space<hbm>> -> memref<32x64xf32, #tpu.memory_space<hbm>>
        tpu.wait_dma2 semaphore(%run_scoped3A : memref<!tpu.dma_semaphore, #tpu.memory_space<semaphore_mem>>) src(%arg8 : memref<32x64xf32, #tpu.memory_space<vmem>>) dst(%dma_wait3A_223 : memref<32x64xf32, #tpu.memory_space<hbm>>)
        tpu.yield
      }) : () -> ()
      %add3A_174 = arith.constant 2 : i32
      %add3A_175 = arith.addi %add3A_147, %add3A_174 : i32
      %lt3A = arith.constant 16 : i32
      %lt3A_176 = arith.cmpi slt, %add3A_175, %lt3A : i32
      %convert_element_type3A = arith.extui %lt3A_176 : i1 to i32
      %cond3A = arith.constant 0 : i32
      %cond3A_177 = arith.cmpi ne, %convert_element_type3A, %cond3A : i32
      scf.if %cond3A_177 {
        %add3A_216 = arith.constant 2 : i32
        %add3A_217 = arith.addi %add3A_147, %add3A_216 : i32
        %mul3A_218 = arith.constant 640 : i32
        %mul3A_219 = arith.muli %add3A_217, %mul3A_218 : i32
        %add3A_220 = arith.addi %mul3A_4, %mul3A_219 : i32
        "tpu.region"() ({
          %run_scoped3A = tpu.sem_alloc : memref<!tpu.dma_semaphore, #tpu.memory_space<semaphore_mem>>
          %dma_start3A_286 = tpu.memref_slice %arg2[%add3A_220] : memref<327680xi32, #tpu.memory_space<hbm>> -> memref<640xi32, #tpu.memory_space<hbm>>
          %dma_start3A_287 = tpu.memref_slice %arg2[%add3A_220] : memref<327680xi32, #tpu.memory_space<hbm>> -> memref<640xi32, #tpu.memory_space<hbm>>
          tpu.enqueue_dma source(%dma_start3A_287 : memref<640xi32, #tpu.memory_space<hbm>>) target(%arg5 : memref<640xi32, #tpu.memory_space<vmem>>) target_semaphore(%run_scoped3A : memref<!tpu.dma_semaphore, #tpu.memory_space<semaphore_mem>>)
          %dma_wait3A_288 = tpu.memref_slice %arg2[%add3A_220] : memref<327680xi32, #tpu.memory_space<hbm>> -> memref<640xi32, #tpu.memory_space<hbm>>
          %dma_wait3A_289 = tpu.memref_slice %arg2[%add3A_220] : memref<327680xi32, #tpu.memory_space<hbm>> -> memref<640xi32, #tpu.memory_space<hbm>>
          tpu.wait_dma2 semaphore(%run_scoped3A : memref<!tpu.dma_semaphore, #tpu.memory_space<semaphore_mem>>) src(%dma_wait3A_289 : memref<640xi32, #tpu.memory_space<hbm>>) dst(%arg5 : memref<640xi32, #tpu.memory_space<vmem>>)
          tpu.yield
        }) : () -> ()
        %dma_start3A_221 = arith.constant 0 : i32
        %dma_start3A_222 = arith.constant 0 : i32
        %dma_start3A_223 = arith.constant 0 : i32
        %dma_start3A_224 = arith.constant 0 : i32
        %dma_start3A_225 = tpu.memref_slice %arg7[%dma_start3A_221, %dma_start3A_223, %dma_start3A_224] : memref<2x640x64xf32, #tpu.memory_space<vmem>> -> memref<1x128x64xf32, #tpu.memory_space<vmem>>
        %dma_start3A_226 = tpu.memref_squeeze %dma_start3A_225 : memref<1x128x64xf32, #tpu.memory_space<vmem>> -> memref<128x64xf32, #tpu.memory_space<vmem>>
        %dma_start3A_227 = arith.constant 0 : i32
        %dma_start3A_228 = tpu.memref_slice %arg5[%dma_start3A_227] : memref<640xi32, #tpu.memory_space<vmem>> -> memref<128xi32, #tpu.memory_space<vmem>>
        %dma_start3A_229 = arith.constant 0 : i32
        %dma_start3A_230 = arith.constant 0 : i32
        %dma_start3A_231 = tpu.memref_slice %arg3[%dma_start3A_229, %dma_start3A_230] : memref<1000001x64xf32, #tpu.memory_space<hbm>> -> memref<1000001x64xf32, #tpu.memory_space<hbm>>
        %dma_start3A_232 = tpu.memref_slice %arg9[%dma_start3A_222] : memref<2x!tpu.dma_semaphore, #tpu.memory_space<semaphore_mem>> -> memref<1x!tpu.dma_semaphore, #tpu.memory_space<semaphore_mem>>
        %dma_start3A_233 = tpu.memref_squeeze %dma_start3A_232 : memref<1x!tpu.dma_semaphore, #tpu.memory_space<semaphore_mem>> -> memref<!tpu.dma_semaphore, #tpu.memory_space<semaphore_mem>>
        tpu.enqueue_indirect_dma source(%dma_start3A_231 : memref<1000001x64xf32, #tpu.memory_space<hbm>>) target(%dma_start3A_226 : memref<128x64xf32, #tpu.memory_space<vmem>>) offsets(%dma_start3A_228 : memref<128xi32, #tpu.memory_space<vmem>>) semaphore(%dma_start3A_233 : memref<!tpu.dma_semaphore, #tpu.memory_space<semaphore_mem>>)
        %dma_start3A_234 = arith.constant 0 : i32
        %dma_start3A_235 = arith.constant 0 : i32
        %dma_start3A_236 = arith.constant 128 : i32
        %dma_start3A_237 = arith.constant 0 : i32
        %dma_start3A_238 = tpu.memref_slice %arg7[%dma_start3A_234, %dma_start3A_236, %dma_start3A_237] : memref<2x640x64xf32, #tpu.memory_space<vmem>> -> memref<1x128x64xf32, #tpu.memory_space<vmem>>
        %dma_start3A_239 = tpu.memref_squeeze %dma_start3A_238 : memref<1x128x64xf32, #tpu.memory_space<vmem>> -> memref<128x64xf32, #tpu.memory_space<vmem>>
        %dma_start3A_240 = arith.constant 128 : i32
        %dma_start3A_241 = tpu.memref_slice %arg5[%dma_start3A_240] : memref<640xi32, #tpu.memory_space<vmem>> -> memref<128xi32, #tpu.memory_space<vmem>>
        %dma_start3A_242 = arith.constant 0 : i32
        %dma_start3A_243 = arith.constant 0 : i32
        %dma_start3A_244 = tpu.memref_slice %arg3[%dma_start3A_242, %dma_start3A_243] : memref<1000001x64xf32, #tpu.memory_space<hbm>> -> memref<1000001x64xf32, #tpu.memory_space<hbm>>
        %dma_start3A_245 = tpu.memref_slice %arg9[%dma_start3A_235] : memref<2x!tpu.dma_semaphore, #tpu.memory_space<semaphore_mem>> -> memref<1x!tpu.dma_semaphore, #tpu.memory_space<semaphore_mem>>
        %dma_start3A_246 = tpu.memref_squeeze %dma_start3A_245 : memref<1x!tpu.dma_semaphore, #tpu.memory_space<semaphore_mem>> -> memref<!tpu.dma_semaphore, #tpu.memory_space<semaphore_mem>>
        tpu.enqueue_indirect_dma source(%dma_start3A_244 : memref<1000001x64xf32, #tpu.memory_space<hbm>>) target(%dma_start3A_239 : memref<128x64xf32, #tpu.memory_space<vmem>>) offsets(%dma_start3A_241 : memref<128xi32, #tpu.memory_space<vmem>>) semaphore(%dma_start3A_246 : memref<!tpu.dma_semaphore, #tpu.memory_space<semaphore_mem>>)
        %dma_start3A_247 = arith.constant 0 : i32
        %dma_start3A_248 = arith.constant 0 : i32
        %dma_start3A_249 = arith.constant 256 : i32
        %dma_start3A_250 = arith.constant 0 : i32
        %dma_start3A_251 = tpu.memref_slice %arg7[%dma_start3A_247, %dma_start3A_249, %dma_start3A_250] : memref<2x640x64xf32, #tpu.memory_space<vmem>> -> memref<1x128x64xf32, #tpu.memory_space<vmem>>
        %dma_start3A_252 = tpu.memref_squeeze %dma_start3A_251 : memref<1x128x64xf32, #tpu.memory_space<vmem>> -> memref<128x64xf32, #tpu.memory_space<vmem>>
        %dma_start3A_253 = arith.constant 256 : i32
        %dma_start3A_254 = tpu.memref_slice %arg5[%dma_start3A_253] : memref<640xi32, #tpu.memory_space<vmem>> -> memref<128xi32, #tpu.memory_space<vmem>>
        %dma_start3A_255 = arith.constant 0 : i32
        %dma_start3A_256 = arith.constant 0 : i32
        %dma_start3A_257 = tpu.memref_slice %arg3[%dma_start3A_255, %dma_start3A_256] : memref<1000001x64xf32, #tpu.memory_space<hbm>> -> memref<1000001x64xf32, #tpu.memory_space<hbm>>
        %dma_start3A_258 = tpu.memref_slice %arg9[%dma_start3A_248] : memref<2x!tpu.dma_semaphore, #tpu.memory_space<semaphore_mem>> -> memref<1x!tpu.dma_semaphore, #tpu.memory_space<semaphore_mem>>
        %dma_start3A_259 = tpu.memref_squeeze %dma_start3A_258 : memref<1x!tpu.dma_semaphore, #tpu.memory_space<semaphore_mem>> -> memref<!tpu.dma_semaphore, #tpu.memory_space<semaphore_mem>>
        tpu.enqueue_indirect_dma source(%dma_start3A_257 : memref<1000001x64xf32, #tpu.memory_space<hbm>>) target(%dma_start3A_252 : memref<128x64xf32, #tpu.memory_space<vmem>>) offsets(%dma_start3A_254 : memref<128xi32, #tpu.memory_space<vmem>>) semaphore(%dma_start3A_259 : memref<!tpu.dma_semaphore, #tpu.memory_space<semaphore_mem>>)
        %dma_start3A_260 = arith.constant 0 : i32
        %dma_start3A_261 = arith.constant 0 : i32
        %dma_start3A_262 = arith.constant 384 : i32
        %dma_start3A_263 = arith.constant 0 : i32
        %dma_start3A_264 = tpu.memref_slice %arg7[%dma_start3A_260, %dma_start3A_262, %dma_start3A_263] : memref<2x640x64xf32, #tpu.memory_space<vmem>> -> memref<1x128x64xf32, #tpu.memory_space<vmem>>
        %dma_start3A_265 = tpu.memref_squeeze %dma_start3A_264 : memref<1x128x64xf32, #tpu.memory_space<vmem>> -> memref<128x64xf32, #tpu.memory_space<vmem>>
        %dma_start3A_266 = arith.constant 384 : i32
        %dma_start3A_267 = tpu.memref_slice %arg5[%dma_start3A_266] : memref<640xi32, #tpu.memory_space<vmem>> -> memref<128xi32, #tpu.memory_space<vmem>>
        %dma_start3A_268 = arith.constant 0 : i32
        %dma_start3A_269 = arith.constant 0 : i32
        %dma_start3A_270 = tpu.memref_slice %arg3[%dma_start3A_268, %dma_start3A_269] : memref<1000001x64xf32, #tpu.memory_space<hbm>> -> memref<1000001x64xf32, #tpu.memory_space<hbm>>
        %dma_start3A_271 = tpu.memref_slice %arg9[%dma_start3A_261] : memref<2x!tpu.dma_semaphore, #tpu.memory_space<semaphore_mem>> -> memref<1x!tpu.dma_semaphore, #tpu.memory_space<semaphore_mem>>
        %dma_start3A_272 = tpu.memref_squeeze %dma_start3A_271 : memref<1x!tpu.dma_semaphore, #tpu.memory_space<semaphore_mem>> -> memref<!tpu.dma_semaphore, #tpu.memory_space<semaphore_mem>>
        tpu.enqueue_indirect_dma source(%dma_start3A_270 : memref<1000001x64xf32, #tpu.memory_space<hbm>>) target(%dma_start3A_265 : memref<128x64xf32, #tpu.memory_space<vmem>>) offsets(%dma_start3A_267 : memref<128xi32, #tpu.memory_space<vmem>>) semaphore(%dma_start3A_272 : memref<!tpu.dma_semaphore, #tpu.memory_space<semaphore_mem>>)
        %dma_start3A_273 = arith.constant 0 : i32
        %dma_start3A_274 = arith.constant 0 : i32
        %dma_start3A_275 = arith.constant 512 : i32
        %dma_start3A_276 = arith.constant 0 : i32
        %dma_start3A_277 = tpu.memref_slice %arg7[%dma_start3A_273, %dma_start3A_275, %dma_start3A_276] : memref<2x640x64xf32, #tpu.memory_space<vmem>> -> memref<1x128x64xf32, #tpu.memory_space<vmem>>
        %dma_start3A_278 = tpu.memref_squeeze %dma_start3A_277 : memref<1x128x64xf32, #tpu.memory_space<vmem>> -> memref<128x64xf32, #tpu.memory_space<vmem>>
        %dma_start3A_279 = arith.constant 512 : i32
        %dma_start3A_280 = tpu.memref_slice %arg5[%dma_start3A_279] : memref<640xi32, #tpu.memory_space<vmem>> -> memref<128xi32, #tpu.memory_space<vmem>>
        %dma_start3A_281 = arith.constant 0 : i32
        %dma_start3A_282 = arith.constant 0 : i32
        %dma_start3A_283 = tpu.memref_slice %arg3[%dma_start3A_281, %dma_start3A_282] : memref<1000001x64xf32, #tpu.memory_space<hbm>> -> memref<1000001x64xf32, #tpu.memory_space<hbm>>
        %dma_start3A_284 = tpu.memref_slice %arg9[%dma_start3A_274] : memref<2x!tpu.dma_semaphore, #tpu.memory_space<semaphore_mem>> -> memref<1x!tpu.dma_semaphore, #tpu.memory_space<semaphore_mem>>
        %dma_start3A_285 = tpu.memref_squeeze %dma_start3A_284 : memref<1x!tpu.dma_semaphore, #tpu.memory_space<semaphore_mem>> -> memref<!tpu.dma_semaphore, #tpu.memory_space<semaphore_mem>>
        tpu.enqueue_indirect_dma source(%dma_start3A_283 : memref<1000001x64xf32, #tpu.memory_space<hbm>>) target(%dma_start3A_278 : memref<128x64xf32, #tpu.memory_space<vmem>>) offsets(%dma_start3A_280 : memref<128xi32, #tpu.memory_space<vmem>>) semaphore(%dma_start3A_285 : memref<!tpu.dma_semaphore, #tpu.memory_space<semaphore_mem>>)
      } else {
      }
      %mul3A_178 = arith.constant 2 : i32
      %mul3A_179 = arith.muli %scan3A_143, %mul3A_178 : i32
      %add3A_180 = arith.constant 1 : i32
      %add3A_181 = arith.addi %mul3A_179, %add3A_180 : i32
      %dma_wait3A_182 = arith.constant 1 : i32
      %dma_wait3A_183 = arith.constant 1 : i32
      %dma_wait3A_184 = arith.constant 0 : i32
      %dma_wait3A_185 = arith.constant 0 : i32
      %dma_wait3A_186 = tpu.memref_slice %arg7[%dma_wait3A_182, %dma_wait3A_184, %dma_wait3A_185] : memref<2x640x64xf32, #tpu.memory_space<vmem>> -> memref<1x640x64xf32, #tpu.memory_space<vmem>>
      %dma_wait3A_187 = tpu.memref_squeeze %dma_wait3A_186 : memref<1x640x64xf32, #tpu.memory_space<vmem>> -> memref<640x64xf32, #tpu.memory_space<vmem>>
      %dma_wait3A_188 = arith.constant 0 : i32
      %dma_wait3A_189 = arith.constant 0 : i32
      %dma_wait3A_190 = tpu.memref_slice %arg3[%dma_wait3A_188, %dma_wait3A_189] : memref<1000001x64xf32, #tpu.memory_space<hbm>> -> memref<640x64xf32, #tpu.memory_space<hbm>>
      %dma_wait3A_191 = tpu.memref_slice %arg9[%dma_wait3A_183] : memref<2x!tpu.dma_semaphore, #tpu.memory_space<semaphore_mem>> -> memref<1x!tpu.dma_semaphore, #tpu.memory_space<semaphore_mem>>
      %dma_wait3A_192 = tpu.memref_squeeze %dma_wait3A_191 : memref<1x!tpu.dma_semaphore, #tpu.memory_space<semaphore_mem>> -> memref<!tpu.dma_semaphore, #tpu.memory_space<semaphore_mem>>
      %dma_wait3A_193 = arith.constant 0 : i32
      %dma_wait3A_194 = arith.constant 0 : i32
      %dma_wait3A_195 = tpu.memref_slice %arg7[%dma_wait3A_182, %dma_wait3A_193, %dma_wait3A_194] : memref<2x640x64xf32, #tpu.memory_space<vmem>> -> memref<1x640x64xf32, #tpu.memory_space<vmem>>
      %dma_wait3A_196 = tpu.memref_squeeze %dma_wait3A_195 : memref<1x640x64xf32, #tpu.memory_space<vmem>> -> memref<640x64xf32, #tpu.memory_space<vmem>>
      %dma_wait3A_197 = arith.constant 0 : i32
      %dma_wait3A_198 = arith.constant 0 : i32
      %dma_wait3A_199 = tpu.memref_slice %arg3[%dma_wait3A_197, %dma_wait3A_198] : memref<1000001x64xf32, #tpu.memory_space<hbm>> -> memref<640x64xf32, #tpu.memory_space<hbm>>
      tpu.wait_dma2 semaphore(%dma_wait3A_192 : memref<!tpu.dma_semaphore, #tpu.memory_space<semaphore_mem>>) src(%dma_wait3A_199 : memref<640x64xf32, #tpu.memory_space<hbm>>) dst(%dma_wait3A_196 : memref<640x64xf32, #tpu.memory_space<vmem>>)
      %scan3A_200 = arith.constant 0 : i32
      %scan3A_201 = arith.constant 0 : i32
      %scan3A_202 = arith.constant 32 : i32
      %scan3A_203 = arith.addi %scan3A_201, %scan3A_202 : i32
      %scan3A_204 = arith.constant 1 : i32
      scf.for %scan3A_216 = %scan3A_201 to %scan3A_203 step %scan3A_204  : i32 {
        %mul3A_217 = arith.constant 20 : i32
        %mul3A_218 = arith.muli %scan3A_216, %mul3A_217 : i32
        %get3A = arith.constant 1 : i32
        %get3A_219 = arith.index_cast %get3A : i32 to index
        %get3A_220 = arith.index_cast %mul3A_218 : i32 to index
        %get3A_221 = arith.constant 0 : index
        %get3A_222 = tpu.vector_load %arg7[%get3A_219, %get3A_220, %get3A_221] {strides = array<i32>} : memref<2x640x64xf32, #tpu.memory_space<vmem>>, vector<16xf32>,
        %get3A_223 = arith.constant 1 : i32
        %get3A_224 = arith.index_cast %get3A_223 : i32 to index
        %get3A_225 = arith.index_cast %mul3A_218 : i32 to index
        %get3A_226 = arith.constant 16 : index
        %get3A_227 = tpu.vector_load %arg7[%get3A_224, %get3A_225, %get3A_226] {strides = array<i32>} : memref<2x640x64xf32, #tpu.memory_space<vmem>>, vector<16xf32>,
        %get3A_228 = arith.constant 1 : i32
        %get3A_229 = arith.index_cast %get3A_228 : i32 to index
        %get3A_230 = arith.index_cast %mul3A_218 : i32 to index
        %get3A_231 = arith.constant 32 : index
        %get3A_232 = tpu.vector_load %arg7[%get3A_229, %get3A_230, %get3A_231] {strides = array<i32>} : memref<2x640x64xf32, #tpu.memory_space<vmem>>, vector<16xf32>,
        %get3A_233 = arith.constant 1 : i32
        %get3A_234 = arith.index_cast %get3A_233 : i32 to index
        %get3A_235 = arith.index_cast %mul3A_218 : i32 to index
        %get3A_236 = arith.constant 48 : index
        %get3A_237 = tpu.vector_load %arg7[%get3A_234, %get3A_235, %get3A_236] {strides = array<i32>} : memref<2x640x64xf32, #tpu.memory_space<vmem>>, vector<16xf32>,
        %add3A_238 = arith.constant 1 : i32
        %add3A_239 = arith.addi %mul3A_218, %add3A_238 : i32
        %get3A_240 = arith.constant 1 : i32
        %get3A_241 = arith.index_cast %get3A_240 : i32 to index
        %get3A_242 = arith.index_cast %add3A_239 : i32 to index
        %get3A_243 = arith.constant 0 : index
        %get3A_244 = tpu.vector_load %arg7[%get3A_241, %get3A_242, %get3A_243] {strides = array<i32>} : memref<2x640x64xf32, #tpu.memory_space<vmem>>, vector<16xf32>,
        %add3A_245 = arith.addf %get3A_222, %get3A_244 : vector<16xf32>
        %add3A_246 = arith.constant 1 : i32
        %add3A_247 = arith.addi %mul3A_218, %add3A_246 : i32
        %get3A_248 = arith.constant 1 : i32
        %get3A_249 = arith.index_cast %get3A_248 : i32 to index
        %get3A_250 = arith.index_cast %add3A_247 : i32 to index
        %get3A_251 = arith.constant 16 : index
        %get3A_252 = tpu.vector_load %arg7[%get3A_249, %get3A_250, %get3A_251] {strides = array<i32>} : memref<2x640x64xf32, #tpu.memory_space<vmem>>, vector<16xf32>,
        %add3A_253 = arith.addf %get3A_227, %get3A_252 : vector<16xf32>
        %add3A_254 = arith.constant 1 : i32
        %add3A_255 = arith.addi %mul3A_218, %add3A_254 : i32
        %get3A_256 = arith.constant 1 : i32
        %get3A_257 = arith.index_cast %get3A_256 : i32 to index
        %get3A_258 = arith.index_cast %add3A_255 : i32 to index
        %get3A_259 = arith.constant 32 : index
        %get3A_260 = tpu.vector_load %arg7[%get3A_257, %get3A_258, %get3A_259] {strides = array<i32>} : memref<2x640x64xf32, #tpu.memory_space<vmem>>, vector<16xf32>,
        %add3A_261 = arith.addf %get3A_232, %get3A_260 : vector<16xf32>
        %add3A_262 = arith.constant 1 : i32
        %add3A_263 = arith.addi %mul3A_218, %add3A_262 : i32
        %get3A_264 = arith.constant 1 : i32
        %get3A_265 = arith.index_cast %get3A_264 : i32 to index
        %get3A_266 = arith.index_cast %add3A_263 : i32 to index
        %get3A_267 = arith.constant 48 : index
        %get3A_268 = tpu.vector_load %arg7[%get3A_265, %get3A_266, %get3A_267] {strides = array<i32>} : memref<2x640x64xf32, #tpu.memory_space<vmem>>, vector<16xf32>,
        %add3A_269 = arith.addf %get3A_237, %get3A_268 : vector<16xf32>
        %add3A_270 = arith.constant 2 : i32
        %add3A_271 = arith.addi %mul3A_218, %add3A_270 : i32
        %get3A_272 = arith.constant 1 : i32
        %get3A_273 = arith.index_cast %get3A_272 : i32 to index
        %get3A_274 = arith.index_cast %add3A_271 : i32 to index
        %get3A_275 = arith.constant 0 : index
        %get3A_276 = tpu.vector_load %arg7[%get3A_273, %get3A_274, %get3A_275] {strides = array<i32>} : memref<2x640x64xf32, #tpu.memory_space<vmem>>, vector<16xf32>,
        %add3A_277 = arith.addf %add3A_245, %get3A_276 : vector<16xf32>
        %add3A_278 = arith.constant 2 : i32
        %add3A_279 = arith.addi %mul3A_218, %add3A_278 : i32
        %get3A_280 = arith.constant 1 : i32
        %get3A_281 = arith.index_cast %get3A_280 : i32 to index
        %get3A_282 = arith.index_cast %add3A_279 : i32 to index
        %get3A_283 = arith.constant 16 : index
        %get3A_284 = tpu.vector_load %arg7[%get3A_281, %get3A_282, %get3A_283] {strides = array<i32>} : memref<2x640x64xf32, #tpu.memory_space<vmem>>, vector<16xf32>,
        %add3A_285 = arith.addf %add3A_253, %get3A_284 : vector<16xf32>
        %add3A_286 = arith.constant 2 : i32
        %add3A_287 = arith.addi %mul3A_218, %add3A_286 : i32
        %get3A_288 = arith.constant 1 : i32
        %get3A_289 = arith.index_cast %get3A_288 : i32 to index
        %get3A_290 = arith.index_cast %add3A_287 : i32 to index
        %get3A_291 = arith.constant 32 : index
        %get3A_292 = tpu.vector_load %arg7[%get3A_289, %get3A_290, %get3A_291] {strides = array<i32>} : memref<2x640x64xf32, #tpu.memory_space<vmem>>, vector<16xf32>,
        %add3A_293 = arith.addf %add3A_261, %get3A_292 : vector<16xf32>
        %add3A_294 = arith.constant 2 : i32
        %add3A_295 = arith.addi %mul3A_218, %add3A_294 : i32
        %get3A_296 = arith.constant 1 : i32
        %get3A_297 = arith.index_cast %get3A_296 : i32 to index
        %get3A_298 = arith.index_cast %add3A_295 : i32 to index
        %get3A_299 = arith.constant 48 : index
        %get3A_300 = tpu.vector_load %arg7[%get3A_297, %get3A_298, %get3A_299] {strides = array<i32>} : memref<2x640x64xf32, #tpu.memory_space<vmem>>, vector<16xf32>,
        %add3A_301 = arith.addf %add3A_269, %get3A_300 : vector<16xf32>
        %add3A_302 = arith.constant 3 : i32
        %add3A_303 = arith.addi %mul3A_218, %add3A_302 : i32
        %get3A_304 = arith.constant 1 : i32
        %get3A_305 = arith.index_cast %get3A_304 : i32 to index
        %get3A_306 = arith.index_cast %add3A_303 : i32 to index
        %get3A_307 = arith.constant 0 : index
        %get3A_308 = tpu.vector_load %arg7[%get3A_305, %get3A_306, %get3A_307] {strides = array<i32>} : memref<2x640x64xf32, #tpu.memory_space<vmem>>, vector<16xf32>,
        %add3A_309 = arith.addf %add3A_277, %get3A_308 : vector<16xf32>
        %add3A_310 = arith.constant 3 : i32
        %add3A_311 = arith.addi %mul3A_218, %add3A_310 : i32
        %get3A_312 = arith.constant 1 : i32
        %get3A_313 = arith.index_cast %get3A_312 : i32 to index
        %get3A_314 = arith.index_cast %add3A_311 : i32 to index
        %get3A_315 = arith.constant 16 : index
        %get3A_316 = tpu.vector_load %arg7[%get3A_313, %get3A_314, %get3A_315] {strides = array<i32>} : memref<2x640x64xf32, #tpu.memory_space<vmem>>, vector<16xf32>,
        %add3A_317 = arith.addf %add3A_285, %get3A_316 : vector<16xf32>
        %add3A_318 = arith.constant 3 : i32
        %add3A_319 = arith.addi %mul3A_218, %add3A_318 : i32
        %get3A_320 = arith.constant 1 : i32
        %get3A_321 = arith.index_cast %get3A_320 : i32 to index
        %get3A_322 = arith.index_cast %add3A_319 : i32 to index
        %get3A_323 = arith.constant 32 : index
        %get3A_324 = tpu.vector_load %arg7[%get3A_321, %get3A_322, %get3A_323] {strides = array<i32>} : memref<2x640x64xf32, #tpu.memory_space<vmem>>, vector<16xf32>,
        %add3A_325 = arith.addf %add3A_293, %get3A_324 : vector<16xf32>
        %add3A_326 = arith.constant 3 : i32
        %add3A_327 = arith.addi %mul3A_218, %add3A_326 : i32
        %get3A_328 = arith.constant 1 : i32
        %get3A_329 = arith.index_cast %get3A_328 : i32 to index
        %get3A_330 = arith.index_cast %add3A_327 : i32 to index
        %get3A_331 = arith.constant 48 : index
        %get3A_332 = tpu.vector_load %arg7[%get3A_329, %get3A_330, %get3A_331] {strides = array<i32>} : memref<2x640x64xf32, #tpu.memory_space<vmem>>, vector<16xf32>,
        %add3A_333 = arith.addf %add3A_301, %get3A_332 : vector<16xf32>
        %add3A_334 = arith.constant 4 : i32
        %add3A_335 = arith.addi %mul3A_218, %add3A_334 : i32
        %get3A_336 = arith.constant 1 : i32
        %get3A_337 = arith.index_cast %get3A_336 : i32 to index
        %get3A_338 = arith.index_cast %add3A_335 : i32 to index
        %get3A_339 = arith.constant 0 : index
        %get3A_340 = tpu.vector_load %arg7[%get3A_337, %get3A_338, %get3A_339] {strides = array<i32>} : memref<2x640x64xf32, #tpu.memory_space<vmem>>, vector<16xf32>,
        %add3A_341 = arith.addf %add3A_309, %get3A_340 : vector<16xf32>
        %add3A_342 = arith.constant 4 : i32
        %add3A_343 = arith.addi %mul3A_218, %add3A_342 : i32
        %get3A_344 = arith.constant 1 : i32
        %get3A_345 = arith.index_cast %get3A_344 : i32 to index
        %get3A_346 = arith.index_cast %add3A_343 : i32 to index
        %get3A_347 = arith.constant 16 : index
        %get3A_348 = tpu.vector_load %arg7[%get3A_345, %get3A_346, %get3A_347] {strides = array<i32>} : memref<2x640x64xf32, #tpu.memory_space<vmem>>, vector<16xf32>,
        %add3A_349 = arith.addf %add3A_317, %get3A_348 : vector<16xf32>
        %add3A_350 = arith.constant 4 : i32
        %add3A_351 = arith.addi %mul3A_218, %add3A_350 : i32
        %get3A_352 = arith.constant 1 : i32
        %get3A_353 = arith.index_cast %get3A_352 : i32 to index
        %get3A_354 = arith.index_cast %add3A_351 : i32 to index
        %get3A_355 = arith.constant 32 : index
        %get3A_356 = tpu.vector_load %arg7[%get3A_353, %get3A_354, %get3A_355] {strides = array<i32>} : memref<2x640x64xf32, #tpu.memory_space<vmem>>, vector<16xf32>,
        %add3A_357 = arith.addf %add3A_325, %get3A_356 : vector<16xf32>
        %add3A_358 = arith.constant 4 : i32
        %add3A_359 = arith.addi %mul3A_218, %add3A_358 : i32
        %get3A_360 = arith.constant 1 : i32
        %get3A_361 = arith.index_cast %get3A_360 : i32 to index
        %get3A_362 = arith.index_cast %add3A_359 : i32 to index
        %get3A_363 = arith.constant 48 : index
        %get3A_364 = tpu.vector_load %arg7[%get3A_361, %get3A_362, %get3A_363] {strides = array<i32>} : memref<2x640x64xf32, #tpu.memory_space<vmem>>, vector<16xf32>,
        %add3A_365 = arith.addf %add3A_333, %get3A_364 : vector<16xf32>
        %add3A_366 = arith.constant 5 : i32
        %add3A_367 = arith.addi %mul3A_218, %add3A_366 : i32
        %get3A_368 = arith.constant 1 : i32
        %get3A_369 = arith.index_cast %get3A_368 : i32 to index
        %get3A_370 = arith.index_cast %add3A_367 : i32 to index
        %get3A_371 = arith.constant 0 : index
        %get3A_372 = tpu.vector_load %arg7[%get3A_369, %get3A_370, %get3A_371] {strides = array<i32>} : memref<2x640x64xf32, #tpu.memory_space<vmem>>, vector<16xf32>,
        %add3A_373 = arith.addf %add3A_341, %get3A_372 : vector<16xf32>
        %add3A_374 = arith.constant 5 : i32
        %add3A_375 = arith.addi %mul3A_218, %add3A_374 : i32
        %get3A_376 = arith.constant 1 : i32
        %get3A_377 = arith.index_cast %get3A_376 : i32 to index
        %get3A_378 = arith.index_cast %add3A_375 : i32 to index
        %get3A_379 = arith.constant 16 : index
        %get3A_380 = tpu.vector_load %arg7[%get3A_377, %get3A_378, %get3A_379] {strides = array<i32>} : memref<2x640x64xf32, #tpu.memory_space<vmem>>, vector<16xf32>,
        %add3A_381 = arith.addf %add3A_349, %get3A_380 : vector<16xf32>
        %add3A_382 = arith.constant 5 : i32
        %add3A_383 = arith.addi %mul3A_218, %add3A_382 : i32
        %get3A_384 = arith.constant 1 : i32
        %get3A_385 = arith.index_cast %get3A_384 : i32 to index
        %get3A_386 = arith.index_cast %add3A_383 : i32 to index
        %get3A_387 = arith.constant 32 : index
        %get3A_388 = tpu.vector_load %arg7[%get3A_385, %get3A_386, %get3A_387] {strides = array<i32>} : memref<2x640x64xf32, #tpu.memory_space<vmem>>, vector<16xf32>,
        %add3A_389 = arith.addf %add3A_357, %get3A_388 : vector<16xf32>
        %add3A_390 = arith.constant 5 : i32
        %add3A_391 = arith.addi %mul3A_218, %add3A_390 : i32
        %get3A_392 = arith.constant 1 : i32
        %get3A_393 = arith.index_cast %get3A_392 : i32 to index
        %get3A_394 = arith.index_cast %add3A_391 : i32 to index
        %get3A_395 = arith.constant 48 : index
        %get3A_396 = tpu.vector_load %arg7[%get3A_393, %get3A_394, %get3A_395] {strides = array<i32>} : memref<2x640x64xf32, #tpu.memory_space<vmem>>, vector<16xf32>,
        %add3A_397 = arith.addf %add3A_365, %get3A_396 : vector<16xf32>
        %add3A_398 = arith.constant 6 : i32
        %add3A_399 = arith.addi %mul3A_218, %add3A_398 : i32
        %get3A_400 = arith.constant 1 : i32
        %get3A_401 = arith.index_cast %get3A_400 : i32 to index
        %get3A_402 = arith.index_cast %add3A_399 : i32 to index
        %get3A_403 = arith.constant 0 : index
        %get3A_404 = tpu.vector_load %arg7[%get3A_401, %get3A_402, %get3A_403] {strides = array<i32>} : memref<2x640x64xf32, #tpu.memory_space<vmem>>, vector<16xf32>,
        %add3A_405 = arith.addf %add3A_373, %get3A_404 : vector<16xf32>
        %add3A_406 = arith.constant 6 : i32
        %add3A_407 = arith.addi %mul3A_218, %add3A_406 : i32
        %get3A_408 = arith.constant 1 : i32
        %get3A_409 = arith.index_cast %get3A_408 : i32 to index
        %get3A_410 = arith.index_cast %add3A_407 : i32 to index
        %get3A_411 = arith.constant 16 : index
        %get3A_412 = tpu.vector_load %arg7[%get3A_409, %get3A_410, %get3A_411] {strides = array<i32>} : memref<2x640x64xf32, #tpu.memory_space<vmem>>, vector<16xf32>,
        %add3A_413 = arith.addf %add3A_381, %get3A_412 : vector<16xf32>
        %add3A_414 = arith.constant 6 : i32
        %add3A_415 = arith.addi %mul3A_218, %add3A_414 : i32
        %get3A_416 = arith.constant 1 : i32
        %get3A_417 = arith.index_cast %get3A_416 : i32 to index
        %get3A_418 = arith.index_cast %add3A_415 : i32 to index
        %get3A_419 = arith.constant 32 : index
        %get3A_420 = tpu.vector_load %arg7[%get3A_417, %get3A_418, %get3A_419] {strides = array<i32>} : memref<2x640x64xf32, #tpu.memory_space<vmem>>, vector<16xf32>,
        %add3A_421 = arith.addf %add3A_389, %get3A_420 : vector<16xf32>
        %add3A_422 = arith.constant 6 : i32
        %add3A_423 = arith.addi %mul3A_218, %add3A_422 : i32
        %get3A_424 = arith.constant 1 : i32
        %get3A_425 = arith.index_cast %get3A_424 : i32 to index
        %get3A_426 = arith.index_cast %add3A_423 : i32 to index
        %get3A_427 = arith.constant 48 : index
        %get3A_428 = tpu.vector_load %arg7[%get3A_425, %get3A_426, %get3A_427] {strides = array<i32>} : memref<2x640x64xf32, #tpu.memory_space<vmem>>, vector<16xf32>,
        %add3A_429 = arith.addf %add3A_397, %get3A_428 : vector<16xf32>
        %add3A_430 = arith.constant 7 : i32
        %add3A_431 = arith.addi %mul3A_218, %add3A_430 : i32
        %get3A_432 = arith.constant 1 : i32
        %get3A_433 = arith.index_cast %get3A_432 : i32 to index
        %get3A_434 = arith.index_cast %add3A_431 : i32 to index
        %get3A_435 = arith.constant 0 : index
        %get3A_436 = tpu.vector_load %arg7[%get3A_433, %get3A_434, %get3A_435] {strides = array<i32>} : memref<2x640x64xf32, #tpu.memory_space<vmem>>, vector<16xf32>,
        %add3A_437 = arith.addf %add3A_405, %get3A_436 : vector<16xf32>
        %add3A_438 = arith.constant 7 : i32
        %add3A_439 = arith.addi %mul3A_218, %add3A_438 : i32
        %get3A_440 = arith.constant 1 : i32
        %get3A_441 = arith.index_cast %get3A_440 : i32 to index
        %get3A_442 = arith.index_cast %add3A_439 : i32 to index
        %get3A_443 = arith.constant 16 : index
        %get3A_444 = tpu.vector_load %arg7[%get3A_441, %get3A_442, %get3A_443] {strides = array<i32>} : memref<2x640x64xf32, #tpu.memory_space<vmem>>, vector<16xf32>,
        %add3A_445 = arith.addf %add3A_413, %get3A_444 : vector<16xf32>
        %add3A_446 = arith.constant 7 : i32
        %add3A_447 = arith.addi %mul3A_218, %add3A_446 : i32
        %get3A_448 = arith.constant 1 : i32
        %get3A_449 = arith.index_cast %get3A_448 : i32 to index
        %get3A_450 = arith.index_cast %add3A_447 : i32 to index
        %get3A_451 = arith.constant 32 : index
        %get3A_452 = tpu.vector_load %arg7[%get3A_449, %get3A_450, %get3A_451] {strides = array<i32>} : memref<2x640x64xf32, #tpu.memory_space<vmem>>, vector<16xf32>,
        %add3A_453 = arith.addf %add3A_421, %get3A_452 : vector<16xf32>
        %add3A_454 = arith.constant 7 : i32
        %add3A_455 = arith.addi %mul3A_218, %add3A_454 : i32
        %get3A_456 = arith.constant 1 : i32
        %get3A_457 = arith.index_cast %get3A_456 : i32 to index
        %get3A_458 = arith.index_cast %add3A_455 : i32 to index
        %get3A_459 = arith.constant 48 : index
        %get3A_460 = tpu.vector_load %arg7[%get3A_457, %get3A_458, %get3A_459] {strides = array<i32>} : memref<2x640x64xf32, #tpu.memory_space<vmem>>, vector<16xf32>,
        %add3A_461 = arith.addf %add3A_429, %get3A_460 : vector<16xf32>
        %add3A_462 = arith.constant 8 : i32
        %add3A_463 = arith.addi %mul3A_218, %add3A_462 : i32
        %get3A_464 = arith.constant 1 : i32
        %get3A_465 = arith.index_cast %get3A_464 : i32 to index
        %get3A_466 = arith.index_cast %add3A_463 : i32 to index
        %get3A_467 = arith.constant 0 : index
        %get3A_468 = tpu.vector_load %arg7[%get3A_465, %get3A_466, %get3A_467] {strides = array<i32>} : memref<2x640x64xf32, #tpu.memory_space<vmem>>, vector<16xf32>,
        %add3A_469 = arith.addf %add3A_437, %get3A_468 : vector<16xf32>
        %add3A_470 = arith.constant 8 : i32
        %add3A_471 = arith.addi %mul3A_218, %add3A_470 : i32
        %get3A_472 = arith.constant 1 : i32
        %get3A_473 = arith.index_cast %get3A_472 : i32 to index
        %get3A_474 = arith.index_cast %add3A_471 : i32 to index
        %get3A_475 = arith.constant 16 : index
        %get3A_476 = tpu.vector_load %arg7[%get3A_473, %get3A_474, %get3A_475] {strides = array<i32>} : memref<2x640x64xf32, #tpu.memory_space<vmem>>, vector<16xf32>,
        %add3A_477 = arith.addf %add3A_445, %get3A_476 : vector<16xf32>
        %add3A_478 = arith.constant 8 : i32
        %add3A_479 = arith.addi %mul3A_218, %add3A_478 : i32
        %get3A_480 = arith.constant 1 : i32
        %get3A_481 = arith.index_cast %get3A_480 : i32 to index
        %get3A_482 = arith.index_cast %add3A_479 : i32 to index
        %get3A_483 = arith.constant 32 : index
        %get3A_484 = tpu.vector_load %arg7[%get3A_481, %get3A_482, %get3A_483] {strides = array<i32>} : memref<2x640x64xf32, #tpu.memory_space<vmem>>, vector<16xf32>,
        %add3A_485 = arith.addf %add3A_453, %get3A_484 : vector<16xf32>
        %add3A_486 = arith.constant 8 : i32
        %add3A_487 = arith.addi %mul3A_218, %add3A_486 : i32
        %get3A_488 = arith.constant 1 : i32
        %get3A_489 = arith.index_cast %get3A_488 : i32 to index
        %get3A_490 = arith.index_cast %add3A_487 : i32 to index
        %get3A_491 = arith.constant 48 : index
        %get3A_492 = tpu.vector_load %arg7[%get3A_489, %get3A_490, %get3A_491] {strides = array<i32>} : memref<2x640x64xf32, #tpu.memory_space<vmem>>, vector<16xf32>,
        %add3A_493 = arith.addf %add3A_461, %get3A_492 : vector<16xf32>
        %add3A_494 = arith.constant 9 : i32
        %add3A_495 = arith.addi %mul3A_218, %add3A_494 : i32
        %get3A_496 = arith.constant 1 : i32
        %get3A_497 = arith.index_cast %get3A_496 : i32 to index
        %get3A_498 = arith.index_cast %add3A_495 : i32 to index
        %get3A_499 = arith.constant 0 : index
        %get3A_500 = tpu.vector_load %arg7[%get3A_497, %get3A_498, %get3A_499] {strides = array<i32>} : memref<2x640x64xf32, #tpu.memory_space<vmem>>, vector<16xf32>,
        %add3A_501 = arith.addf %add3A_469, %get3A_500 : vector<16xf32>
        %add3A_502 = arith.constant 9 : i32
        %add3A_503 = arith.addi %mul3A_218, %add3A_502 : i32
        %get3A_504 = arith.constant 1 : i32
        %get3A_505 = arith.index_cast %get3A_504 : i32 to index
        %get3A_506 = arith.index_cast %add3A_503 : i32 to index
        %get3A_507 = arith.constant 16 : index
        %get3A_508 = tpu.vector_load %arg7[%get3A_505, %get3A_506, %get3A_507] {strides = array<i32>} : memref<2x640x64xf32, #tpu.memory_space<vmem>>, vector<16xf32>,
        %add3A_509 = arith.addf %add3A_477, %get3A_508 : vector<16xf32>
        %add3A_510 = arith.constant 9 : i32
        %add3A_511 = arith.addi %mul3A_218, %add3A_510 : i32
        %get3A_512 = arith.constant 1 : i32
        %get3A_513 = arith.index_cast %get3A_512 : i32 to index
        %get3A_514 = arith.index_cast %add3A_511 : i32 to index
        %get3A_515 = arith.constant 32 : index
        %get3A_516 = tpu.vector_load %arg7[%get3A_513, %get3A_514, %get3A_515] {strides = array<i32>} : memref<2x640x64xf32, #tpu.memory_space<vmem>>, vector<16xf32>,
        %add3A_517 = arith.addf %add3A_485, %get3A_516 : vector<16xf32>
        %add3A_518 = arith.constant 9 : i32
        %add3A_519 = arith.addi %mul3A_218, %add3A_518 : i32
        %get3A_520 = arith.constant 1 : i32
        %get3A_521 = arith.index_cast %get3A_520 : i32 to index
        %get3A_522 = arith.index_cast %add3A_519 : i32 to index
        %get3A_523 = arith.constant 48 : index
        %get3A_524 = tpu.vector_load %arg7[%get3A_521, %get3A_522, %get3A_523] {strides = array<i32>} : memref<2x640x64xf32, #tpu.memory_space<vmem>>, vector<16xf32>,
        %add3A_525 = arith.addf %add3A_493, %get3A_524 : vector<16xf32>
        %add3A_526 = arith.constant 10 : i32
        %add3A_527 = arith.addi %mul3A_218, %add3A_526 : i32
        %get3A_528 = arith.constant 1 : i32
        %get3A_529 = arith.index_cast %get3A_528 : i32 to index
        %get3A_530 = arith.index_cast %add3A_527 : i32 to index
        %get3A_531 = arith.constant 0 : index
        %get3A_532 = tpu.vector_load %arg7[%get3A_529, %get3A_530, %get3A_531] {strides = array<i32>} : memref<2x640x64xf32, #tpu.memory_space<vmem>>, vector<16xf32>,
        %add3A_533 = arith.addf %add3A_501, %get3A_532 : vector<16xf32>
        %add3A_534 = arith.constant 10 : i32
        %add3A_535 = arith.addi %mul3A_218, %add3A_534 : i32
        %get3A_536 = arith.constant 1 : i32
        %get3A_537 = arith.index_cast %get3A_536 : i32 to index
        %get3A_538 = arith.index_cast %add3A_535 : i32 to index
        %get3A_539 = arith.constant 16 : index
        %get3A_540 = tpu.vector_load %arg7[%get3A_537, %get3A_538, %get3A_539] {strides = array<i32>} : memref<2x640x64xf32, #tpu.memory_space<vmem>>, vector<16xf32>,
        %add3A_541 = arith.addf %add3A_509, %get3A_540 : vector<16xf32>
        %add3A_542 = arith.constant 10 : i32
        %add3A_543 = arith.addi %mul3A_218, %add3A_542 : i32
        %get3A_544 = arith.constant 1 : i32
        %get3A_545 = arith.index_cast %get3A_544 : i32 to index
        %get3A_546 = arith.index_cast %add3A_543 : i32 to index
        %get3A_547 = arith.constant 32 : index
        %get3A_548 = tpu.vector_load %arg7[%get3A_545, %get3A_546, %get3A_547] {strides = array<i32>} : memref<2x640x64xf32, #tpu.memory_space<vmem>>, vector<16xf32>,
        %add3A_549 = arith.addf %add3A_517, %get3A_548 : vector<16xf32>
        %add3A_550 = arith.constant 10 : i32
        %add3A_551 = arith.addi %mul3A_218, %add3A_550 : i32
        %get3A_552 = arith.constant 1 : i32
        %get3A_553 = arith.index_cast %get3A_552 : i32 to index
        %get3A_554 = arith.index_cast %add3A_551 : i32 to index
        %get3A_555 = arith.constant 48 : index
        %get3A_556 = tpu.vector_load %arg7[%get3A_553, %get3A_554, %get3A_555] {strides = array<i32>} : memref<2x640x64xf32, #tpu.memory_space<vmem>>, vector<16xf32>,
        %add3A_557 = arith.addf %add3A_525, %get3A_556 : vector<16xf32>
        %add3A_558 = arith.constant 11 : i32
        %add3A_559 = arith.addi %mul3A_218, %add3A_558 : i32
        %get3A_560 = arith.constant 1 : i32
        %get3A_561 = arith.index_cast %get3A_560 : i32 to index
        %get3A_562 = arith.index_cast %add3A_559 : i32 to index
        %get3A_563 = arith.constant 0 : index
        %get3A_564 = tpu.vector_load %arg7[%get3A_561, %get3A_562, %get3A_563] {strides = array<i32>} : memref<2x640x64xf32, #tpu.memory_space<vmem>>, vector<16xf32>,
        %add3A_565 = arith.addf %add3A_533, %get3A_564 : vector<16xf32>
        %add3A_566 = arith.constant 11 : i32
        %add3A_567 = arith.addi %mul3A_218, %add3A_566 : i32
        %get3A_568 = arith.constant 1 : i32
        %get3A_569 = arith.index_cast %get3A_568 : i32 to index
        %get3A_570 = arith.index_cast %add3A_567 : i32 to index
        %get3A_571 = arith.constant 16 : index
        %get3A_572 = tpu.vector_load %arg7[%get3A_569, %get3A_570, %get3A_571] {strides = array<i32>} : memref<2x640x64xf32, #tpu.memory_space<vmem>>, vector<16xf32>,
        %add3A_573 = arith.addf %add3A_541, %get3A_572 : vector<16xf32>
        %add3A_574 = arith.constant 11 : i32
        %add3A_575 = arith.addi %mul3A_218, %add3A_574 : i32
        %get3A_576 = arith.constant 1 : i32
        %get3A_577 = arith.index_cast %get3A_576 : i32 to index
        %get3A_578 = arith.index_cast %add3A_575 : i32 to index
        %get3A_579 = arith.constant 32 : index
        %get3A_580 = tpu.vector_load %arg7[%get3A_577, %get3A_578, %get3A_579] {strides = array<i32>} : memref<2x640x64xf32, #tpu.memory_space<vmem>>, vector<16xf32>,
        %add3A_581 = arith.addf %add3A_549, %get3A_580 : vector<16xf32>
        %add3A_582 = arith.constant 11 : i32
        %add3A_583 = arith.addi %mul3A_218, %add3A_582 : i32
        %get3A_584 = arith.constant 1 : i32
        %get3A_585 = arith.index_cast %get3A_584 : i32 to index
        %get3A_586 = arith.index_cast %add3A_583 : i32 to index
        %get3A_587 = arith.constant 48 : index
        %get3A_588 = tpu.vector_load %arg7[%get3A_585, %get3A_586, %get3A_587] {strides = array<i32>} : memref<2x640x64xf32, #tpu.memory_space<vmem>>, vector<16xf32>,
        %add3A_589 = arith.addf %add3A_557, %get3A_588 : vector<16xf32>
        %add3A_590 = arith.constant 12 : i32
        %add3A_591 = arith.addi %mul3A_218, %add3A_590 : i32
        %get3A_592 = arith.constant 1 : i32
        %get3A_593 = arith.index_cast %get3A_592 : i32 to index
        %get3A_594 = arith.index_cast %add3A_591 : i32 to index
        %get3A_595 = arith.constant 0 : index
        %get3A_596 = tpu.vector_load %arg7[%get3A_593, %get3A_594, %get3A_595] {strides = array<i32>} : memref<2x640x64xf32, #tpu.memory_space<vmem>>, vector<16xf32>,
        %add3A_597 = arith.addf %add3A_565, %get3A_596 : vector<16xf32>
        %add3A_598 = arith.constant 12 : i32
        %add3A_599 = arith.addi %mul3A_218, %add3A_598 : i32
        %get3A_600 = arith.constant 1 : i32
        %get3A_601 = arith.index_cast %get3A_600 : i32 to index
        %get3A_602 = arith.index_cast %add3A_599 : i32 to index
        %get3A_603 = arith.constant 16 : index
        %get3A_604 = tpu.vector_load %arg7[%get3A_601, %get3A_602, %get3A_603] {strides = array<i32>} : memref<2x640x64xf32, #tpu.memory_space<vmem>>, vector<16xf32>,
        %add3A_605 = arith.addf %add3A_573, %get3A_604 : vector<16xf32>
        %add3A_606 = arith.constant 12 : i32
        %add3A_607 = arith.addi %mul3A_218, %add3A_606 : i32
        %get3A_608 = arith.constant 1 : i32
        %get3A_609 = arith.index_cast %get3A_608 : i32 to index
        %get3A_610 = arith.index_cast %add3A_607 : i32 to index
        %get3A_611 = arith.constant 32 : index
        %get3A_612 = tpu.vector_load %arg7[%get3A_609, %get3A_610, %get3A_611] {strides = array<i32>} : memref<2x640x64xf32, #tpu.memory_space<vmem>>, vector<16xf32>,
        %add3A_613 = arith.addf %add3A_581, %get3A_612 : vector<16xf32>
        %add3A_614 = arith.constant 12 : i32
        %add3A_615 = arith.addi %mul3A_218, %add3A_614 : i32
        %get3A_616 = arith.constant 1 : i32
        %get3A_617 = arith.index_cast %get3A_616 : i32 to index
        %get3A_618 = arith.index_cast %add3A_615 : i32 to index
        %get3A_619 = arith.constant 48 : index
        %get3A_620 = tpu.vector_load %arg7[%get3A_617, %get3A_618, %get3A_619] {strides = array<i32>} : memref<2x640x64xf32, #tpu.memory_space<vmem>>, vector<16xf32>,
        %add3A_621 = arith.addf %add3A_589, %get3A_620 : vector<16xf32>
        %add3A_622 = arith.constant 13 : i32
        %add3A_623 = arith.addi %mul3A_218, %add3A_622 : i32
        %get3A_624 = arith.constant 1 : i32
        %get3A_625 = arith.index_cast %get3A_624 : i32 to index
        %get3A_626 = arith.index_cast %add3A_623 : i32 to index
        %get3A_627 = arith.constant 0 : index
        %get3A_628 = tpu.vector_load %arg7[%get3A_625, %get3A_626, %get3A_627] {strides = array<i32>} : memref<2x640x64xf32, #tpu.memory_space<vmem>>, vector<16xf32>,
        %add3A_629 = arith.addf %add3A_597, %get3A_628 : vector<16xf32>
        %add3A_630 = arith.constant 13 : i32
        %add3A_631 = arith.addi %mul3A_218, %add3A_630 : i32
        %get3A_632 = arith.constant 1 : i32
        %get3A_633 = arith.index_cast %get3A_632 : i32 to index
        %get3A_634 = arith.index_cast %add3A_631 : i32 to index
        %get3A_635 = arith.constant 16 : index
        %get3A_636 = tpu.vector_load %arg7[%get3A_633, %get3A_634, %get3A_635] {strides = array<i32>} : memref<2x640x64xf32, #tpu.memory_space<vmem>>, vector<16xf32>,
        %add3A_637 = arith.addf %add3A_605, %get3A_636 : vector<16xf32>
        %add3A_638 = arith.constant 13 : i32
        %add3A_639 = arith.addi %mul3A_218, %add3A_638 : i32
        %get3A_640 = arith.constant 1 : i32
        %get3A_641 = arith.index_cast %get3A_640 : i32 to index
        %get3A_642 = arith.index_cast %add3A_639 : i32 to index
        %get3A_643 = arith.constant 32 : index
        %get3A_644 = tpu.vector_load %arg7[%get3A_641, %get3A_642, %get3A_643] {strides = array<i32>} : memref<2x640x64xf32, #tpu.memory_space<vmem>>, vector<16xf32>,
        %add3A_645 = arith.addf %add3A_613, %get3A_644 : vector<16xf32>
        %add3A_646 = arith.constant 13 : i32
        %add3A_647 = arith.addi %mul3A_218, %add3A_646 : i32
        %get3A_648 = arith.constant 1 : i32
        %get3A_649 = arith.index_cast %get3A_648 : i32 to index
        %get3A_650 = arith.index_cast %add3A_647 : i32 to index
        %get3A_651 = arith.constant 48 : index
        %get3A_652 = tpu.vector_load %arg7[%get3A_649, %get3A_650, %get3A_651] {strides = array<i32>} : memref<2x640x64xf32, #tpu.memory_space<vmem>>, vector<16xf32>,
        %add3A_653 = arith.addf %add3A_621, %get3A_652 : vector<16xf32>
        %add3A_654 = arith.constant 14 : i32
        %add3A_655 = arith.addi %mul3A_218, %add3A_654 : i32
        %get3A_656 = arith.constant 1 : i32
        %get3A_657 = arith.index_cast %get3A_656 : i32 to index
        %get3A_658 = arith.index_cast %add3A_655 : i32 to index
        %get3A_659 = arith.constant 0 : index
        %get3A_660 = tpu.vector_load %arg7[%get3A_657, %get3A_658, %get3A_659] {strides = array<i32>} : memref<2x640x64xf32, #tpu.memory_space<vmem>>, vector<16xf32>,
        %add3A_661 = arith.addf %add3A_629, %get3A_660 : vector<16xf32>
        %add3A_662 = arith.constant 14 : i32
        %add3A_663 = arith.addi %mul3A_218, %add3A_662 : i32
        %get3A_664 = arith.constant 1 : i32
        %get3A_665 = arith.index_cast %get3A_664 : i32 to index
        %get3A_666 = arith.index_cast %add3A_663 : i32 to index
        %get3A_667 = arith.constant 16 : index
        %get3A_668 = tpu.vector_load %arg7[%get3A_665, %get3A_666, %get3A_667] {strides = array<i32>} : memref<2x640x64xf32, #tpu.memory_space<vmem>>, vector<16xf32>,
        %add3A_669 = arith.addf %add3A_637, %get3A_668 : vector<16xf32>
        %add3A_670 = arith.constant 14 : i32
        %add3A_671 = arith.addi %mul3A_218, %add3A_670 : i32
        %get3A_672 = arith.constant 1 : i32
        %get3A_673 = arith.index_cast %get3A_672 : i32 to index
        %get3A_674 = arith.index_cast %add3A_671 : i32 to index
        %get3A_675 = arith.constant 32 : index
        %get3A_676 = tpu.vector_load %arg7[%get3A_673, %get3A_674, %get3A_675] {strides = array<i32>} : memref<2x640x64xf32, #tpu.memory_space<vmem>>, vector<16xf32>,
        %add3A_677 = arith.addf %add3A_645, %get3A_676 : vector<16xf32>
        %add3A_678 = arith.constant 14 : i32
        %add3A_679 = arith.addi %mul3A_218, %add3A_678 : i32
        %get3A_680 = arith.constant 1 : i32
        %get3A_681 = arith.index_cast %get3A_680 : i32 to index
        %get3A_682 = arith.index_cast %add3A_679 : i32 to index
        %get3A_683 = arith.constant 48 : index
        %get3A_684 = tpu.vector_load %arg7[%get3A_681, %get3A_682, %get3A_683] {strides = array<i32>} : memref<2x640x64xf32, #tpu.memory_space<vmem>>, vector<16xf32>,
        %add3A_685 = arith.addf %add3A_653, %get3A_684 : vector<16xf32>
        %add3A_686 = arith.constant 15 : i32
        %add3A_687 = arith.addi %mul3A_218, %add3A_686 : i32
        %get3A_688 = arith.constant 1 : i32
        %get3A_689 = arith.index_cast %get3A_688 : i32 to index
        %get3A_690 = arith.index_cast %add3A_687 : i32 to index
        %get3A_691 = arith.constant 0 : index
        %get3A_692 = tpu.vector_load %arg7[%get3A_689, %get3A_690, %get3A_691] {strides = array<i32>} : memref<2x640x64xf32, #tpu.memory_space<vmem>>, vector<16xf32>,
        %add3A_693 = arith.addf %add3A_661, %get3A_692 : vector<16xf32>
        %add3A_694 = arith.constant 15 : i32
        %add3A_695 = arith.addi %mul3A_218, %add3A_694 : i32
        %get3A_696 = arith.constant 1 : i32
        %get3A_697 = arith.index_cast %get3A_696 : i32 to index
        %get3A_698 = arith.index_cast %add3A_695 : i32 to index
        %get3A_699 = arith.constant 16 : index
        %get3A_700 = tpu.vector_load %arg7[%get3A_697, %get3A_698, %get3A_699] {strides = array<i32>} : memref<2x640x64xf32, #tpu.memory_space<vmem>>, vector<16xf32>,
        %add3A_701 = arith.addf %add3A_669, %get3A_700 : vector<16xf32>
        %add3A_702 = arith.constant 15 : i32
        %add3A_703 = arith.addi %mul3A_218, %add3A_702 : i32
        %get3A_704 = arith.constant 1 : i32
        %get3A_705 = arith.index_cast %get3A_704 : i32 to index
        %get3A_706 = arith.index_cast %add3A_703 : i32 to index
        %get3A_707 = arith.constant 32 : index
        %get3A_708 = tpu.vector_load %arg7[%get3A_705, %get3A_706, %get3A_707] {strides = array<i32>} : memref<2x640x64xf32, #tpu.memory_space<vmem>>, vector<16xf32>,
        %add3A_709 = arith.addf %add3A_677, %get3A_708 : vector<16xf32>
        %add3A_710 = arith.constant 15 : i32
        %add3A_711 = arith.addi %mul3A_218, %add3A_710 : i32
        %get3A_712 = arith.constant 1 : i32
        %get3A_713 = arith.index_cast %get3A_712 : i32 to index
        %get3A_714 = arith.index_cast %add3A_711 : i32 to index
        %get3A_715 = arith.constant 48 : index
        %get3A_716 = tpu.vector_load %arg7[%get3A_713, %get3A_714, %get3A_715] {strides = array<i32>} : memref<2x640x64xf32, #tpu.memory_space<vmem>>, vector<16xf32>,
        %add3A_717 = arith.addf %add3A_685, %get3A_716 : vector<16xf32>
        %add3A_718 = arith.constant 16 : i32
        %add3A_719 = arith.addi %mul3A_218, %add3A_718 : i32
        %get3A_720 = arith.constant 1 : i32
        %get3A_721 = arith.index_cast %get3A_720 : i32 to index
        %get3A_722 = arith.index_cast %add3A_719 : i32 to index
        %get3A_723 = arith.constant 0 : index
        %get3A_724 = tpu.vector_load %arg7[%get3A_721, %get3A_722, %get3A_723] {strides = array<i32>} : memref<2x640x64xf32, #tpu.memory_space<vmem>>, vector<16xf32>,
        %add3A_725 = arith.addf %add3A_693, %get3A_724 : vector<16xf32>
        %add3A_726 = arith.constant 16 : i32
        %add3A_727 = arith.addi %mul3A_218, %add3A_726 : i32
        %get3A_728 = arith.constant 1 : i32
        %get3A_729 = arith.index_cast %get3A_728 : i32 to index
        %get3A_730 = arith.index_cast %add3A_727 : i32 to index
        %get3A_731 = arith.constant 16 : index
        %get3A_732 = tpu.vector_load %arg7[%get3A_729, %get3A_730, %get3A_731] {strides = array<i32>} : memref<2x640x64xf32, #tpu.memory_space<vmem>>, vector<16xf32>,
        %add3A_733 = arith.addf %add3A_701, %get3A_732 : vector<16xf32>
        %add3A_734 = arith.constant 16 : i32
        %add3A_735 = arith.addi %mul3A_218, %add3A_734 : i32
        %get3A_736 = arith.constant 1 : i32
        %get3A_737 = arith.index_cast %get3A_736 : i32 to index
        %get3A_738 = arith.index_cast %add3A_735 : i32 to index
        %get3A_739 = arith.constant 32 : index
        %get3A_740 = tpu.vector_load %arg7[%get3A_737, %get3A_738, %get3A_739] {strides = array<i32>} : memref<2x640x64xf32, #tpu.memory_space<vmem>>, vector<16xf32>,
        %add3A_741 = arith.addf %add3A_709, %get3A_740 : vector<16xf32>
        %add3A_742 = arith.constant 16 : i32
        %add3A_743 = arith.addi %mul3A_218, %add3A_742 : i32
        %get3A_744 = arith.constant 1 : i32
        %get3A_745 = arith.index_cast %get3A_744 : i32 to index
        %get3A_746 = arith.index_cast %add3A_743 : i32 to index
        %get3A_747 = arith.constant 48 : index
        %get3A_748 = tpu.vector_load %arg7[%get3A_745, %get3A_746, %get3A_747] {strides = array<i32>} : memref<2x640x64xf32, #tpu.memory_space<vmem>>, vector<16xf32>,
        %add3A_749 = arith.addf %add3A_717, %get3A_748 : vector<16xf32>
        %add3A_750 = arith.constant 17 : i32
        %add3A_751 = arith.addi %mul3A_218, %add3A_750 : i32
        %get3A_752 = arith.constant 1 : i32
        %get3A_753 = arith.index_cast %get3A_752 : i32 to index
        %get3A_754 = arith.index_cast %add3A_751 : i32 to index
        %get3A_755 = arith.constant 0 : index
        %get3A_756 = tpu.vector_load %arg7[%get3A_753, %get3A_754, %get3A_755] {strides = array<i32>} : memref<2x640x64xf32, #tpu.memory_space<vmem>>, vector<16xf32>,
        %add3A_757 = arith.addf %add3A_725, %get3A_756 : vector<16xf32>
        %add3A_758 = arith.constant 17 : i32
        %add3A_759 = arith.addi %mul3A_218, %add3A_758 : i32
        %get3A_760 = arith.constant 1 : i32
        %get3A_761 = arith.index_cast %get3A_760 : i32 to index
        %get3A_762 = arith.index_cast %add3A_759 : i32 to index
        %get3A_763 = arith.constant 16 : index
        %get3A_764 = tpu.vector_load %arg7[%get3A_761, %get3A_762, %get3A_763] {strides = array<i32>} : memref<2x640x64xf32, #tpu.memory_space<vmem>>, vector<16xf32>,
        %add3A_765 = arith.addf %add3A_733, %get3A_764 : vector<16xf32>
        %add3A_766 = arith.constant 17 : i32
        %add3A_767 = arith.addi %mul3A_218, %add3A_766 : i32
        %get3A_768 = arith.constant 1 : i32
        %get3A_769 = arith.index_cast %get3A_768 : i32 to index
        %get3A_770 = arith.index_cast %add3A_767 : i32 to index
        %get3A_771 = arith.constant 32 : index
        %get3A_772 = tpu.vector_load %arg7[%get3A_769, %get3A_770, %get3A_771] {strides = array<i32>} : memref<2x640x64xf32, #tpu.memory_space<vmem>>, vector<16xf32>,
        %add3A_773 = arith.addf %add3A_741, %get3A_772 : vector<16xf32>
        %add3A_774 = arith.constant 17 : i32
        %add3A_775 = arith.addi %mul3A_218, %add3A_774 : i32
        %get3A_776 = arith.constant 1 : i32
        %get3A_777 = arith.index_cast %get3A_776 : i32 to index
        %get3A_778 = arith.index_cast %add3A_775 : i32 to index
        %get3A_779 = arith.constant 48 : index
        %get3A_780 = tpu.vector_load %arg7[%get3A_777, %get3A_778, %get3A_779] {strides = array<i32>} : memref<2x640x64xf32, #tpu.memory_space<vmem>>, vector<16xf32>,
        %add3A_781 = arith.addf %add3A_749, %get3A_780 : vector<16xf32>
        %add3A_782 = arith.constant 18 : i32
        %add3A_783 = arith.addi %mul3A_218, %add3A_782 : i32
        %get3A_784 = arith.constant 1 : i32
        %get3A_785 = arith.index_cast %get3A_784 : i32 to index
        %get3A_786 = arith.index_cast %add3A_783 : i32 to index
        %get3A_787 = arith.constant 0 : index
        %get3A_788 = tpu.vector_load %arg7[%get3A_785, %get3A_786, %get3A_787] {strides = array<i32>} : memref<2x640x64xf32, #tpu.memory_space<vmem>>, vector<16xf32>,
        %add3A_789 = arith.addf %add3A_757, %get3A_788 : vector<16xf32>
        %add3A_790 = arith.constant 18 : i32
        %add3A_791 = arith.addi %mul3A_218, %add3A_790 : i32
        %get3A_792 = arith.constant 1 : i32
        %get3A_793 = arith.index_cast %get3A_792 : i32 to index
        %get3A_794 = arith.index_cast %add3A_791 : i32 to index
        %get3A_795 = arith.constant 16 : index
        %get3A_796 = tpu.vector_load %arg7[%get3A_793, %get3A_794, %get3A_795] {strides = array<i32>} : memref<2x640x64xf32, #tpu.memory_space<vmem>>, vector<16xf32>,
        %add3A_797 = arith.addf %add3A_765, %get3A_796 : vector<16xf32>
        %add3A_798 = arith.constant 18 : i32
        %add3A_799 = arith.addi %mul3A_218, %add3A_798 : i32
        %get3A_800 = arith.constant 1 : i32
        %get3A_801 = arith.index_cast %get3A_800 : i32 to index
        %get3A_802 = arith.index_cast %add3A_799 : i32 to index
        %get3A_803 = arith.constant 32 : index
        %get3A_804 = tpu.vector_load %arg7[%get3A_801, %get3A_802, %get3A_803] {strides = array<i32>} : memref<2x640x64xf32, #tpu.memory_space<vmem>>, vector<16xf32>,
        %add3A_805 = arith.addf %add3A_773, %get3A_804 : vector<16xf32>
        %add3A_806 = arith.constant 18 : i32
        %add3A_807 = arith.addi %mul3A_218, %add3A_806 : i32
        %get3A_808 = arith.constant 1 : i32
        %get3A_809 = arith.index_cast %get3A_808 : i32 to index
        %get3A_810 = arith.index_cast %add3A_807 : i32 to index
        %get3A_811 = arith.constant 48 : index
        %get3A_812 = tpu.vector_load %arg7[%get3A_809, %get3A_810, %get3A_811] {strides = array<i32>} : memref<2x640x64xf32, #tpu.memory_space<vmem>>, vector<16xf32>,
        %add3A_813 = arith.addf %add3A_781, %get3A_812 : vector<16xf32>
        %add3A_814 = arith.constant 19 : i32
        %add3A_815 = arith.addi %mul3A_218, %add3A_814 : i32
        %get3A_816 = arith.constant 1 : i32
        %get3A_817 = arith.index_cast %get3A_816 : i32 to index
        %get3A_818 = arith.index_cast %add3A_815 : i32 to index
        %get3A_819 = arith.constant 0 : index
        %get3A_820 = tpu.vector_load %arg7[%get3A_817, %get3A_818, %get3A_819] {strides = array<i32>} : memref<2x640x64xf32, #tpu.memory_space<vmem>>, vector<16xf32>,
        %add3A_821 = arith.addf %add3A_789, %get3A_820 : vector<16xf32>
        %add3A_822 = arith.constant 19 : i32
        %add3A_823 = arith.addi %mul3A_218, %add3A_822 : i32
        %get3A_824 = arith.constant 1 : i32
        %get3A_825 = arith.index_cast %get3A_824 : i32 to index
        %get3A_826 = arith.index_cast %add3A_823 : i32 to index
        %get3A_827 = arith.constant 16 : index
        %get3A_828 = tpu.vector_load %arg7[%get3A_825, %get3A_826, %get3A_827] {strides = array<i32>} : memref<2x640x64xf32, #tpu.memory_space<vmem>>, vector<16xf32>,
        %add3A_829 = arith.addf %add3A_797, %get3A_828 : vector<16xf32>
        %add3A_830 = arith.constant 19 : i32
        %add3A_831 = arith.addi %mul3A_218, %add3A_830 : i32
        %get3A_832 = arith.constant 1 : i32
        %get3A_833 = arith.index_cast %get3A_832 : i32 to index
        %get3A_834 = arith.index_cast %add3A_831 : i32 to index
        %get3A_835 = arith.constant 32 : index
        %get3A_836 = tpu.vector_load %arg7[%get3A_833, %get3A_834, %get3A_835] {strides = array<i32>} : memref<2x640x64xf32, #tpu.memory_space<vmem>>, vector<16xf32>,
        %add3A_837 = arith.addf %add3A_805, %get3A_836 : vector<16xf32>
        %add3A_838 = arith.constant 19 : i32
        %add3A_839 = arith.addi %mul3A_218, %add3A_838 : i32
        %get3A_840 = arith.constant 1 : i32
        %get3A_841 = arith.index_cast %get3A_840 : i32 to index
        %get3A_842 = arith.index_cast %add3A_839 : i32 to index
        %get3A_843 = arith.constant 48 : index
        %get3A_844 = tpu.vector_load %arg7[%get3A_841, %get3A_842, %get3A_843] {strides = array<i32>} : memref<2x640x64xf32, #tpu.memory_space<vmem>>, vector<16xf32>,
        %add3A_845 = arith.addf %add3A_813, %get3A_844 : vector<16xf32>
        %swap3A = arith.index_cast %scan3A_216 : i32 to index
        %swap3A_846 = arith.constant 0 : index
        %swap3A_847 = tpu.vector_load %arg8[%swap3A, %swap3A_846] {strides = array<i32>} : memref<32x64xf32, #tpu.memory_space<vmem>>, vector<16xf32>,
        tpu.vector_store %arg8[%swap3A, %swap3A_846], %add3A_821 {strides = array<i32>} : memref<32x64xf32, #tpu.memory_space<vmem>>, vector<16xf32>,
        %swap3A_848 = arith.index_cast %scan3A_216 : i32 to index
        %swap3A_849 = arith.constant 16 : index
        %swap3A_850 = tpu.vector_load %arg8[%swap3A_848, %swap3A_849] {strides = array<i32>} : memref<32x64xf32, #tpu.memory_space<vmem>>, vector<16xf32>,
        tpu.vector_store %arg8[%swap3A_848, %swap3A_849], %add3A_829 {strides = array<i32>} : memref<32x64xf32, #tpu.memory_space<vmem>>, vector<16xf32>,
        %swap3A_851 = arith.index_cast %scan3A_216 : i32 to index
        %swap3A_852 = arith.constant 32 : index
        %swap3A_853 = tpu.vector_load %arg8[%swap3A_851, %swap3A_852] {strides = array<i32>} : memref<32x64xf32, #tpu.memory_space<vmem>>, vector<16xf32>,
        tpu.vector_store %arg8[%swap3A_851, %swap3A_852], %add3A_837 {strides = array<i32>} : memref<32x64xf32, #tpu.memory_space<vmem>>, vector<16xf32>,
        %swap3A_854 = arith.index_cast %scan3A_216 : i32 to index
        %swap3A_855 = arith.constant 48 : index
        %swap3A_856 = tpu.vector_load %arg8[%swap3A_854, %swap3A_855] {strides = array<i32>} : memref<32x64xf32, #tpu.memory_space<vmem>>, vector<16xf32>,
        tpu.vector_store %arg8[%swap3A_854, %swap3A_855], %add3A_845 {strides = array<i32>} : memref<32x64xf32, #tpu.memory_space<vmem>>, vector<16xf32>,
      }
      %scan3A_205 = arith.constant 32 : i32
      %mul3A_206 = arith.constant 32 : i32
      %mul3A_207 = arith.muli %add3A_181, %mul3A_206 : i32
      %add3A_208 = arith.addi %mul3A_2, %mul3A_207 : i32
      "tpu.region"() ({
        %run_scoped3A = tpu.sem_alloc : memref<!tpu.dma_semaphore, #tpu.memory_space<semaphore_mem>>
        %dma_start3A_216 = arith.constant 0 : i32
        %dma_start3A_217 = tpu.memref_slice %arg4[%add3A_208, %dma_start3A_216] : memref<16384x64xf32, #tpu.memory_space<hbm>> -> memref<32x64xf32, #tpu.memory_space<hbm>>
        %dma_start3A_218 = arith.constant 0 : i32
        %dma_start3A_219 = tpu.memref_slice %arg4[%add3A_208, %dma_start3A_218] : memref<16384x64xf32, #tpu.memory_space<hbm>> -> memref<32x64xf32, #tpu.memory_space<hbm>>
        tpu.enqueue_dma source(%arg8 : memref<32x64xf32, #tpu.memory_space<vmem>>) target(%dma_start3A_219 : memref<32x64xf32, #tpu.memory_space<hbm>>) target_semaphore(%run_scoped3A : memref<!tpu.dma_semaphore, #tpu.memory_space<semaphore_mem>>)
        %dma_wait3A_220 = arith.constant 0 : i32
        %dma_wait3A_221 = tpu.memref_slice %arg4[%add3A_208, %dma_wait3A_220] : memref<16384x64xf32, #tpu.memory_space<hbm>> -> memref<32x64xf32, #tpu.memory_space<hbm>>
        %dma_wait3A_222 = arith.constant 0 : i32
        %dma_wait3A_223 = tpu.memref_slice %arg4[%add3A_208, %dma_wait3A_222] : memref<16384x64xf32, #tpu.memory_space<hbm>> -> memref<32x64xf32, #tpu.memory_space<hbm>>
        tpu.wait_dma2 semaphore(%run_scoped3A : memref<!tpu.dma_semaphore, #tpu.memory_space<semaphore_mem>>) src(%arg8 : memref<32x64xf32, #tpu.memory_space<vmem>>) dst(%dma_wait3A_223 : memref<32x64xf32, #tpu.memory_space<hbm>>)
        tpu.yield
      }) : () -> ()
      %add3A_209 = arith.constant 2 : i32
      %add3A_210 = arith.addi %add3A_181, %add3A_209 : i32
      %lt3A_211 = arith.constant 16 : i32
      %lt3A_212 = arith.cmpi slt, %add3A_210, %lt3A_211 : i32
      %convert_element_type3A_213 = arith.extui %lt3A_212 : i1 to i32
      %cond3A_214 = arith.constant 0 : i32
      %cond3A_215 = arith.cmpi ne, %convert_element_type3A_213, %cond3A_214 : i32
      scf.if %cond3A_215 {
        %add3A_216 = arith.constant 2 : i32
        %add3A_217 = arith.addi %add3A_181, %add3A_216 : i32
        %mul3A_218 = arith.constant 640 : i32
        %mul3A_219 = arith.muli %add3A_217, %mul3A_218 : i32
        %add3A_220 = arith.addi %mul3A_4, %mul3A_219 : i32
        "tpu.region"() ({
          %run_scoped3A = tpu.sem_alloc : memref<!tpu.dma_semaphore, #tpu.memory_space<semaphore_mem>>
          %dma_start3A_286 = tpu.memref_slice %arg2[%add3A_220] : memref<327680xi32, #tpu.memory_space<hbm>> -> memref<640xi32, #tpu.memory_space<hbm>>
          %dma_start3A_287 = tpu.memref_slice %arg2[%add3A_220] : memref<327680xi32, #tpu.memory_space<hbm>> -> memref<640xi32, #tpu.memory_space<hbm>>
          tpu.enqueue_dma source(%dma_start3A_287 : memref<640xi32, #tpu.memory_space<hbm>>) target(%arg6 : memref<640xi32, #tpu.memory_space<vmem>>) target_semaphore(%run_scoped3A : memref<!tpu.dma_semaphore, #tpu.memory_space<semaphore_mem>>)
          %dma_wait3A_288 = tpu.memref_slice %arg2[%add3A_220] : memref<327680xi32, #tpu.memory_space<hbm>> -> memref<640xi32, #tpu.memory_space<hbm>>
          %dma_wait3A_289 = tpu.memref_slice %arg2[%add3A_220] : memref<327680xi32, #tpu.memory_space<hbm>> -> memref<640xi32, #tpu.memory_space<hbm>>
          tpu.wait_dma2 semaphore(%run_scoped3A : memref<!tpu.dma_semaphore, #tpu.memory_space<semaphore_mem>>) src(%dma_wait3A_289 : memref<640xi32, #tpu.memory_space<hbm>>) dst(%arg6 : memref<640xi32, #tpu.memory_space<vmem>>)
          tpu.yield
        }) : () -> ()
        %dma_start3A_221 = arith.constant 1 : i32
        %dma_start3A_222 = arith.constant 1 : i32
        %dma_start3A_223 = arith.constant 0 : i32
        %dma_start3A_224 = arith.constant 0 : i32
        %dma_start3A_225 = tpu.memref_slice %arg7[%dma_start3A_221, %dma_start3A_223, %dma_start3A_224] : memref<2x640x64xf32, #tpu.memory_space<vmem>> -> memref<1x128x64xf32, #tpu.memory_space<vmem>>
        %dma_start3A_226 = tpu.memref_squeeze %dma_start3A_225 : memref<1x128x64xf32, #tpu.memory_space<vmem>> -> memref<128x64xf32, #tpu.memory_space<vmem>>
        %dma_start3A_227 = arith.constant 0 : i32
        %dma_start3A_228 = tpu.memref_slice %arg6[%dma_start3A_227] : memref<640xi32, #tpu.memory_space<vmem>> -> memref<128xi32, #tpu.memory_space<vmem>>
        %dma_start3A_229 = arith.constant 0 : i32
        %dma_start3A_230 = arith.constant 0 : i32
        %dma_start3A_231 = tpu.memref_slice %arg3[%dma_start3A_229, %dma_start3A_230] : memref<1000001x64xf32, #tpu.memory_space<hbm>> -> memref<1000001x64xf32, #tpu.memory_space<hbm>>
        %dma_start3A_232 = tpu.memref_slice %arg9[%dma_start3A_222] : memref<2x!tpu.dma_semaphore, #tpu.memory_space<semaphore_mem>> -> memref<1x!tpu.dma_semaphore, #tpu.memory_space<semaphore_mem>>
        %dma_start3A_233 = tpu.memref_squeeze %dma_start3A_232 : memref<1x!tpu.dma_semaphore, #tpu.memory_space<semaphore_mem>> -> memref<!tpu.dma_semaphore, #tpu.memory_space<semaphore_mem>>
        tpu.enqueue_indirect_dma source(%dma_start3A_231 : memref<1000001x64xf32, #tpu.memory_space<hbm>>) target(%dma_start3A_226 : memref<128x64xf32, #tpu.memory_space<vmem>>) offsets(%dma_start3A_228 : memref<128xi32, #tpu.memory_space<vmem>>) semaphore(%dma_start3A_233 : memref<!tpu.dma_semaphore, #tpu.memory_space<semaphore_mem>>)
        %dma_start3A_234 = arith.constant 1 : i32
        %dma_start3A_235 = arith.constant 1 : i32
        %dma_start3A_236 = arith.constant 128 : i32
        %dma_start3A_237 = arith.constant 0 : i32
        %dma_start3A_238 = tpu.memref_slice %arg7[%dma_start3A_234, %dma_start3A_236, %dma_start3A_237] : memref<2x640x64xf32, #tpu.memory_space<vmem>> -> memref<1x128x64xf32, #tpu.memory_space<vmem>>
        %dma_start3A_239 = tpu.memref_squeeze %dma_start3A_238 : memref<1x128x64xf32, #tpu.memory_space<vmem>> -> memref<128x64xf32, #tpu.memory_space<vmem>>
        %dma_start3A_240 = arith.constant 128 : i32
        %dma_start3A_241 = tpu.memref_slice %arg6[%dma_start3A_240] : memref<640xi32, #tpu.memory_space<vmem>> -> memref<128xi32, #tpu.memory_space<vmem>>
        %dma_start3A_242 = arith.constant 0 : i32
        %dma_start3A_243 = arith.constant 0 : i32
        %dma_start3A_244 = tpu.memref_slice %arg3[%dma_start3A_242, %dma_start3A_243] : memref<1000001x64xf32, #tpu.memory_space<hbm>> -> memref<1000001x64xf32, #tpu.memory_space<hbm>>
        %dma_start3A_245 = tpu.memref_slice %arg9[%dma_start3A_235] : memref<2x!tpu.dma_semaphore, #tpu.memory_space<semaphore_mem>> -> memref<1x!tpu.dma_semaphore, #tpu.memory_space<semaphore_mem>>
        %dma_start3A_246 = tpu.memref_squeeze %dma_start3A_245 : memref<1x!tpu.dma_semaphore, #tpu.memory_space<semaphore_mem>> -> memref<!tpu.dma_semaphore, #tpu.memory_space<semaphore_mem>>
        tpu.enqueue_indirect_dma source(%dma_start3A_244 : memref<1000001x64xf32, #tpu.memory_space<hbm>>) target(%dma_start3A_239 : memref<128x64xf32, #tpu.memory_space<vmem>>) offsets(%dma_start3A_241 : memref<128xi32, #tpu.memory_space<vmem>>) semaphore(%dma_start3A_246 : memref<!tpu.dma_semaphore, #tpu.memory_space<semaphore_mem>>)
        %dma_start3A_247 = arith.constant 1 : i32
        %dma_start3A_248 = arith.constant 1 : i32
        %dma_start3A_249 = arith.constant 256 : i32
        %dma_start3A_250 = arith.constant 0 : i32
        %dma_start3A_251 = tpu.memref_slice %arg7[%dma_start3A_247, %dma_start3A_249, %dma_start3A_250] : memref<2x640x64xf32, #tpu.memory_space<vmem>> -> memref<1x128x64xf32, #tpu.memory_space<vmem>>
        %dma_start3A_252 = tpu.memref_squeeze %dma_start3A_251 : memref<1x128x64xf32, #tpu.memory_space<vmem>> -> memref<128x64xf32, #tpu.memory_space<vmem>>
        %dma_start3A_253 = arith.constant 256 : i32
        %dma_start3A_254 = tpu.memref_slice %arg6[%dma_start3A_253] : memref<640xi32, #tpu.memory_space<vmem>> -> memref<128xi32, #tpu.memory_space<vmem>>
        %dma_start3A_255 = arith.constant 0 : i32
        %dma_start3A_256 = arith.constant 0 : i32
        %dma_start3A_257 = tpu.memref_slice %arg3[%dma_start3A_255, %dma_start3A_256] : memref<1000001x64xf32, #tpu.memory_space<hbm>> -> memref<1000001x64xf32, #tpu.memory_space<hbm>>
        %dma_start3A_258 = tpu.memref_slice %arg9[%dma_start3A_248] : memref<2x!tpu.dma_semaphore, #tpu.memory_space<semaphore_mem>> -> memref<1x!tpu.dma_semaphore, #tpu.memory_space<semaphore_mem>>
        %dma_start3A_259 = tpu.memref_squeeze %dma_start3A_258 : memref<1x!tpu.dma_semaphore, #tpu.memory_space<semaphore_mem>> -> memref<!tpu.dma_semaphore, #tpu.memory_space<semaphore_mem>>
        tpu.enqueue_indirect_dma source(%dma_start3A_257 : memref<1000001x64xf32, #tpu.memory_space<hbm>>) target(%dma_start3A_252 : memref<128x64xf32, #tpu.memory_space<vmem>>) offsets(%dma_start3A_254 : memref<128xi32, #tpu.memory_space<vmem>>) semaphore(%dma_start3A_259 : memref<!tpu.dma_semaphore, #tpu.memory_space<semaphore_mem>>)
        %dma_start3A_260 = arith.constant 1 : i32
        %dma_start3A_261 = arith.constant 1 : i32
        %dma_start3A_262 = arith.constant 384 : i32
        %dma_start3A_263 = arith.constant 0 : i32
        %dma_start3A_264 = tpu.memref_slice %arg7[%dma_start3A_260, %dma_start3A_262, %dma_start3A_263] : memref<2x640x64xf32, #tpu.memory_space<vmem>> -> memref<1x128x64xf32, #tpu.memory_space<vmem>>
        %dma_start3A_265 = tpu.memref_squeeze %dma_start3A_264 : memref<1x128x64xf32, #tpu.memory_space<vmem>> -> memref<128x64xf32, #tpu.memory_space<vmem>>
        %dma_start3A_266 = arith.constant 384 : i32
        %dma_start3A_267 = tpu.memref_slice %arg6[%dma_start3A_266] : memref<640xi32, #tpu.memory_space<vmem>> -> memref<128xi32, #tpu.memory_space<vmem>>
        %dma_start3A_268 = arith.constant 0 : i32
        %dma_start3A_269 = arith.constant 0 : i32
        %dma_start3A_270 = tpu.memref_slice %arg3[%dma_start3A_268, %dma_start3A_269] : memref<1000001x64xf32, #tpu.memory_space<hbm>> -> memref<1000001x64xf32, #tpu.memory_space<hbm>>
        %dma_start3A_271 = tpu.memref_slice %arg9[%dma_start3A_261] : memref<2x!tpu.dma_semaphore, #tpu.memory_space<semaphore_mem>> -> memref<1x!tpu.dma_semaphore, #tpu.memory_space<semaphore_mem>>
        %dma_start3A_272 = tpu.memref_squeeze %dma_start3A_271 : memref<1x!tpu.dma_semaphore, #tpu.memory_space<semaphore_mem>> -> memref<!tpu.dma_semaphore, #tpu.memory_space<semaphore_mem>>
        tpu.enqueue_indirect_dma source(%dma_start3A_270 : memref<1000001x64xf32, #tpu.memory_space<hbm>>) target(%dma_start3A_265 : memref<128x64xf32, #tpu.memory_space<vmem>>) offsets(%dma_start3A_267 : memref<128xi32, #tpu.memory_space<vmem>>) semaphore(%dma_start3A_272 : memref<!tpu.dma_semaphore, #tpu.memory_space<semaphore_mem>>)
        %dma_start3A_273 = arith.constant 1 : i32
        %dma_start3A_274 = arith.constant 1 : i32
        %dma_start3A_275 = arith.constant 512 : i32
        %dma_start3A_276 = arith.constant 0 : i32
        %dma_start3A_277 = tpu.memref_slice %arg7[%dma_start3A_273, %dma_start3A_275, %dma_start3A_276] : memref<2x640x64xf32, #tpu.memory_space<vmem>> -> memref<1x128x64xf32, #tpu.memory_space<vmem>>
        %dma_start3A_278 = tpu.memref_squeeze %dma_start3A_277 : memref<1x128x64xf32, #tpu.memory_space<vmem>> -> memref<128x64xf32, #tpu.memory_space<vmem>>
        %dma_start3A_279 = arith.constant 512 : i32
        %dma_start3A_280 = tpu.memref_slice %arg6[%dma_start3A_279] : memref<640xi32, #tpu.memory_space<vmem>> -> memref<128xi32, #tpu.memory_space<vmem>>
        %dma_start3A_281 = arith.constant 0 : i32
        %dma_start3A_282 = arith.constant 0 : i32
        %dma_start3A_283 = tpu.memref_slice %arg3[%dma_start3A_281, %dma_start3A_282] : memref<1000001x64xf32, #tpu.memory_space<hbm>> -> memref<1000001x64xf32, #tpu.memory_space<hbm>>
        %dma_start3A_284 = tpu.memref_slice %arg9[%dma_start3A_274] : memref<2x!tpu.dma_semaphore, #tpu.memory_space<semaphore_mem>> -> memref<1x!tpu.dma_semaphore, #tpu.memory_space<semaphore_mem>>
        %dma_start3A_285 = tpu.memref_squeeze %dma_start3A_284 : memref<1x!tpu.dma_semaphore, #tpu.memory_space<semaphore_mem>> -> memref<!tpu.dma_semaphore, #tpu.memory_space<semaphore_mem>>
        tpu.enqueue_indirect_dma source(%dma_start3A_283 : memref<1000001x64xf32, #tpu.memory_space<hbm>>) target(%dma_start3A_278 : memref<128x64xf32, #tpu.memory_space<vmem>>) offsets(%dma_start3A_280 : memref<128xi32, #tpu.memory_space<vmem>>) semaphore(%dma_start3A_285 : memref<!tpu.dma_semaphore, #tpu.memory_space<semaphore_mem>>)
      } else {
      }
    }
    %scan3A_142 = arith.constant 8 : i32
    return
  }
}

</mosaic_0001>

<sc_bundles>
// kernel: kernel.4.cloned.1.call-start
scs
__scs_entry_jumppad:
0x0: {  	(pc) =	sbr.rel $0x88, $3  }
0x1: {  	(tag) =	ssettag $0x0;
	lr =	simm.s32 $0x1  }
0x2: {  	[smem:$0x3F9E] =	sst lr;
	_ =	strace $0xD0000000  }
0x3: {  	_ = 	snop  }
0x4: {  	_ = 	snop  }
0x5: {  	_ = 	snop  }
0x6: {  	_ = 	snop  }
0x7: {  	_ = 	snop  }
__scs_overlays_trampoline_lowered:
0x8: {  	[smem:$0x3FAD] =	sst s0  }
0x9: {  	[smem:$0x3FAE] =	sst s1  }
0xa: {  	[smem:$0x3FAF] =	sst s2  }
0xb: {  	[smem:$0x3FB0] =	sst s3  }
0xc: {  	[smem:$0x3FB1] =	sst s4  }
0xd: {  	[smem:$0x3FB2] =	sst s5  }
0xe: {  	[smem:$0x3FB3] =	sst s6  }
0xf: {  	[smem:$0x3FB4] =	sst s7  }
0x10: {  	[smem:$0x3FB5] =	sst s8  }
0x11: {  	[smem:$0x3FB6] =	sst s9;
	s0 =	simm.s32 @!p0 $0x0  }
0x12: {  	s1 =	sld [smem:$0x3F9C];
	s0 =	simm.s32 @p0 $0x1  }
0x13: {  	[smem:$0x3FB7] =	sst s0;
	s0 =	simm.s32 @!p1 $0x0  }
0x14: {  	s2 =	sld [smem:$0x3F9B];
	s0 =	simm.s32 @p1 $0x1  }
0x15: {  	[smem:$0x3FB8] =	sst s0;
	s0 =	simm.s32 @!p2 $0x0  }
0x16: {  	s3 =	sld [smem:$0x3FDB];
	s0 =	simm.s32 @p2 $0x1  }
0x17: {  	s4 =	simm.s32 $0x1BF5;
	[smem:$0x3FBA] =	sst s0  }
0x18: {  	s0 =	sld [smem:$0x3F9D];
	_ =	swait.ge [sflag:s4], $0x0  }
0x19: {  	s7 =	sld [smem:$0x3F9E]  }
0x1a: {  	s8 =	sadd.s32 $0xFFFFE003, lr  }
0x1b: {  	s9 =	sadd.s32 $0xFFFFFEF7, lr;
	s5 =	simm.s32 $0xFFFFFFFF;
	p2 =	slt.u32 s8, $0xFFFFF086  }
0x1c: {  	p1 =	slt.u32 s9, $0xF7A;
	s5 =	simm.s32 @!p2 $0x0  }
0x1d: {  	s5 =	simm.s32 @p1 $0x1;
	p0 =	seq.s32 s7, s2  }
0x1e: {  	s7 =	smul.u32 @!p0 $0xF7A, s2;
	p2 =	seq.s32 @!p0 s5, $0x0  }
0x1f: {  	s9 =	smul.u32 $0xF7A, s1;
	s8 =	simm.s32 @!p0 $0x1BF5;
	p2 =	por !p2, p0  }
0x20: {  	[sflag:s8] =	ssyncset.s32 @!p0 $0xFFFFF086;
	s6 =	sadd.s32 @!p0 s3, s7;
	s7 =	simm.s32 @!p0 $0x108  }
0x21: {  	s3 =	sadd.s32 s3, s9;
	s6 =	sadd.s32 @!p0 $0x88, s6;
	s7 =	simm.s32 @p2 $0x1082  }
0x22: {  	[simem:s7], [sflag:s8] =	dma.local @!p0 [hbm:s6], $0xF7A  }
0x23: {  	s9 =	sor.u32 $0xD0000000, s2;
	s6 =	simm.s32 $0x108;
	_ =	swait.ge @!p0 [sflag:s8], $0x0  }
0x24: {  	s3 =	sadd.s32 $0x88, s3;
	s6 =	simm.s32 @!p1 $0x1082;
	[sflag:s4] =	ssyncset.s32 $0xFFFFF086  }
0x25: {  	[simem:s6], [sflag:s4] =	dma.local [hbm:s3], $0xF7A  }
0x26: {  	[smem:$0x3F9E] =	sst s1;
	(tag) =	ssettag s2;
	_ =	strace s9  }
0x27: {  	s1 =	sld [smem:$0x3FAE]  }
0x28: {  	s2 =	sld [smem:$0x3FAF]  }
0x29: {  	s4 =	sld [smem:$0x3FB1]  }
0x2a: {  	p0 =	seq.s32 s5, $0x0;
	s5 =	sld [smem:$0x3FB2]  }
0x2b: {  	s6 =	sld [smem:$0x3FB3]  }
0x2c: {  	s7 =	sld [smem:$0x3FB4]  }
0x2d: {  	s3 =	simm.s32 $0x108;
	s8 =	sld [smem:$0x3FB5]  }
0x2e: {  	s3 =	simm.s32 @!p0 $0x1082;
	s9 =	sld [smem:$0x3FB6]  }
0x2f: {  	lr =	sadd.s32 s0, s3;
	s0 =	sld [smem:$0x3FAD]  }
0x30: {  	s3 =	sld [smem:$0x3FB0]  }
0x31: {  	[smem:$0x3FB9] =	sst s10  }
0x32: {  	s10 =	sld [smem:$0x3FB7];
	_ =	sdelay $0x3  }
0x33: {  	p0 =	seq.s32 s10, $0x1;
	s10 =	sld [smem:$0x3FB9];
	_ =	sdelay $0x3  }
0x34: {  	[smem:$0x3FB9] =	sst s10  }
0x35: {  	s10 =	sld [smem:$0x3FB8];
	_ =	sdelay $0x3  }
0x36: {  	p1 =	seq.s32 s10, $0x1;
	s10 =	sld [smem:$0x3FB9];
	_ =	sdelay $0x3  }
0x37: {  	[smem:$0x3FB9] =	sst s10  }
0x38: {  	s10 =	sld [smem:$0x3FBA]  }
0x39: {  	_ = 	snop;
	(pc) =	sbr.ind lr, $3  }
0x3a: {  	_ = 	snop  }
0x3b: {  	_ = 	snop  }
0x3c: {  	p2 =	seq.s32 s10, $0x1;
	s10 =	sld [smem:$0x3FB9]  }
0x3d: {  	_ =	shalt  }
0x3e: {  	_ =	shalt  }
0x3f: {  	_ =	shalt  }
0x40: {  	_ =	shalt  }
0x41: {  	_ =	shalt  }
0x42: {  	_ =	shalt  }
0x43: {  	_ =	shalt  }
0x44: {  	_ =	shalt  }
0x45: {  	_ =	shalt  }
0x46: {  	_ =	shalt  }
0x47: {  	_ =	shalt  }
0x48: {  	_ =	shalt  }
0x49: {  	_ =	shalt  }
0x4a: {  	_ =	shalt  }
0x4b: {  	_ =	shalt  }
0x4c: {  	_ =	shalt  }
0x4d: {  	_ =	shalt  }
0x4e: {  	_ =	shalt  }
0x4f: {  	_ =	shalt  }
0x50: {  	_ =	shalt  }
0x51: {  	_ =	shalt  }
0x52: {  	_ =	shalt  }
0x53: {  	_ =	shalt  }
0x54: {  	_ =	shalt  }
0x55: {  	_ =	shalt  }
0x56: {  	_ =	shalt  }
0x57: {  	_ =	shalt  }
0x58: {  	_ =	shalt  }
0x59: {  	_ =	shalt  }
0x5a: {  	_ =	shalt  }
0x5b: {  	_ =	shalt  }
0x5c: {  	_ =	shalt  }
0x5d: {  	_ =	shalt  }
0x5e: {  	_ =	shalt  }
0x5f: {  	_ =	shalt  }
0x60: {  	_ =	shalt  }
0x61: {  	_ =	shalt  }
0x62: {  	_ =	shalt  }
0x63: {  	_ =	shalt  }
0x64: {  	_ =	shalt  }
0x65: {  	_ =	shalt  }
0x66: {  	_ =	shalt  }
0x67: {  	_ =	shalt  }
0x68: {  	_ =	shalt  }
0x69: {  	_ =	shalt  }
0x6a: {  	_ =	shalt  }
0x6b: {  	_ =	shalt  }
0x6c: {  	_ =	shalt  }
0x6d: {  	_ =	shalt  }
0x6e: {  	_ =	shalt  }
0x6f: {  	_ =	shalt  }
0x70: {  	_ =	shalt  }
0x71: {  	_ =	shalt  }
0x72: {  	_ =	shalt  }
0x73: {  	_ =	shalt  }
0x74: {  	_ =	shalt  }
0x75: {  	_ =	shalt  }
0x76: {  	_ =	shalt  }
0x77: {  	_ =	shalt  }
0x78: {  	_ =	shalt  }
0x79: {  	_ =	shalt  }
0x7a: {  	_ =	shalt  }
0x7b: {  	_ =	shalt  }
0x7c: {  	_ =	shalt  }
0x7d: {  	_ =	shalt  }
0x7e: {  	_ =	shalt  }
0x7f: {  	_ =	shalt  }
0x80: {  	_ =	shalt  }
0x81: {  	_ =	shalt  }
0x82: {  	_ =	shalt  }
0x83: {  	_ =	shalt  }
0x84: {  	_ =	shalt  }
0x85: {  	_ =	shalt  }
0x86: {  	_ =	shalt  }
0x87: {  	_ =	shalt  }
.Lfunc_end0:
.L_simem_size_0:
called_computation_lowered:
.L_overlay_start_0:
0x88: {  	s2 =	sld [smem:$0x3FD9]  }
0x89: {  	s3 =	sld [smem:$0x3FFE];
	_ =	sdelay $0x1  }
0x8a: {  	s1 =	srdreg.scid  }
0x8b: {  	s0 =	sand.u32 $0x1, s1  }
0x8c: {  	s16 =	sshll.u32 s0, $0xA;
	s2 =	sadd.s32 s3, s2  }
0x8d: {  	s2 =	sadd.s32 s2, s16  }
0x8e: {  	[smem:$0x3FC5] =	sst s2  }
0x8f: {  	_ = 	snop  }
0x90: {  	(tm) =	ssettm $0x1  }
0x91: {  	s17 =	sld [smem:$0x3FFB];
	_ =	sdelay $0x3  }
0x92: {  	_ =	strace s17  }
0x93: {  	s2 =	sld [smem:$0x3FFC];
	_ =	sdelay $0x3  }
0x94: {  	_ =	strace s2  }
0x95: {  	s2 =	sld [smem:$0x3FFD];
	_ =	sdelay $0x3  }
0x96: {  	_ =	strace s2  }
0x97: {  	_ =	strace $0x8FFFFFFF  }
0x98: {  	s18 =	sld [smem:$0x3FDB];
	_ =	sdelay $0x1  }
0x99: {  	s19 =	simm.s32 $_scs_section_size  }
0x9a: {  	s4 =	simm.s32 $_size__tile_overlayer_lowered;
	s5 =	simm.s32 $_tile_overlayer_lowered  }
0x9b: {  	s22 =	simm.s32 $0x1BFF;
	s21 =	sshll.u32 s5, $0x1;
	s2 =	sadd.s32 s19, s18  }
0x9c: {  	s6 =	simm.s32 $0x0;
	s20 =	sshll.u32 s4, $0x1;
	s4 =	sadd.s32 s21, s2  }
0x9d: {  	[timem:s6], [sflag:s22] =	dma.local [hbm:s4], s20  }
0x9e: {  	_ =	swait.ge [sflag:s22], s20  }
0x9f: {  	s3 =	ssub.s32 $0x0, s20;
	[sflag:s22] =	ssyncset.done $0x0  }
0xa0: {  	[sflag:s22] =	ssyncadd.s32 s3;
	_ =	sdelay $0x1  }
0xa1: {  	s23 =	simm.s32 $0x1B8B  }
0xa2: {  	_ =	swait.ge [sflag:s23], $0x1  }
0xa3: {  	[sflag:s23] =	ssyncset.done $0x0  }
0xa4: {  	s25 =	simm.s32 $0x1B8E;
	s24 =	sld [smem:$0x3FFE];
	[sflag:s23] =	ssyncadd.s32 $0xFFFFFFFF  }
0xa5: {  	s26 =	simm.s32 $execute0_lowered;
	[smem:$0x3FD2] =	sst s25  }
0xa6: {  	s4 =	sshll.u32 s26, $0x1;
	_ =	strace $0x80000046;
	[dreg:$0x1] =	wrdreg $0xFFFFFFFF  }
0xa7: {  	s28 =	simm.s32 $_size_execute0_lowered;
	s2 =	sadd.s32 s2, s4;
	[dreg:$0x0] =	wrdreg $0x0  }
0xa8: {  	s4 =	sshll.u32 s28, $0x1;
	[dreg:$0x2] =	wrdreg s2  }
0xa9: {  	[dreg:$0x3] =	wrdreg s4  }
0xaa: {  	[dreg:$0x4] =	wrdreg $0xC0  }
0xab: {  	_ =	task [dreg:s6], $0x5FFFF  }
0xac: {  	[dreg:$0x1] =	wrdreg $0xFFFFFFFF  }
0xad: {  	[dreg:$0x0] =	wrdreg $0x60  }
0xae: {  	[dreg:$0x2] =	wrdreg s24  }
0xaf: {  	[dreg:$0x3] =	wrdreg $0x9  }
0xb0: {  	_ =	task.clear_ibuf [dreg:s6], $0x4FFFF;
	_ =	strace $0x90000046  }
0xb1: {  	s29 =	simm.s32 $0x9;
	_ =	strace $0x80000048  }
0xb2: {  	_ =	swait.ge [sflag:s29], $0x1  }
0xb3: {  	[sflag:s29] =	ssyncadd.s32 $0xFFFFFFFF  }
0xb4: {  	_ =	strace $0x90000048  }
0xb5: {  	_ =	sfence  }
0xb6: {  	s30 =	sld [smem:$0x0];
	_ =	sdelay $0x2  }
0xb7: {  	s31 =	sshll.u32 s1, $0xD;
	s1 =	sshrl.u32 s1, $0x2  }
0xb8: {  	s3 =	sand.u32 $0x4000, s31;
	s1 =	sadd.s32 s1, s30  }
0xb9: {  	s0 =	sor.u32 s3, s0;
	s1 =	sshll.u32 s1, $0x11  }
0xba: {  	s0 =	sor.u32 s1, s0  }
0xbb: {  	s0 =	sadd.s32 $0x8F2B, s0  }
0xbc: {  	[sflag:s0] =	ssyncadd.remote.s32 $0x1  }
0xbd: {  	_ =	sfence.sel $0xFFFF  }
0xbe: {  	[dreg:$0x0] =	wrdreg $0xFFFFFFFF;
	(pc) =	sbr.abs _section_cstart, $3  }
0xbf: {  	[dreg:$0x1] =	wrdreg $0xFFFFFFFF  }
0xc0: {  	_ =	task.clear_ibuf [dreg:s6], $0x2FFFF;
	_ =	strace $0x9FFFFFFF  }
0xc1: {  	(tm) =	ssettm $0x7FFFFFFF  }
tec
execute0_lowered:
.L_overlay_start_1:
0x0: {  	(tag) =	ssettag $0x1  }
0x1: {  	s0 =	rddreg [dreg:$0x0]  }
0x2: {  	s1 =	srdreg.scid;
	s3 =	stileid.u32  }
0x3: {  	s2 =	simm.s32 $0x0;
	s11 =	simm.s32 $0x3;
	s12 =	simm.s32 $0x80  }
0x4: {  	s20 =	simm.s32 $0x8500;
	s21 =	simm.s32 $0x280;
	s22 =	simm.s32 $0xA500  }
0x5: {  	s23 =	simm.s32 $0x300;
	s24 =	simm.s32 $0xC500;
	s25 =	simm.s32 $0x380  }
0x6: {  	s26 =	simm.s32 $0xE500;
	s28 =	simm.s32 $0x400;
	s29 =	simm.s32 $0x10500  }
0x7: {  	s30 =	simm.s32 $0x480;
	s31 =	simm.s32 $0x12500;
	s13 =	simm.s32 $0x2  }
0x8: {  	s14 =	simm.s32 $0x0;
	s1 =	sand.u32 $0x1, s1;
	s3 =	sshll.u32 s3, $0x1  }
0x9: {  	[smem:$0x7FF] =	sst s2;
	s4 =	sadd.s32 $0xF5D400, s0;
	s5 =	sor.u32 s1, s3  }
0xa: {  	_ =	strace $0x80000047;
	s1 =	ssub.s32 $0x2, s1;
	s9 =	smul.u32 $0x2800, s5  }
.Ltmp0:
0xb: {  	s5 =	sshll.u32 s5, $0xC;
	s7 =	sshrl.u32 s1, $0x1;
	(pc) =	sbr.rel .LBB2_1-.Ltmp0, $4  }
0xc: {  	s3 =	sadd.s32 $0x10E00, s0;
	s0 =	sadd.s32 s5, s0;
	s1 =	ssub.s32 s1, s7  }
0xd: {  	s6 =	sshrl.u32 s9, $0x3;
	s7 =	sadd.s32 $0x1AE00, s0;
	s8 =	sor.u32 $0x500, s9  }
0xe: {  	s9 =	sor.u32 $0x780, s9;
	s10 =	smax.u32 s1, $0x1;
	s5 =	sadd.s32 s3, s6  }
0xf: {  	s0 =	simm.s32 $0x1;
	s1 =	simm.s32 $0x14500;
	s6 =	sadd.s32 $0x50, s5  }
.LBB2_8:
0x10: {  	s14 =	sadd.s32 $0x1, s14  }
0x11: {  	p0 =	sne.s32 s14, s10  }
.Ltmp1:
0x12: {  	_ = 	snop;
	(pc) =	sbr.rel @!p0 .LBB2_9-.Ltmp1, $1  }
0x13: {  	_ =	sdelay $0x3  }
.LBB2_1:
0x14: {  	[tilespmem:s2], [sflag:$0x3] =	stream.linear.gather [hbm4b:s5+s2], $0x280, $0x38;
	[tilespmem:$0x14D00] =	vst v63  }
0x15: {  	_ =	swait.ge [sflag:s11], $0x280  }
0x16: {  	[sflag:s11] =	ssyncset.done $0x0  }
0x17: {  	s15 =	simm.s32 $0x500;
	[sflag:s11] =	ssyncadd.s32 $0xFFFFFD80  }
0x18: {  	[tilespmem:s15], [sflag:$0x1] =	stream.indirect.gather [hbm4b:s4+s12], $0x40, s2, s12, $0xb8;
	[tilespmem:$0x14D00] =	vst v63  }
0x19: {  	s18 =	simm.s32 $0x2500  }
0x1a: {  	[tilespmem:s18], [sflag:$0x1] =	stream.indirect.gather [hbm4b:s4+s12], $0x40, s12, s12, $0xb8;
	[tilespmem:$0x14D00] =	vst v63  }
0x1b: {  	s19 =	simm.s32 $0x100;
	s16 =	simm.s32 $0x4500  }
0x1c: {  	[tilespmem:s16], [sflag:$0x1] =	stream.indirect.gather [hbm4b:s4+s12], $0x40, s19, s12, $0xb8;
	[tilespmem:$0x14D00] =	vst v63  }
0x1d: {  	s17 =	simm.s32 $0x180;
	s18 =	simm.s32 $0x6500  }
0x1e: {  	[tilespmem:s18], [sflag:$0x1] =	stream.indirect.gather [hbm4b:s4+s12], $0x40, s17, s12, $0xb8;
	[tilespmem:$0x14D00] =	vst v63  }
0x1f: {  	s19 =	simm.s32 $0x200  }
0x20: {  	[tilespmem:s20], [sflag:$0x1] =	stream.indirect.gather [hbm4b:s4+s12], $0x40, s19, s12, $0xb8;
	[tilespmem:$0x14D00] =	vst v63  }
0x21: {  	_ = 	snop  }
0x22: {  	[tilespmem:s21], [sflag:$0x3] =	stream.linear.gather [hbm4b:s6+s2], $0x280, $0x38;
	[tilespmem:$0x14D00] =	vst v63  }
0x23: {  	_ =	swait.ge [sflag:s11], $0x280  }
0x24: {  	[sflag:s11] =	ssyncset.done $0x0  }
0x25: {  	[sflag:s11] =	ssyncadd.s32 $0xFFFFFD80  }
0x26: {  	[tilespmem:s22], [sflag:$0x2] =	stream.indirect.gather [hbm4b:s4+s12], $0x40, s21, s12, $0xb8;
	[tilespmem:$0x14D00] =	vst v63  }
0x27: {  	_ = 	snop  }
0x28: {  	[tilespmem:s24], [sflag:$0x2] =	stream.indirect.gather [hbm4b:s4+s12], $0x40, s23, s12, $0xb8;
	[tilespmem:$0x14D00] =	vst v63  }
0x29: {  	_ = 	snop  }
0x2a: {  	[tilespmem:s26], [sflag:$0x2] =	stream.indirect.gather [hbm4b:s4+s12], $0x40, s25, s12, $0xb8;
	[tilespmem:$0x14D00] =	vst v63  }
0x2b: {  	_ = 	snop  }
0x2c: {  	[tilespmem:s29], [sflag:$0x2] =	stream.indirect.gather [hbm4b:s4+s12], $0x40, s28, s12, $0xb8;
	[tilespmem:$0x14D00] =	vst v63  }
0x2d: {  	s15 =	simm.s32 $0x0  }
0x2e: {  	[tilespmem:s31], [sflag:$0x2] =	stream.indirect.gather [hbm4b:s4+s12], $0x40, s30, s12, $0xb8;
	[tilespmem:$0x14D00] =	vst v63  }
.LBB2_2:
0x2f: {  	_ =	swait.ge [sflag:s0], $0xA000  }
0x30: {  	[sflag:s0] =	ssyncset.done $0x0  }
0x31: {  	s16 =	simm.s32 $0x780;
	[sflag:s0] =	ssyncadd.s32 $0xFFFF6000  }
0x32: {  	v0 =	vld [tilespmem:s16+$0x70]  }
0x33: {  	v1 =	vld [tilespmem:s16+$0x40]  }
0x34: {  	v2 =	vld [tilespmem:s16+$0x30]  }
0x35: {  	v3 =	vld [tilespmem:s16+$0x0]  }
0x36: {  	v4 =	vld [tilespmem:s16+$0xFFFFFFF0]  }
0x37: {  	v5 =	vld [tilespmem:s16+$0xFFFFFFA0]  }
0x38: {  	v6 =	vld [tilespmem:s16+$0xFFFFFF90]  }
0x39: {  	v7 =	vld [tilespmem:s16+$0xFFFFFF80]  }
0x3a: {  	v8 =	vld [tilespmem:s16+$0xFFFFFF70]  }
0x3b: {  	v9 =	vld [tilespmem:s16+$0xFFFFFF60]  }
0x3c: {  	v10 =	vld [tilespmem:s16+$0xFFFFFF50]  }
0x3d: {  	v11 =	vld [tilespmem:s16+$0xFFFFFF40]  }
0x3e: {  	v12 =	vld [tilespmem:s16+$0xFFFFFF30]  }
0x3f: {  	v13 =	vld [tilespmem:s16+$0xFFFFFF20]  }
0x40: {  	v14 =	vld [tilespmem:s16+$0xFFFFFF10]  }
0x41: {  	v15 =	vld [tilespmem:s16+$0xFFFFFF00]  }
0x42: {  	v16 =	vld [tilespmem:s16+$0xFFFFFEF0]  }
0x43: {  	v17 =	vld [tilespmem:s16+$0xFFFFFEE0]  }
0x44: {  	v18 =	vld [tilespmem:s16+$0xFFFFFEC0]  }
0x45: {  	v19 =	vld [tilespmem:s16+$0xFFFFFEB0]  }
0x46: {  	v20 =	vld [tilespmem:s16+$0xFFFFFEA0]  }
0x47: {  	v21 =	vld [tilespmem:s16+$0xFFFFFE80]  }
0x48: {  	v22 =	vld [tilespmem:s16+$0xFFFFFE70]  }
0x49: {  	v23 =	vld [tilespmem:s16+$0xFFFFFE60]  }
0x4a: {  	v24 =	vld [tilespmem:s16+$0x170]  }
0x4b: {  	v25 =	vld [tilespmem:s16+$0xFFFFFE40]  }
0x4c: {  	v26 =	vld [tilespmem:s16+$0xFFFFFE30]  }
0x4d: {  	v27 =	vld [tilespmem:s16+$0xFFFFFE20]  }
0x4e: {  	v28 =	vld [tilespmem:s16+$0x100]  }
0x4f: {  	v29 =	vld [tilespmem:s16+$0xFFFFFDD0]  }
0x50: {  	v30 =	vld [tilespmem:s16+$0xFFFFFE00]  }
0x51: {  	v31 =	vld [tilespmem:s16+$0xFFFFFD80]  }
0x52: {  	v32 =	vld [tilespmem:s16+$0xFFFFFDF0]  }
0x53: {  	v33 =	vld [tilespmem:s16+$0xFFFFFDE0]  }
0x54: {  	v34 =	vld [tilespmem:s16+$0xF0]  }
0x55: {  	v35 =	vld [tilespmem:s16+$0xFFFFFDC0]  }
0x56: {  	v36 =	vld [tilespmem:s16+$0xFFFFFDB0]  }
0x57: {  	v37 =	vld [tilespmem:s16+$0xFFFFFFC0]  }
0x58: {  	v38 =	vld [tilespmem:s16+$0xFFFFFFB0]  }
0x59: {  	v39 =	vld [tilespmem:s16+$0x80]  }
0x5a: {  	v40 =	vld [tilespmem:s16+$0xB0]  }
0x5b: {  	v42 =	vld [tilespmem:s16+$0xFFFFFDA0]  }
0x5c: {  	v56 =	vld [tilespmem:s16+$0xFFFFFD90]  }
0x5d: {  	v41 =	vld [tilespmem:s16+$0xC0]  }
0x5e: {  	v57 =	vld [tilespmem:s16+$0xFFFFFE10];
	v31 =	vadd.f32 v35, v31  }
0x5f: {  	v43 =	vld [tilespmem:s16+$0x130]  }
0x60: {  	v58 =	vld [tilespmem:s16+$0xFFFFFE50];
	v32 =	vadd.f32 v32, v36;
	v30 =	vadd.f32 v30, v31  }
0x61: {  	v44 =	vld [tilespmem:s16+$0x140];
	v33 =	vadd.f32 v33, v42;
	v29 =	vadd.f32 v29, v56  }
0x62: {  	v59 =	vld [tilespmem:s16+$0xFFFFFE90];
	v26 =	vadd.f32 v26, v32;
	v25 =	vadd.f32 v25, v30  }
0x63: {  	v61 =	vld [tilespmem:s16+$0xFFFFFED0];
	v27 =	vadd.f32 v27, v33;
	v60 =	vadd.f32 v57, v29  }
0x64: {  	v63 =	vld [tilespmem:s16+$0x1C0];
	v22 =	vadd.f32 v22, v26;
	v21 =	vadd.f32 v21, v25  }
0x65: {  	v46 =	vld [tilespmem:s16+$0xFFFFFFD0];
	v23 =	vadd.f32 v23, v27;
	v62 =	vadd.f32 v58, v60  }
0x66: {  	v47 =	vld [tilespmem:s16+$0x20];
	v19 =	vadd.f32 v19, v22;
	v18 =	vadd.f32 v18, v21  }
0x67: {  	v48 =	vld [tilespmem:s16+$0x10];
	v20 =	vadd.f32 v20, v23;
	v30 =	vadd.f32 v59, v62  }
0x68: {  	v49 =	vld [tilespmem:s16+$0x60];
	v16 =	vadd.f32 v16, v19;
	v15 =	vadd.f32 v15, v18  }
0x69: {  	v50 =	vld [tilespmem:s16+$0x50];
	v17 =	vadd.f32 v17, v20;
	v33 =	vadd.f32 v61, v30  }
0x6a: {  	v52 =	vld [tilespmem:s16+$0x90];
	v12 =	vadd.f32 v12, v16;
	v11 =	vadd.f32 v11, v15  }
0x6b: {  	v53 =	vld [tilespmem:s16+$0x200];
	v13 =	vadd.f32 v13, v17;
	v45 =	vadd.f32 v14, v33  }
0x6c: {  	v42 =	vld [tilespmem:s16+$0xFFFFFFE0];
	v8 =	vadd.f32 v8, v12;
	v7 =	vadd.f32 v7, v11  }
0x6d: {  	v54 =	vld [tilespmem:s16+$0x120];
	v9 =	vadd.f32 v9, v13;
	v10 =	vadd.f32 v10, v45  }
0x6e: {  	v55 =	vld [tilespmem:s16+$0x110];
	v8 =	vadd.f32 v38, v8;
	v7 =	vadd.f32 v37, v7  }
0x6f: {  	v36 =	vld [tilespmem:s16+$0x180];
	v5 =	vadd.f32 v5, v9;
	v6 =	vadd.f32 v6, v10  }
0x70: {  	v35 =	vld [tilespmem:s16+$0x240];
	v4 =	vadd.f32 v4, v8;
	v3 =	vadd.f32 v3, v7  }
0x71: {  	v56 =	vld [tilespmem:s16+$0x160];
	v5 =	vadd.f32 v42, v5;
	v51 =	vadd.f32 v46, v6  }
0x72: {  	v2 =	vadd.f32 v2, v4;
	v1 =	vadd.f32 v1, v3;
	v3 =	vld [tilespmem:s16+$0xA0]  }
0x73: {  	v31 =	vld [tilespmem:s16+$0x1B0];
	v5 =	vadd.f32 v47, v5  }
0x74: {  	v4 =	vadd.f32 v48, v51;
	v0 =	vadd.f32 v0, v2;
	v2 =	vld [tilespmem:s16+$0xE0]  }
0x75: {  	v32 =	vld [tilespmem:s16+$0xD0];
	v5 =	vadd.f32 v49, v5;
	v1 =	vadd.f32 v39, v1  }
0x76: {  	v57 =	vld [tilespmem:s16+$0x150];
	v4 =	vadd.f32 v50, v4;
	v0 =	vadd.f32 v40, v0  }
0x77: {  	v27 =	vld [tilespmem:s16+$0x270];
	v1 =	vadd.f32 v41, v1;
	v3 =	vadd.f32 v3, v5  }
0x78: {  	v58 =	vld [tilespmem:s16+$0x190];
	v4 =	vadd.f32 v52, v4;
	v0 =	vadd.f32 v34, v0  }
0x79: {  	v60 =	vld [tilespmem:s16+$0x1D0];
	v1 =	vadd.f32 v28, v1;
	v2 =	vadd.f32 v2, v3  }
0x7a: {  	v4 =	vadd.f32 v32, v4;
	v0 =	vadd.f32 v43, v0;
	v3 =	vld [tilespmem:s16+$0x1A0]  }
0x7b: {  	v25 =	vld [tilespmem:s16+$0x1F0];
	v1 =	vadd.f32 v44, v1;
	v2 =	vadd.f32 v54, v2  }
0x7c: {  	v59 =	vld [tilespmem:s16+$0x1E0];
	v4 =	vadd.f32 v55, v4;
	v0 =	vadd.f32 v24, v0  }
0x7d: {  	v21 =	vld [tilespmem:s16+$0x230];
	v1 =	vadd.f32 v36, v1;
	v2 =	vadd.f32 v56, v2  }
0x7e: {  	v61 =	vld [tilespmem:s16+$0x220];
	v4 =	vadd.f32 v57, v4;
	v0 =	vadd.f32 v31, v0  }
0x7f: {  	v62 =	vld [tilespmem:s16+$0x210];
	v1 =	vadd.f32 v63, v1;
	v2 =	vadd.f32 v3, v2  }
0x80: {  	v4 =	vadd.f32 v58, v4;
	v0 =	vadd.f32 v25, v0;
	v3 =	vld [tilespmem:s16+$0x260]  }
0x81: {  	v1 =	vadd.f32 v53, v1;
	v2 =	vadd.f32 v59, v2  }
0x82: {  	v63 =	vld [tilespmem:s16+$0x250];
	v4 =	vadd.f32 v60, v4;
	v0 =	vadd.f32 v21, v0  }
0x83: {  	v1 =	vadd.f32 v35, v1;
	v2 =	vadd.f32 v61, v2  }
0x84: {  	s18 =	simm.s32 $0x0;
	v0 =	vadd.f32 v27, v0  }
0x85: {  	[tilespmem:s18+$0x14500] =	vst v1;
	v1 =	vadd.f32 v62, v4;
	v2 =	vadd.f32 v3, v2  }
0x86: {  	[tilespmem:s18+$0x14530] =	vst v0  }
0x87: {  	s17 =	simm.s32 $0x100;
	v0 =	vadd.f32 v63, v1;
	[tilespmem:s18+$0x14520] =	vst v2  }
.LBB2_3:
0x88: {  	p0 =	sne.s32 s17, $0x1F00  }
0x89: {  	[tilespmem:s18+$0x14510] =	vst v0;
	s16 =	sadd.s32 $0x500, s16;
	s18 =	smov.u32 s17;
	s17 =	sadd.s32 $0x100, s17  }
0x8a: {  	v0 =	vld [tilespmem:s16+$0x70]  }
0x8b: {  	v1 =	vld [tilespmem:s16+$0x40]  }
0x8c: {  	v2 =	vld [tilespmem:s16+$0x30]  }
0x8d: {  	v6 =	vld [tilespmem:s16+$0x0]  }
0x8e: {  	v7 =	vld [tilespmem:s16+$0xFFFFFFF0]  }
0x8f: {  	v4 =	vld [tilespmem:s16+$0xFFFFFFA0]  }
0x90: {  	v3 =	vld [tilespmem:s16+$0xFFFFFF90]  }
0x91: {  	v10 =	vld [tilespmem:s16+$0xFFFFFF80]  }
0x92: {  	v11 =	vld [tilespmem:s16+$0xFFFFFF70]  }
0x93: {  	v9 =	vld [tilespmem:s16+$0xFFFFFF60]  }
0x94: {  	v8 =	vld [tilespmem:s16+$0xFFFFFF50]  }
0x95: {  	v12 =	vld [tilespmem:s16+$0xFFFFFF40]  }
0x96: {  	v13 =	vld [tilespmem:s16+$0xFFFFFF30]  }
0x97: {  	v14 =	vld [tilespmem:s16+$0xFFFFFF20]  }
0x98: {  	v15 =	vld [tilespmem:s16+$0xFFFFFF10]  }
0x99: {  	v16 =	vld [tilespmem:s16+$0xFFFFFF00]  }
0x9a: {  	v17 =	vld [tilespmem:s16+$0xFFFFFEF0]  }
0x9b: {  	v18 =	vld [tilespmem:s16+$0xFFFFFEE0]  }
0x9c: {  	v19 =	vld [tilespmem:s16+$0xFFFFFEC0]  }
0x9d: {  	v20 =	vld [tilespmem:s16+$0xFFFFFEB0]  }
0x9e: {  	v21 =	vld [tilespmem:s16+$0xFFFFFEA0]  }
0x9f: {  	v22 =	vld [tilespmem:s16+$0xFFFFFE80]  }
0xa0: {  	v23 =	vld [tilespmem:s16+$0xFFFFFE70]  }
0xa1: {  	v24 =	vld [tilespmem:s16+$0xFFFFFE60]  }
0xa2: {  	v5 =	vld [tilespmem:s16+$0x170]  }
0xa3: {  	v25 =	vld [tilespmem:s16+$0xFFFFFE40]  }
0xa4: {  	v26 =	vld [tilespmem:s16+$0xFFFFFE30]  }
0xa5: {  	v27 =	vld [tilespmem:s16+$0xFFFFFE20]  }
0xa6: {  	v28 =	vld [tilespmem:s16+$0x100]  }
0xa7: {  	v29 =	vld [tilespmem:s16+$0xFFFFFDD0]  }
0xa8: {  	v30 =	vld [tilespmem:s16+$0xFFFFFE00]  }
0xa9: {  	v31 =	vld [tilespmem:s16+$0xFFFFFD80]  }
0xaa: {  	v32 =	vld [tilespmem:s16+$0xFFFFFDF0]  }
0xab: {  	v33 =	vld [tilespmem:s16+$0xFFFFFDE0]  }
0xac: {  	v34 =	vld [tilespmem:s16+$0xF0]  }
0xad: {  	v35 =	vld [tilespmem:s16+$0xFFFFFDC0]  }
0xae: {  	v36 =	vld [tilespmem:s16+$0xFFFFFDB0]  }
0xaf: {  	v37 =	vld [tilespmem:s16+$0xFFFFFFC0]  }
0xb0: {  	v38 =	vld [tilespmem:s16+$0xFFFFFFB0]  }
0xb1: {  	v39 =	vld [tilespmem:s16+$0x80]  }
0xb2: {  	v31 =	vadd.f32 v35, v31;
	v35 =	vld [tilespmem:s16+$0xB0]  }
0xb3: {  	v32 =	vadd.f32 v32, v36;
	v36 =	vld [tilespmem:s16+$0xC0]  }
0xb4: {  	v30 =	vadd.f32 v30, v31;
	v31 =	vld [tilespmem:s16+$0x130]  }
0xb5: {  	v40 =	vld [tilespmem:s16+$0xFFFFFDA0];
	v26 =	vadd.f32 v26, v32  }
0xb6: {  	v32 =	vld [tilespmem:s16+$0xFFFFFD90];
	v25 =	vadd.f32 v25, v30  }
0xb7: {  	v23 =	vadd.f32 v23, v26;
	v26 =	vld [tilespmem:s16+$0x140]  }
0xb8: {  	v30 =	vld [tilespmem:s16+$0xFFFFFE10];
	v22 =	vadd.f32 v22, v25  }
0xb9: {  	v20 =	vadd.f32 v20, v23;
	v23 =	vld [tilespmem:s16+$0x180]  }
0xba: {  	v25 =	vadd.f32 v33, v40;
	v33 =	vld [tilespmem:s16+$0xFFFFFE50]  }
0xbb: {  	v19 =	vadd.f32 v19, v22;
	v29 =	vadd.f32 v29, v32;
	v32 =	vld [tilespmem:s16+$0xFFFFFE90]  }
0xbc: {  	v17 =	vadd.f32 v17, v20;
	v22 =	vadd.f32 v27, v25;
	v20 =	vld [tilespmem:s16+$0x1F0]  }
0xbd: {  	v16 =	vadd.f32 v16, v19;
	v25 =	vadd.f32 v30, v29;
	v27 =	vld [tilespmem:s16+$0xFFFFFED0]  }
0xbe: {  	v13 =	vadd.f32 v13, v17;
	v19 =	vadd.f32 v24, v22;
	v17 =	vld [tilespmem:s16+$0x230]  }
0xbf: {  	v12 =	vadd.f32 v12, v16;
	v22 =	vadd.f32 v33, v25;
	v16 =	vld [tilespmem:s16+$0x1C0]  }
0xc0: {  	v11 =	vadd.f32 v11, v13;
	v19 =	vadd.f32 v21, v19;
	v13 =	vld [tilespmem:s16+$0x270]  }
0xc1: {  	v10 =	vadd.f32 v10, v12;
	v21 =	vadd.f32 v32, v22;
	v12 =	vld [tilespmem:s16+$0x1B0]  }
0xc2: {  	v11 =	vadd.f32 v38, v11;
	v18 =	vadd.f32 v18, v19;
	v19 =	vld [tilespmem:s16+$0xD0]  }
0xc3: {  	v10 =	vadd.f32 v37, v10;
	v21 =	vadd.f32 v27, v21;
	v22 =	vld [tilespmem:s16+$0x240]  }
0xc4: {  	v7 =	vadd.f32 v7, v11;
	v14 =	vadd.f32 v14, v18;
	v11 =	vld [tilespmem:s16+$0x200]  }
0xc5: {  	v15 =	vadd.f32 v15, v21;
	v18 =	vld [tilespmem:s16+$0xFFFFFFE0]  }
0xc6: {  	v6 =	vadd.f32 v6, v10;
	v9 =	vadd.f32 v9, v14;
	v14 =	vld [tilespmem:s16+$0xFFFFFFD0]  }
0xc7: {  	v2 =	vadd.f32 v2, v7;
	v8 =	vadd.f32 v8, v15;
	v10 =	vld [tilespmem:s16+$0x20]  }
0xc8: {  	v1 =	vadd.f32 v1, v6;
	v4 =	vadd.f32 v4, v9;
	v7 =	vld [tilespmem:s16+$0x10]  }
0xc9: {  	v0 =	vadd.f32 v0, v2;
	v3 =	vadd.f32 v3, v8;
	v6 =	vld [tilespmem:s16+$0x60]  }
0xca: {  	v1 =	vadd.f32 v39, v1;
	v2 =	vadd.f32 v18, v4;
	v4 =	vld [tilespmem:s16+$0x50]  }
0xcb: {  	v0 =	vadd.f32 v35, v0;
	v3 =	vadd.f32 v14, v3;
	v8 =	vld [tilespmem:s16+$0xA0]  }
0xcc: {  	v1 =	vadd.f32 v36, v1;
	v2 =	vadd.f32 v10, v2;
	v9 =	vld [tilespmem:s16+$0x90]  }
0xcd: {  	v0 =	vadd.f32 v34, v0;
	v3 =	vadd.f32 v7, v3;
	v7 =	vld [tilespmem:s16+$0xE0]  }
0xce: {  	v1 =	vadd.f32 v28, v1;
	v2 =	vadd.f32 v6, v2;
	v6 =	vld [tilespmem:s16+$0x110]  }
0xcf: {  	v0 =	vadd.f32 v31, v0;
	v3 =	vadd.f32 v4, v3;
	v4 =	vld [tilespmem:s16+$0x120]  }
0xd0: {  	v1 =	vadd.f32 v26, v1;
	v2 =	vadd.f32 v8, v2;
	v8 =	vld [tilespmem:s16+$0x150]  }
0xd1: {  	v0 =	vadd.f32 v5, v0;
	v3 =	vadd.f32 v9, v3;
	v9 =	vld [tilespmem:s16+$0x160]  }
0xd2: {  	v1 =	vadd.f32 v23, v1;
	v2 =	vadd.f32 v7, v2;
	v5 =	vld [tilespmem:s16+$0x1A0]  }
0xd3: {  	v0 =	vadd.f32 v12, v0;
	v3 =	vadd.f32 v19, v3;
	v7 =	vld [tilespmem:s16+$0x190]  }
0xd4: {  	v1 =	vadd.f32 v16, v1;
	v2 =	vadd.f32 v4, v2;
	v4 =	vld [tilespmem:s16+$0x1E0]  }
0xd5: {  	v0 =	vadd.f32 v20, v0;
	v3 =	vadd.f32 v6, v3;
	v6 =	vld [tilespmem:s16+$0x1D0]  }
0xd6: {  	v1 =	vadd.f32 v11, v1;
	v2 =	vadd.f32 v9, v2;
	v9 =	vld [tilespmem:s16+$0x220]  }
0xd7: {  	v0 =	vadd.f32 v17, v0;
	v3 =	vadd.f32 v8, v3;
	v8 =	vld [tilespmem:s16+$0x210]  }
0xd8: {  	v1 =	vadd.f32 v22, v1;
	v2 =	vadd.f32 v5, v2;
	v5 =	vld [tilespmem:s16+$0x260]  }
0xd9: {  	s18 =	sshra.s32 s18, $0x2;
	v0 =	vadd.f32 v13, v0;
	v3 =	vadd.f32 v7, v3;
	v7 =	vld [tilespmem:s16+$0x250]  }
0xda: {  	v2 =	vadd.f32 v4, v2;
	[tilespmem:s18+$0x14500] =	vst v1  }
0xdb: {  	v1 =	vadd.f32 v6, v3;
	[tilespmem:s18+$0x14530] =	vst v0  }
.Ltmp2:
0xdc: {  	v0 =	vadd.f32 v9, v2;
	(pc) =	sbr.rel @p0 .LBB2_3-.Ltmp2, $4  }
0xdd: {  	v1 =	vadd.f32 v8, v1  }
0xde: {  	v2 =	vadd.f32 v5, v0  }
0xdf: {  	v0 =	vadd.f32 v7, v1  }
0xe0: {  	[tilespmem:s18+$0x14520] =	vst v2  }
0xe1: {  	s16 =	sshll.u32 s15, $0x9;
	p0 =	seq.s32 s15, $0x7  }
0xe2: {  	[tilespmem:s18+$0x14510] =	vst v0;
	s16 =	sadd.s32 s16, s7;
	s17 =	smul.u32 @!p0 $0x500, s15  }
0xe3: {  	[hbm4b:s16+s2] =	stream.linear.scatter [tilespmem:s1], [sflag:$0x3], $0x800, $0x38;
	[tilespmem:$0x14D00] =	vst v63  }
0xe4: {  	_ =	swait.ge [sflag:s11], $0x800;
	s17 =	sadd.s32 @!p0 s17, s8  }
0xe5: {  	[sflag:s11] =	ssyncset.done $0x0;
	s17 =	sshrl.u32 @!p0 s17, $0x3  }
0xe6: {  	s18 =	simm.s32 @!p0 $0x0;
	[sflag:s11] =	ssyncadd.s32 $0xFFFFF800;
	s17 =	sadd.s32 @!p0 s3, s17  }
0xe7: {  	[tilespmem:s18], [sflag:$0x3] =	stream.linear.gather @!p0 [hbm4b:s17+s18], $0x280, $0x38;
	[tilespmem:$0x14D00] =	vst v63  }
0xe8: {  	s17 =	simm.s32 @!p0 $0x3  }
0xe9: {  	_ =	swait.ge @!p0 [sflag:s17], $0x280  }
0xea: {  	[sflag:s17] =	ssyncset.done @!p0 $0x0  }
0xeb: {  	s19 =	simm.s32 @!p0 $0x500;
	[sflag:s17] =	ssyncadd.s32 @!p0 $0xFFFFFD80;
	s17 =	simm.s32 @!p0 $0x80  }
0xec: {  	[tilespmem:s19], [sflag:$0x1] =	stream.indirect.gather @!p0 [hbm4b:s4+s17], $0x40, s18, s17, $0xb8;
	[tilespmem:$0x14D00] =	vst v63  }
0xed: {  	s18 =	simm.s32 @!p0 $0x2500  }
0xee: {  	[tilespmem:s18], [sflag:$0x1] =	stream.indirect.gather @!p0 [hbm4b:s4+s17], $0x40, s17, s17, $0xb8;
	[tilespmem:$0x14D00] =	vst v63  }
0xef: {  	s19 =	simm.s32 @!p0 $0x4500;
	s18 =	simm.s32 @!p0 $0x100  }
0xf0: {  	[tilespmem:s19], [sflag:$0x1] =	stream.indirect.gather @!p0 [hbm4b:s4+s17], $0x40, s18, s17, $0xb8;
	[tilespmem:$0x14D00] =	vst v63  }
0xf1: {  	s18 =	simm.s32 @!p0 $0x180;
	s19 =	simm.s32 @!p0 $0x6500  }
0xf2: {  	[tilespmem:s19], [sflag:$0x1] =	stream.indirect.gather @!p0 [hbm4b:s4+s17], $0x40, s18, s17, $0xb8;
	[tilespmem:$0x14D00] =	vst v63  }
0xf3: {  	s18 =	simm.s32 @!p0 $0x200;
	s19 =	simm.s32 @!p0 $0x8500  }
0xf4: {  	[tilespmem:s19], [sflag:$0x1] =	stream.indirect.gather @!p0 [hbm4b:s4+s17], $0x40, s18, s17, $0xb8;
	[tilespmem:$0x14D00] =	vst v63  }
0xf5: {  	_ =	swait.ge [sflag:s13], $0xA000  }
0xf6: {  	[sflag:s13] =	ssyncset.done $0x0  }
0xf7: {  	s17 =	simm.s32 $0x0;
	s18 =	simm.s32 $0x14520;
	[sflag:s13] =	ssyncadd.s32 $0xFFFF6000  }
.LBB2_5:
0xf8: {  	s19 =	sshra.s32 s17, $0x2  }
0xf9: {  	v0 =	vld [tilespmem:s19+$0xA500]  }
0xfa: {  	v1 =	vld [tilespmem:s19+$0xA510]  }
0xfb: {  	v2 =	vld [tilespmem:s19+$0xA520]  }
0xfc: {  	v3 =	vld [tilespmem:s19+$0xA530]  }
0xfd: {  	v4 =	vld [tilespmem:s19+$0xA540]  }
0xfe: {  	v5 =	vld [tilespmem:s19+$0xA550]  }
0xff: {  	v6 =	vld [tilespmem:s19+$0xA560]  }
0x100: {  	v7 =	vld [tilespmem:s19+$0xA570]  }
0x101: {  	v8 =	vld [tilespmem:s19+$0xA580]  }
0x102: {  	v9 =	vld [tilespmem:s19+$0xA590]  }
0x103: {  	v10 =	vld [tilespmem:s19+$0xA5A0]  }
0x104: {  	v11 =	vld [tilespmem:s19+$0xA5B0]  }
0x105: {  	v12 =	vld [tilespmem:s19+$0xA5C0]  }
0x106: {  	v13 =	vld [tilespmem:s19+$0xA5D0]  }
0x107: {  	v14 =	vld [tilespmem:s19+$0xA5E0]  }
0x108: {  	v15 =	vld [tilespmem:s19+$0xA5F0]  }
0x109: {  	v16 =	vld [tilespmem:s19+$0xA600]  }
0x10a: {  	v17 =	vld [tilespmem:s19+$0xA610]  }
0x10b: {  	v18 =	vld [tilespmem:s19+$0xA620]  }
0x10c: {  	v19 =	vld [tilespmem:s19+$0xA630]  }
0x10d: {  	v20 =	vld [tilespmem:s19+$0xA640]  }
0x10e: {  	v21 =	vld [tilespmem:s19+$0xA650]  }
0x10f: {  	v22 =	vld [tilespmem:s19+$0xA660]  }
0x110: {  	v23 =	vld [tilespmem:s19+$0xA670]  }
0x111: {  	v24 =	vld [tilespmem:s19+$0xA680]  }
0x112: {  	v25 =	vld [tilespmem:s19+$0xA690]  }
0x113: {  	v26 =	vld [tilespmem:s19+$0xA6A0]  }
0x114: {  	v27 =	vld [tilespmem:s19+$0xA6B0]  }
0x115: {  	v28 =	vld [tilespmem:s19+$0xA6C0]  }
0x116: {  	v29 =	vld [tilespmem:s19+$0xA6D0]  }
0x117: {  	v30 =	vld [tilespmem:s19+$0xA6E0]  }
0x118: {  	v31 =	vld [tilespmem:s19+$0xA6F0]  }
0x119: {  	v32 =	vld [tilespmem:s19+$0xA700]  }
0x11a: {  	v33 =	vld [tilespmem:s19+$0xA710]  }
0x11b: {  	v34 =	vld [tilespmem:s19+$0xA720]  }
0x11c: {  	v35 =	vld [tilespmem:s19+$0xA730]  }
0x11d: {  	v36 =	vld [tilespmem:s19+$0xA740]  }
0x11e: {  	v37 =	vld [tilespmem:s19+$0xA750]  }
0x11f: {  	v38 =	vld [tilespmem:s19+$0xA760]  }
0x120: {  	v39 =	vld [tilespmem:s19+$0xA770]  }
0x121: {  	v40 =	vld [tilespmem:s19+$0xA780]  }
0x122: {  	v41 =	vld [tilespmem:s19+$0xA790]  }
0x123: {  	v42 =	vld [tilespmem:s19+$0xA7A0]  }
0x124: {  	v43 =	vld [tilespmem:s19+$0xA7B0]  }
0x125: {  	v44 =	vld [tilespmem:s19+$0xA7C0]  }
0x126: {  	v52 =	vld [tilespmem:s19+$0xA7D0];
	v0 =	vadd.f32 v4, v0  }
0x127: {  	v53 =	vld [tilespmem:s19+$0xA7E0];
	v1 =	vadd.f32 v5, v1  }
0x128: {  	v54 =	vld [tilespmem:s19+$0xA7F0];
	v2 =	vadd.f32 v6, v2;
	v0 =	vadd.f32 v8, v0  }
0x129: {  	v55 =	vld [tilespmem:s19+$0xA800];
	v3 =	vadd.f32 v7, v3;
	v1 =	vadd.f32 v9, v1  }
0x12a: {  	v56 =	vld [tilespmem:s19+$0xA810];
	v2 =	vadd.f32 v10, v2;
	v0 =	vadd.f32 v12, v0  }
0x12b: {  	v57 =	vld [tilespmem:s19+$0xA820];
	v3 =	vadd.f32 v11, v3;
	v1 =	vadd.f32 v13, v1  }
0x12c: {  	v58 =	vld [tilespmem:s19+$0xA830];
	v2 =	vadd.f32 v14, v2;
	v0 =	vadd.f32 v16, v0  }
0x12d: {  	v59 =	vld [tilespmem:s19+$0xA840];
	v3 =	vadd.f32 v15, v3;
	v1 =	vadd.f32 v17, v1  }
0x12e: {  	v60 =	vld [tilespmem:s19+$0xA850];
	v2 =	vadd.f32 v18, v2;
	v0 =	vadd.f32 v20, v0  }
0x12f: {  	v61 =	vld [tilespmem:s19+$0xA860];
	v3 =	vadd.f32 v19, v3;
	v1 =	vadd.f32 v21, v1  }
0x130: {  	v62 =	vld [tilespmem:s19+$0xA870];
	v2 =	vadd.f32 v22, v2;
	v0 =	vadd.f32 v24, v0  }
0x131: {  	v63 =	vld [tilespmem:s19+$0xA880];
	v3 =	vadd.f32 v23, v3;
	v1 =	vadd.f32 v25, v1  }
0x132: {  	v45 =	vld [tilespmem:s19+$0xA8E0];
	v2 =	vadd.f32 v26, v2;
	v0 =	vadd.f32 v28, v0  }
0x133: {  	v46 =	vld [tilespmem:s19+$0xA8F0];
	v3 =	vadd.f32 v27, v3;
	v1 =	vadd.f32 v29, v1  }
0x134: {  	v47 =	vld [tilespmem:s19+$0xA900];
	v2 =	vadd.f32 v30, v2;
	v0 =	vadd.f32 v32, v0  }
0x135: {  	v48 =	vld [tilespmem:s19+$0xA910];
	v3 =	vadd.f32 v31, v3;
	v1 =	vadd.f32 v33, v1  }
0x136: {  	v49 =	vld [tilespmem:s19+$0xA920];
	v2 =	vadd.f32 v34, v2;
	v0 =	vadd.f32 v36, v0  }
0x137: {  	v50 =	vld [tilespmem:s19+$0xA930];
	v3 =	vadd.f32 v35, v3;
	v1 =	vadd.f32 v37, v1  }
0x138: {  	v51 =	vld [tilespmem:s19+$0xA940];
	v2 =	vadd.f32 v38, v2;
	v0 =	vadd.f32 v40, v0  }
0x139: {  	v28 =	vld [tilespmem:s19+$0xA890];
	v3 =	vadd.f32 v39, v3;
	v1 =	vadd.f32 v41, v1  }
0x13a: {  	v29 =	vld [tilespmem:s19+$0xA8A0];
	v2 =	vadd.f32 v42, v2;
	v0 =	vadd.f32 v44, v0  }
0x13b: {  	v32 =	vld [tilespmem:s19+$0xA8B0];
	v3 =	vadd.f32 v43, v3;
	v1 =	vadd.f32 v52, v1  }
0x13c: {  	v33 =	vld [tilespmem:s19+$0xA8C0];
	v2 =	vadd.f32 v53, v2;
	v0 =	vadd.f32 v55, v0  }
0x13d: {  	v36 =	vld [tilespmem:s19+$0xA8D0];
	v3 =	vadd.f32 v54, v3;
	v1 =	vadd.f32 v56, v1  }
0x13e: {  	v52 =	vld [tilespmem:s19+$0xA950];
	v2 =	vadd.f32 v57, v2;
	v0 =	vadd.f32 v59, v0  }
0x13f: {  	v53 =	vld [tilespmem:s19+$0xA960];
	v3 =	vadd.f32 v58, v3;
	v1 =	vadd.f32 v60, v1  }
0x140: {  	v54 =	vld [tilespmem:s19+$0xA970];
	v2 =	vadd.f32 v61, v2;
	v0 =	vadd.f32 v63, v0  }
0x141: {  	v55 =	vld [tilespmem:s19+$0xA980];
	v3 =	vadd.f32 v62, v3;
	v1 =	vadd.f32 v28, v1  }
0x142: {  	v56 =	vld [tilespmem:s19+$0xA990];
	v2 =	vadd.f32 v29, v2;
	v0 =	vadd.f32 v33, v0  }
0x143: {  	v57 =	vld [tilespmem:s19+$0xA9A0];
	v3 =	vadd.f32 v32, v3;
	v1 =	vadd.f32 v36, v1  }
0x144: {  	v58 =	vld [tilespmem:s19+$0xA9B0];
	v2 =	vadd.f32 v45, v2;
	v0 =	vadd.f32 v47, v0  }
0x145: {  	v59 =	vld [tilespmem:s19+$0xA9C0];
	v3 =	vadd.f32 v46, v3;
	v1 =	vadd.f32 v48, v1  }
0x146: {  	v60 =	vld [tilespmem:s19+$0xA9D0];
	v2 =	vadd.f32 v49, v2;
	v0 =	vadd.f32 v51, v0  }
0x147: {  	v61 =	vld [tilespmem:s19+$0xA9E0];
	v3 =	vadd.f32 v50, v3;
	v1 =	vadd.f32 v52, v1  }
0x148: {  	v62 =	vld [tilespmem:s19+$0xA9F0];
	v2 =	vadd.f32 v53, v2;
	v0 =	vadd.f32 v55, v0  }
0x149: {  	v3 =	vadd.f32 v54, v3;
	v1 =	vadd.f32 v56, v1  }
0x14a: {  	p1 =	sne.s32 s17, $0x26C00;
	v2 =	vadd.f32 v57, v2;
	v0 =	vadd.f32 v59, v0  }
.Ltmp3:
0x14b: {  	v3 =	vadd.f32 v58, v3;
	v1 =	vadd.f32 v60, v1;
	(pc) =	sbr.rel @p1 .LBB2_5-.Ltmp3, $4  }
0x14c: {  	v2 =	vadd.f32 v61, v2;
	[tilespmem:s18+$0xFFFFFFE0] =	vst v0  }
0x14d: {  	v63 =	vadd.f32 v62, v3;
	[tilespmem:s18+$0xFFFFFFF0] =	vst v1  }
0x14e: {  	[tilespmem:s18+$0x0] =	vst v2  }
0x14f: {  	s17 =	sadd.s32 $0x1400, s17;
	[tilespmem:s18+$0x10] =	vst v63;
	s18 =	sadd.s32 $0x40, s18  }
.Ltmp4:
0x150: {  	s16 =	sadd.s32 $0x100, s16;
	(pc) =	sbr.rel @p0 .LBB2_8-.Ltmp4, $4  }
0x151: {  	[hbm4b:s16+s2] =	stream.linear.scatter [tilespmem:s1], [sflag:$0x3], $0x800, $0x38;
	[tilespmem:$0x14D00] =	vst v63  }
0x152: {  	_ =	swait.ge [sflag:s11], $0x800  }
0x153: {  	[sflag:s11] =	ssyncset.done $0x0  }
0x154: {  	[sflag:s11] =	ssyncadd.s32 $0xFFFFF800  }
0x155: {  	s16 =	smul.u32 $0x500, s15;
	_ =	sdelay $0x1  }
0x156: {  	s16 =	sadd.s32 s16, s9  }
0x157: {  	s16 =	sshrl.u32 s16, $0x3  }
0x158: {  	s16 =	sadd.s32 s3, s16  }
0x159: {  	[tilespmem:s21], [sflag:$0x3] =	stream.linear.gather [hbm4b:s16+s2], $0x280, $0x38;
	[tilespmem:$0x14D00] =	vst v63  }
0x15a: {  	_ =	swait.ge [sflag:s11], $0x280  }
0x15b: {  	[sflag:s11] =	ssyncset.done $0x0  }
0x15c: {  	[sflag:s11] =	ssyncadd.s32 $0xFFFFFD80  }
0x15d: {  	[tilespmem:s22], [sflag:$0x2] =	stream.indirect.gather [hbm4b:s4+s12], $0x40, s21, s12, $0xb8;
	[tilespmem:$0x14D00] =	vst v63  }
0x15e: {  	_ = 	snop  }
0x15f: {  	[tilespmem:s24], [sflag:$0x2] =	stream.indirect.gather [hbm4b:s4+s12], $0x40, s23, s12, $0xb8;
	[tilespmem:$0x14D00] =	vst v63  }
0x160: {  	_ = 	snop  }
0x161: {  	[tilespmem:s26], [sflag:$0x2] =	stream.indirect.gather [hbm4b:s4+s12], $0x40, s25, s12, $0xb8;
	[tilespmem:$0x14D00] =	vst v63  }
.Ltmp5:
0x162: {  	_ = 	snop;
	(pc) =	sbr.rel .LBB2_2-.Ltmp5, $4  }
0x163: {  	_ = 	snop  }
0x164: {  	[tilespmem:s29], [sflag:$0x2] =	stream.indirect.gather [hbm4b:s4+s12], $0x40, s28, s12, $0xb8;
	[tilespmem:$0x14D00] =	vst v63  }
0x165: {  	s15 =	sadd.s32 $0x1, s15  }
0x166: {  	[tilespmem:s31], [sflag:$0x2] =	stream.indirect.gather [hbm4b:s4+s12], $0x40, s30, s12, $0xb8;
	[tilespmem:$0x14D00] =	vst v63  }
.LBB2_9:
0x167: {  	_ =	sfence.sel $0x180000  }
0x168: {  	[bflag:$0x0] =	sbarrier.arrive $0xFFFF  }
0x169: {  	_ =	strace $0x90000047  }
0x16a: {  	s0 =	stileid.u32;
	[bflag:$0x2] =	sbarrier.arrive $0xFFFF  }
0x16b: {  	p0 =	sne.s32 s0, $0x0;
	s0 =	rddreg [dreg:$0x1]  }
0x16c: {  	s0 =	sadd.s32 @!p0 $0x100000, s0  }
0x16d: {  	[sflag:s0] =	ssyncadd.tile.s32 @!p0 $0x1;
	_ =	shalt  }
.Lfunc_end2:
_tile_overlayer_lowered:
.L_overlay_start_2:
0x16e: {  	(tag) =	ssettag $0x2  }
0x16f: {  	s0 =	rddreg [dreg:$0x0];
	s2 =	stileid.u32  }
0x170: {  	s1 =	rddreg [dreg:$0x1];
	p0 =	sne.s32 s2, $0x0  }
0x171: {  	s3 =	rddreg [dreg:$0x2];
	[bflag:$0x3] =	sbarrier.arrive $0xFFFF;
	s2 =	simm.s32 @!p0 $0x1C03  }
0x172: {  	[timem:s3], [sflag:s2] =	dma.local @!p0 [hbm:s0], s1  }
0x173: {  	s0 =	simm.s32 @!p0 $0x3  }
0x174: {  	_ =	swait.ge @!p0 [sflag:s0], s1  }
0x175: {  	s1 =	ssub.s32 @!p0 $0x0, s1;
	[sflag:s0] =	ssyncset.done @!p0 $0x0  }
0x176: {  	[sflag:s0] =	ssyncadd.s32 @!p0 s1  }
0x177: {  	[bflag:$0x3] =	sbarrier.arrive $0xFFFF  }
0x178: {  	_ =	shalt  }

// kernel: kernel.7.cloned.1.call-start
scs
__scs_entry_jumppad:
0x0: {  	(pc) =	sbr.rel $0x88, $3  }
0x1: {  	(tag) =	ssettag $0x0;
	lr =	simm.s32 $0x1  }
0x2: {  	[smem:$0x3F9E] =	sst lr;
	_ =	strace $0xD0000000  }
0x3: {  	_ = 	snop  }
0x4: {  	_ = 	snop  }
0x5: {  	_ = 	snop  }
0x6: {  	_ = 	snop  }
0x7: {  	_ = 	snop  }
__scs_overlays_trampoline_lowered:
0x8: {  	[smem:$0x3FAD] =	sst s0  }
0x9: {  	[smem:$0x3FAE] =	sst s1  }
0xa: {  	[smem:$0x3FAF] =	sst s2  }
0xb: {  	[smem:$0x3FB0] =	sst s3  }
0xc: {  	[smem:$0x3FB1] =	sst s4  }
0xd: {  	[smem:$0x3FB2] =	sst s5  }
0xe: {  	[smem:$0x3FB3] =	sst s6  }
0xf: {  	[smem:$0x3FB4] =	sst s7  }
0x10: {  	[smem:$0x3FB5] =	sst s8  }
0x11: {  	[smem:$0x3FB6] =	sst s9;
	s0 =	simm.s32 @!p0 $0x0  }
0x12: {  	s1 =	sld [smem:$0x3F9C];
	s0 =	simm.s32 @p0 $0x1  }
0x13: {  	[smem:$0x3FB7] =	sst s0;
	s0 =	simm.s32 @!p1 $0x0  }
0x14: {  	s2 =	sld [smem:$0x3F9B];
	s0 =	simm.s32 @p1 $0x1  }
0x15: {  	[smem:$0x3FB8] =	sst s0;
	s0 =	simm.s32 @!p2 $0x0  }
0x16: {  	s3 =	sld [smem:$0x3FDB];
	s0 =	simm.s32 @p2 $0x1  }
0x17: {  	s4 =	simm.s32 $0x1BF5;
	[smem:$0x3FBA] =	sst s0  }
0x18: {  	s0 =	sld [smem:$0x3F9D];
	_ =	swait.ge [sflag:s4], $0x0  }
0x19: {  	s7 =	sld [smem:$0x3F9E]  }
0x1a: {  	s8 =	sadd.s32 $0xFFFFE003, lr  }
0x1b: {  	s9 =	sadd.s32 $0xFFFFFEF7, lr;
	s5 =	simm.s32 $0xFFFFFFFF;
	p2 =	slt.u32 s8, $0xFFFFF086  }
0x1c: {  	p1 =	slt.u32 s9, $0xF7A;
	s5 =	simm.s32 @!p2 $0x0  }
0x1d: {  	s5 =	simm.s32 @p1 $0x1;
	p0 =	seq.s32 s7, s2  }
0x1e: {  	s7 =	smul.u32 @!p0 $0xF7A, s2;
	p2 =	seq.s32 @!p0 s5, $0x0  }
0x1f: {  	s9 =	smul.u32 $0xF7A, s1;
	s8 =	simm.s32 @!p0 $0x1BF5;
	p2 =	por !p2, p0  }
0x20: {  	[sflag:s8] =	ssyncset.s32 @!p0 $0xFFFFF086;
	s6 =	sadd.s32 @!p0 s3, s7;
	s7 =	simm.s32 @!p0 $0x108  }
0x21: {  	s3 =	sadd.s32 s3, s9;
	s6 =	sadd.s32 @!p0 $0x88, s6;
	s7 =	simm.s32 @p2 $0x1082  }
0x22: {  	[simem:s7], [sflag:s8] =	dma.local @!p0 [hbm:s6], $0xF7A  }
0x23: {  	s9 =	sor.u32 $0xD0000000, s2;
	s6 =	simm.s32 $0x108;
	_ =	swait.ge @!p0 [sflag:s8], $0x0  }
0x24: {  	s3 =	sadd.s32 $0x88, s3;
	s6 =	simm.s32 @!p1 $0x1082;
	[sflag:s4] =	ssyncset.s32 $0xFFFFF086  }
0x25: {  	[simem:s6], [sflag:s4] =	dma.local [hbm:s3], $0xF7A  }
0x26: {  	[smem:$0x3F9E] =	sst s1;
	(tag) =	ssettag s2;
	_ =	strace s9  }
0x27: {  	s1 =	sld [smem:$0x3FAE]  }
0x28: {  	s2 =	sld [smem:$0x3FAF]  }
0x29: {  	s4 =	sld [smem:$0x3FB1]  }
0x2a: {  	p0 =	seq.s32 s5, $0x0;
	s5 =	sld [smem:$0x3FB2]  }
0x2b: {  	s6 =	sld [smem:$0x3FB3]  }
0x2c: {  	s7 =	sld [smem:$0x3FB4]  }
0x2d: {  	s3 =	simm.s32 $0x108;
	s8 =	sld [smem:$0x3FB5]  }
0x2e: {  	s3 =	simm.s32 @!p0 $0x1082;
	s9 =	sld [smem:$0x3FB6]  }
0x2f: {  	lr =	sadd.s32 s0, s3;
	s0 =	sld [smem:$0x3FAD]  }
0x30: {  	s3 =	sld [smem:$0x3FB0]  }
0x31: {  	[smem:$0x3FB9] =	sst s10  }
0x32: {  	s10 =	sld [smem:$0x3FB7];
	_ =	sdelay $0x3  }
0x33: {  	p0 =	seq.s32 s10, $0x1;
	s10 =	sld [smem:$0x3FB9];
	_ =	sdelay $0x3  }
0x34: {  	[smem:$0x3FB9] =	sst s10  }
0x35: {  	s10 =	sld [smem:$0x3FB8];
	_ =	sdelay $0x3  }
0x36: {  	p1 =	seq.s32 s10, $0x1;
	s10 =	sld [smem:$0x3FB9];
	_ =	sdelay $0x3  }
0x37: {  	[smem:$0x3FB9] =	sst s10  }
0x38: {  	s10 =	sld [smem:$0x3FBA]  }
0x39: {  	_ = 	snop;
	(pc) =	sbr.ind lr, $3  }
0x3a: {  	_ = 	snop  }
0x3b: {  	_ = 	snop  }
0x3c: {  	p2 =	seq.s32 s10, $0x1;
	s10 =	sld [smem:$0x3FB9]  }
0x3d: {  	_ =	shalt  }
0x3e: {  	_ =	shalt  }
0x3f: {  	_ =	shalt  }
0x40: {  	_ =	shalt  }
0x41: {  	_ =	shalt  }
0x42: {  	_ =	shalt  }
0x43: {  	_ =	shalt  }
0x44: {  	_ =	shalt  }
0x45: {  	_ =	shalt  }
0x46: {  	_ =	shalt  }
0x47: {  	_ =	shalt  }
0x48: {  	_ =	shalt  }
0x49: {  	_ =	shalt  }
0x4a: {  	_ =	shalt  }
0x4b: {  	_ =	shalt  }
0x4c: {  	_ =	shalt  }
0x4d: {  	_ =	shalt  }
0x4e: {  	_ =	shalt  }
0x4f: {  	_ =	shalt  }
0x50: {  	_ =	shalt  }
0x51: {  	_ =	shalt  }
0x52: {  	_ =	shalt  }
0x53: {  	_ =	shalt  }
0x54: {  	_ =	shalt  }
0x55: {  	_ =	shalt  }
0x56: {  	_ =	shalt  }
0x57: {  	_ =	shalt  }
0x58: {  	_ =	shalt  }
0x59: {  	_ =	shalt  }
0x5a: {  	_ =	shalt  }
0x5b: {  	_ =	shalt  }
0x5c: {  	_ =	shalt  }
0x5d: {  	_ =	shalt  }
0x5e: {  	_ =	shalt  }
0x5f: {  	_ =	shalt  }
0x60: {  	_ =	shalt  }
0x61: {  	_ =	shalt  }
0x62: {  	_ =	shalt  }
0x63: {  	_ =	shalt  }
0x64: {  	_ =	shalt  }
0x65: {  	_ =	shalt  }
0x66: {  	_ =	shalt  }
0x67: {  	_ =	shalt  }
0x68: {  	_ =	shalt  }
0x69: {  	_ =	shalt  }
0x6a: {  	_ =	shalt  }
0x6b: {  	_ =	shalt  }
0x6c: {  	_ =	shalt  }
0x6d: {  	_ =	shalt  }
0x6e: {  	_ =	shalt  }
0x6f: {  	_ =	shalt  }
0x70: {  	_ =	shalt  }
0x71: {  	_ =	shalt  }
0x72: {  	_ =	shalt  }
0x73: {  	_ =	shalt  }
0x74: {  	_ =	shalt  }
0x75: {  	_ =	shalt  }
0x76: {  	_ =	shalt  }
0x77: {  	_ =	shalt  }
0x78: {  	_ =	shalt  }
0x79: {  	_ =	shalt  }
0x7a: {  	_ =	shalt  }
0x7b: {  	_ =	shalt  }
0x7c: {  	_ =	shalt  }
0x7d: {  	_ =	shalt  }
0x7e: {  	_ =	shalt  }
0x7f: {  	_ =	shalt  }
0x80: {  	_ =	shalt  }
0x81: {  	_ =	shalt  }
0x82: {  	_ =	shalt  }
0x83: {  	_ =	shalt  }
0x84: {  	_ =	shalt  }
0x85: {  	_ =	shalt  }
0x86: {  	_ =	shalt  }
0x87: {  	_ =	shalt  }
.Lfunc_end0:
.L_simem_size_0:
called_computation.1_lowered:
.L_overlay_start_0:
0x88: {  	s2 =	sld [smem:$0x3FD9]  }
0x89: {  	s3 =	sld [smem:$0x3FFE];
	_ =	sdelay $0x1  }
0x8a: {  	s1 =	srdreg.scid  }
0x8b: {  	s0 =	sand.u32 $0x1, s1  }
0x8c: {  	s14 =	sshll.u32 s0, $0xA;
	s2 =	sadd.s32 s3, s2  }
0x8d: {  	s2 =	sadd.s32 s2, s14  }
0x8e: {  	[smem:$0x3FC5] =	sst s2  }
0x8f: {  	_ = 	snop  }
0x90: {  	s2 =	sld [smem:$0x3FD0];
	_ =	sdelay $0x2  }
0x91: {  	s15 =	simm.s32 $0xA;
	s4 =	simm.s32 $0x10  }
0x92: {  	[smem:s4], [sflag:s15] =	dma.local [hbm:s2], $0x1  }
0x93: {  	_ =	swait.eq [sflag:s15], $0x1  }
0x94: {  	[sflag:s15] =	ssyncset.done $0x0  }
0x95: {  	[sflag:s15] =	ssyncadd.s32 $0xFFFFFFFF  }
0x96: {  	s16 =	sld [smem:$0x11];
	(tm) =	ssettm $0x1  }
0x97: {  	s17 =	sld [smem:$0x3FFB];
	_ =	sdelay $0x3  }
0x98: {  	_ =	strace s17  }
0x99: {  	s3 =	sld [smem:$0x3FFC];
	_ =	sdelay $0x3  }
0x9a: {  	_ =	strace s3  }
0x9b: {  	s3 =	sld [smem:$0x3FFD];
	_ =	sdelay $0x3  }
0x9c: {  	_ =	strace s3  }
0x9d: {  	_ =	strace $0x8FFFFFFF  }
0x9e: {  	s18 =	sld [smem:$0x3FDB];
	_ =	sdelay $0x1  }
0x9f: {  	s19 =	simm.s32 $_scs_section_size  }
0xa0: {  	s5 =	simm.s32 $_size__tile_overlayer_lowered;
	s6 =	simm.s32 $_tile_overlayer_lowered  }
0xa1: {  	s22 =	simm.s32 $0x1BFF;
	s21 =	sshll.u32 s6, $0x1;
	s3 =	sadd.s32 s19, s18  }
0xa2: {  	s7 =	simm.s32 $0x0;
	s20 =	sshll.u32 s5, $0x1;
	s5 =	sadd.s32 s21, s3  }
0xa3: {  	[timem:s7], [sflag:s22] =	dma.local [hbm:s5], s20  }
0xa4: {  	_ =	swait.ge [sflag:s22], s20  }
0xa5: {  	s4 =	ssub.s32 $0x0, s20;
	[sflag:s22] =	ssyncset.done $0x0  }
0xa6: {  	[sflag:s22] =	ssyncadd.s32 s4;
	_ =	sdelay $0x1  }
0xa7: {  	s23 =	simm.s32 $0x1B8B  }
0xa8: {  	_ =	swait.ge [sflag:s23], $0x1  }
0xa9: {  	[sflag:s23] =	ssyncset.done $0x0  }
0xaa: {  	s25 =	simm.s32 $0x1B8E;
	s24 =	sld [smem:$0x3FFE];
	[sflag:s23] =	ssyncadd.s32 $0xFFFFFFFF  }
0xab: {  	s26 =	simm.s32 $execute0_lowered;
	[smem:$0x3FD2] =	sst s25  }
0xac: {  	s5 =	sshll.u32 s26, $0x1;
	_ =	strace $0x80000049;
	[dreg:$0x1] =	wrdreg $0xFFFFFFFF  }
0xad: {  	s28 =	simm.s32 $_size_execute0_lowered;
	s3 =	sadd.s32 s3, s5;
	[dreg:$0x0] =	wrdreg $0x0  }
0xae: {  	s5 =	sshll.u32 s28, $0x1;
	[dreg:$0x2] =	wrdreg s3  }
0xaf: {  	[dreg:$0x3] =	wrdreg s5  }
0xb0: {  	[dreg:$0x4] =	wrdreg $0xC0  }
0xb1: {  	_ =	task [dreg:s7], $0x5FFFF  }
0xb2: {  	[dreg:$0x1] =	wrdreg $0xFFFFFFFF  }
0xb3: {  	[dreg:$0x0] =	wrdreg $0x60  }
0xb4: {  	[dreg:$0x2] =	wrdreg s16  }
0xb5: {  	[dreg:$0x3] =	wrdreg s24  }
0xb6: {  	[dreg:$0x4] =	wrdreg $0x9  }
0xb7: {  	_ =	task.clear_ibuf [dreg:s7], $0x5FFFF;
	_ =	strace $0x90000049  }
0xb8: {  	s29 =	simm.s32 $0x9;
	_ =	strace $0x8000004B  }
0xb9: {  	_ =	swait.ge [sflag:s29], $0x1  }
0xba: {  	[sflag:s29] =	ssyncadd.s32 $0xFFFFFFFF  }
0xbb: {  	_ =	strace $0x9000004B  }
0xbc: {  	_ =	sfence  }
0xbd: {  	s30 =	sld [smem:$0x0];
	_ =	sdelay $0x2  }
0xbe: {  	s31 =	sshll.u32 s1, $0xD;
	s1 =	sshrl.u32 s1, $0x2  }
0xbf: {  	s3 =	sand.u32 $0x4000, s31;
	s1 =	sadd.s32 s1, s30  }
0xc0: {  	s0 =	sor.u32 s3, s0;
	s1 =	sshll.u32 s1, $0x11  }
0xc1: {  	s0 =	sor.u32 s1, s0  }
0xc2: {  	s0 =	sadd.s32 $0x8F2B, s0  }
0xc3: {  	[sflag:s0] =	ssyncadd.remote.s32 $0x1  }
0xc4: {  	_ =	sfence.sel $0xFFFF  }
0xc5: {  	[dreg:$0x0] =	wrdreg $0xFFFFFFFF;
	(pc) =	sbr.abs _section_cstart, $3  }
0xc6: {  	[dreg:$0x1] =	wrdreg $0xFFFFFFFF  }
0xc7: {  	_ =	task.clear_ibuf [dreg:s7], $0x2FFFF;
	_ =	strace $0x9FFFFFFF  }
0xc8: {  	(tm) =	ssettm $0x7FFFFFFF  }
0xc9: {  	_ =	shalt  }
tec
execute0_lowered:
.L_overlay_start_1:
0x0: {  	(tag) =	ssettag $0x1  }
0x1: {  	s2 =	rddreg [dreg:$0x0]  }
0x2: {  	s0 =	rddreg [dreg:$0x1]  }
0x3: {  	s1 =	srdreg.scid;
	s4 =	stileid.u32  }
0x4: {  	s3 =	simm.s32 $0x0;
	s13 =	simm.s32 $0x5;
	s14 =	simm.s32 $0x60  }
0x5: {  	s18 =	simm.s32 $0xC0;
	s19 =	simm.s32 $0x3180;
	s20 =	simm.s32 $0x120  }
0x6: {  	s21 =	simm.s32 $0x4980;
	s22 =	simm.s32 $0x6980;
	s23 =	simm.s32 $0x1  }
0x7: {  	s24 =	simm.s32 $0x3;
	s25 =	simm.s32 $0x7180;
	s26 =	simm.s32 $0x2  }
0x8: {  	s28 =	simm.s32 $0x4;
	s1 =	sand.u32 $0x1, s1;
	s4 =	sshll.u32 s4, $0x1  }
0x9: {  	s29 =	simm.s32 $0x0;
	[smem:$0x7FF] =	sst s3;
	s8 =	sor.u32 s1, s4  }
0xa: {  	s5 =	sadd.s32 $0x3AE00, s0;
	_ =	strace $0x8000004A;
	s4 =	smul.u32 $0xC00, s8  }
.Ltmp0:
0xb: {  	s1 =	ssub.s32 $0x2, s1;
	s6 =	sshll.u32 s8, $0xC;
	(pc) =	sbr.rel .LBB2_1-.Ltmp0, $4  }
0xc: {  	s7 =	sshrl.u32 s1, $0x1;
	s8 =	sshll.u32 s8, $0x9;
	s9 =	sshrl.u32 s4, $0x3  }
0xd: {  	s11 =	sadd.s32 s6, s0;
	s30 =	ssub.s32 s1, s7;
	s7 =	sadd.s32 s2, s9  }
0xe: {  	s6 =	sadd.s32 $0xE00, s0;
	s12 =	smax.u32 s30, $0x1;
	s31 =	sadd.s32 $0x18, s7  }
0xf: {  	vm0 =	vcmask $0x3F3C;
	s9 =	sadd.s32 $0x1AE00, s11;
	s11 =	sadd.s32 $0x1AF00, s11;
	[dreg:$0x3] =	wrdreg s31  }
.LBB2_8:
0x10: {  	s29 =	sadd.s32 $0x1, s29  }
0x11: {  	p0 =	sne.s32 s29, s12  }
.Ltmp1:
0x12: {  	_ = 	snop;
	(pc) =	sbr.rel @!p0 .LBB2_9-.Ltmp1, $1  }
0x13: {  	_ =	sdelay $0x3  }
.LBB2_1:
0x14: {  	[tilespmem:s3], [sflag:$0x5] =	stream.linear.gather [hbm4b:s7+s3], $0xC0, $0x38;
	[tilespmem:$0x7240] =	vst v63  }
0x15: {  	_ =	swait.ge [sflag:s13], $0xC0  }
0x16: {  	[sflag:s13] =	ssyncset.done $0x0  }
0x17: {  	s0 =	simm.s32 $0x180;
	[sflag:s13] =	ssyncadd.s32 $0xFFFFFF40  }
0x18: {  	[tilespmem:s0], [sflag:$0x1] =	stream.indirect.gather [hbm4b:s5+s14], $0x40, s3, s14, $0xb8;
	[tilespmem:$0x7240] =	vst v63  }
0x19: {  	s16 =	simm.s32 $0x1980  }
0x1a: {  	[tilespmem:s16], [sflag:$0x1] =	stream.indirect.gather [hbm4b:s5+s14], $0x40, s14, s14, $0xb8;
	[tilespmem:$0x7240] =	vst v63  }
0x1b: {  	s17 =	simm.s32 $0x6180  }
0x1c: {  	[tilespmem:s17], [sflag:$0x3] =	stream.linear.gather [hbm4b:s9+s3], $0x800, $0x38;
	[tilespmem:$0x7240] =	vst v63  }
0x1d: {  	s31 =	rddreg [dreg:$0x3]  }
0x1e: {  	[tilespmem:s18], [sflag:$0x5] =	stream.linear.gather [hbm4b:s31+s3], $0xC0, $0x38;
	[tilespmem:$0x7240] =	vst v63  }
0x1f: {  	_ =	swait.ge [sflag:s13], $0xC0  }
0x20: {  	[sflag:s13] =	ssyncset.done $0x0  }
0x21: {  	[sflag:s13] =	ssyncadd.s32 $0xFFFFFF40  }
0x22: {  	[tilespmem:s19], [sflag:$0x2] =	stream.indirect.gather [hbm4b:s5+s14], $0x40, s18, s14, $0xb8;
	[tilespmem:$0x7240] =	vst v63  }
0x23: {  	_ = 	snop  }
0x24: {  	[tilespmem:s21], [sflag:$0x2] =	stream.indirect.gather [hbm4b:s5+s14], $0x40, s20, s14, $0xb8;
	[tilespmem:$0x7240] =	vst v63  }
0x25: {  	s30 =	simm.s32 $0x0  }
0x26: {  	[tilespmem:s22], [sflag:$0x4] =	stream.linear.gather [hbm4b:s11+s3], $0x800, $0x38;
	[tilespmem:$0x7240] =	vst v63  }
.LBB2_2:
0x27: {  	_ =	swait.ge [sflag:s23], $0x3000  }
0x28: {  	[sflag:s23] =	ssyncset.done $0x0  }
0x29: {  	[sflag:s23] =	ssyncadd.s32 $0xFFFFD000  }
0x2a: {  	_ =	swait.ge [sflag:s24], $0x800  }
0x2b: {  	[sflag:s24] =	ssyncset.done $0x0  }
0x2c: {  	s0 =	simm.s32 $0x240;
	[sflag:s24] =	ssyncadd.s32 $0xFFFFF800  }
0x2d: {  	s1 =	simm.s32 $0x61A0;
	v0 =	vld [tilespmem:s0+$0xFFFFFF50]  }
0x2e: {  	v1 =	vld [tilespmem:s1+$0xFFFFFFE0]  }
0x2f: {  	v2 =	vld [tilespmem:s0+$0xFFFFFF40]  }
0x30: {  	v3 =	vld [tilespmem:s1+$0xFFFFFFF0]  }
0x31: {  	v4 =	vld [tilespmem:s0+$0xFFFFFF60]  }
0x32: {  	v5 =	vld [tilespmem:s1+$0x0]  }
0x33: {  	v6 =	vld [tilespmem:s0+$0xFFFFFF70]  }
0x34: {  	v7 =	vld [tilespmem:s1+$0x10]  }
0x35: {  	v2 =	vmul.f32 v2, v1;
	v0 =	vmul.f32 v0, v3;
	_ =	sdelay $0x1  }
0x36: {  	v0 =	vadd.f32 v0, v2;
	v2 =	vmul.f32 v4, v5;
	_ =	sdelay $0x1  }
0x37: {  	v0 =	vadd.f32 v2, v0;
	v2 =	vmul.f32 v6, v7;
	_ =	sdelay $0x1  }
0x38: {  	v0 =	vadd.f32 v2, v0;
	_ =	sdelay $0x1  }
0x39: {  	(xrf2) =	vadd.scan.msk.f32 $0xffff, v0;
	_ =	sdelay $0x1  }
0x3a: {  	s15 =	simm.s32 $0x0  }
0x3b: {  	v0 =	vmov s15  }
0x3c: {  	v0 =	vand.u32 $0xFFFFFFFE, v0  }
0x3d: {  	v0 =	vbroadcast v0, $0x0;
	_ =	sdelay $0x4  }
0x3e: {  	v2, _, _ =	vpop (xrf2)  }
0x3f: {  	[tilespmem:v0+s25+$0x0] =	vst.idx.msk vm0, v2  }
0x40: {  	v0 =	vld [tilespmem:s0+$0xFFFFFF80]  }
0x41: {  	v2 =	vld [tilespmem:s0+$0xFFFFFF90];
	_ =	sdelay $0x1  }
0x42: {  	v54 =	vld [tilespmem:s0+$0xFFFFFFA0];
	_ =	sdelay $0x1  }
0x43: {  	v55 =	vld [tilespmem:s0+$0xFFFFFFB0]  }
0x44: {  	v0 =	vmul.f32 v0, v1;
	v2 =	vmul.f32 v2, v3;
	_ =	sdelay $0x1  }
0x45: {  	v0 =	vadd.f32 v2, v0;
	v2 =	vmul.f32 v54, v5;
	_ =	sdelay $0x1  }
0x46: {  	v0 =	vadd.f32 v2, v0;
	v2 =	vmul.f32 v55, v7;
	_ =	sdelay $0x1  }
0x47: {  	v0 =	vadd.f32 v2, v0;
	_ =	sdelay $0x1  }
0x48: {  	(xrf2) =	vadd.scan.msk.f32 $0xffff, v0;
	_ =	sdelay $0x4  }
0x49: {  	s10 =	simm.s32 $0x1  }
0x4a: {  	v0 =	vmov s10;
	_ =	sdelay $0x3  }
0x4b: {  	v2, _, _ =	vpop (xrf2)  }
0x4c: {  	[tilespmem:v0+s25+$0x0] =	vst.idx.msk vm0, v2  }
0x4d: {  	v0 =	vld [tilespmem:s0+$0xFFFFFFC0]  }
0x4e: {  	v2 =	vld [tilespmem:s0+$0xFFFFFFD0];
	_ =	sdelay $0x1  }
0x4f: {  	v56 =	vld [tilespmem:s0+$0xFFFFFFE0];
	_ =	sdelay $0x1  }
0x50: {  	v57 =	vld [tilespmem:s0+$0xFFFFFFF0]  }
0x51: {  	v0 =	vmul.f32 v0, v1;
	v2 =	vmul.f32 v2, v3;
	_ =	sdelay $0x1  }
0x52: {  	v0 =	vadd.f32 v2, v0;
	v2 =	vmul.f32 v56, v5;
	_ =	sdelay $0x1  }
0x53: {  	v0 =	vadd.f32 v2, v0;
	v2 =	vmul.f32 v57, v7;
	_ =	sdelay $0x1  }
0x54: {  	v0 =	vadd.f32 v2, v0;
	_ =	sdelay $0x1  }
0x55: {  	(xrf2) =	vadd.scan.msk.f32 $0xffff, v0;
	_ =	sdelay $0x1  }
0x56: {  	s16 =	simm.s32 $0x2  }
0x57: {  	v0 =	vmov s16  }
0x58: {  	v0 =	vand.u32 $0xFFFFFFFE, v0  }
0x59: {  	v0 =	vbroadcast v0, $0x0;
	_ =	sdelay $0x4  }
0x5a: {  	v2, _, _ =	vpop (xrf2)  }
0x5b: {  	[tilespmem:v0+s25+$0x0] =	vst.idx.msk vm0, v2  }
0x5c: {  	v0 =	vld [tilespmem:s0+$0x0]  }
0x5d: {  	v2 =	vld [tilespmem:s0+$0x10];
	_ =	sdelay $0x1  }
0x5e: {  	v58 =	vld [tilespmem:s0+$0x20];
	_ =	sdelay $0x1  }
0x5f: {  	v59 =	vld [tilespmem:s0+$0x30]  }
0x60: {  	v0 =	vmul.f32 v0, v1;
	v2 =	vmul.f32 v2, v3;
	_ =	sdelay $0x1  }
0x61: {  	v0 =	vadd.f32 v2, v0;
	v2 =	vmul.f32 v58, v5;
	_ =	sdelay $0x1  }
0x62: {  	v0 =	vadd.f32 v2, v0;
	v2 =	vmul.f32 v59, v7;
	_ =	sdelay $0x1  }
0x63: {  	v0 =	vadd.f32 v2, v0;
	_ =	sdelay $0x1  }
0x64: {  	(xrf2) =	vadd.scan.msk.f32 $0xffff, v0;
	_ =	sdelay $0x4  }
0x65: {  	s17 =	simm.s32 $0x3  }
0x66: {  	v0 =	vmov s17;
	_ =	sdelay $0x3  }
0x67: {  	v2, _, _ =	vpop (xrf2)  }
0x68: {  	[tilespmem:v0+s25+$0x0] =	vst.idx.msk vm0, v2  }
0x69: {  	v0 =	vld [tilespmem:s0+$0x40]  }
0x6a: {  	v2 =	vld [tilespmem:s0+$0x50];
	_ =	sdelay $0x1  }
0x6b: {  	v60 =	vld [tilespmem:s0+$0x60];
	_ =	sdelay $0x1  }
0x6c: {  	v61 =	vld [tilespmem:s0+$0x70]  }
0x6d: {  	v0 =	vmul.f32 v0, v1;
	v2 =	vmul.f32 v2, v3;
	_ =	sdelay $0x1  }
0x6e: {  	v0 =	vadd.f32 v2, v0;
	v2 =	vmul.f32 v60, v5;
	_ =	sdelay $0x1  }
0x6f: {  	v0 =	vadd.f32 v2, v0;
	v2 =	vmul.f32 v61, v7;
	_ =	sdelay $0x1  }
0x70: {  	v0 =	vadd.f32 v2, v0;
	_ =	sdelay $0x1  }
0x71: {  	(xrf2) =	vadd.scan.msk.f32 $0xffff, v0;
	_ =	sdelay $0x1  }
0x72: {  	s31 =	simm.s32 $0x4  }
0x73: {  	v0 =	vmov s31  }
0x74: {  	v0 =	vand.u32 $0xFFFFFFFE, v0  }
0x75: {  	v0 =	vbroadcast v0, $0x0;
	_ =	sdelay $0x4  }
0x76: {  	v2, _, _ =	vpop (xrf2)  }
0x77: {  	[tilespmem:v0+s25+$0x0] =	vst.idx.msk vm0, v2  }
0x78: {  	v0 =	vld [tilespmem:s0+$0x80]  }
0x79: {  	v2 =	vld [tilespmem:s0+$0x90];
	_ =	sdelay $0x1  }
0x7a: {  	v62 =	vld [tilespmem:s0+$0xA0];
	_ =	sdelay $0x1  }
0x7b: {  	v63 =	vld [tilespmem:s0+$0xB0]  }
0x7c: {  	v0 =	vmul.f32 v0, v1;
	v1 =	vmul.f32 v2, v3;
	_ =	sdelay $0x1  }
0x7d: {  	v2 =	vmul.f32 v62, v5;
	v0 =	vadd.f32 v1, v0;
	_ =	sdelay $0x1  }
0x7e: {  	v1 =	vmul.f32 v63, v7;
	v0 =	vadd.f32 v2, v0;
	_ =	sdelay $0x1  }
0x7f: {  	s15 =	simm.s32 $0x5;
	s16 =	simm.s32 $0xB;
	v0 =	vadd.f32 v1, v0  }
.LBB2_3:
0x80: {  	p0 =	sne.s32 s16, $0xBF;
	s1 =	sadd.s32 $0x40, s1;
	s0 =	sadd.s32 $0x180, s0  }
0x81: {  	s17 =	smov.u32 s16;
	s16 =	sadd.s32 $0x6, s16;
	(xrf2) =	vadd.scan.msk.f32 $0xffff, v0;
	_ =	sdelay $0x4  }
0x82: {  	v0 =	vmov s15;
	s15 =	smov.u32 s17;
	_ =	sdelay $0x4  }
0x83: {  	v1, _, _ =	vpop (xrf2)  }
0x84: {  	[tilespmem:v0+s25+$0x0] =	vst.idx.msk vm0, v1  }
0x85: {  	v4 =	vld [tilespmem:s0+$0xFFFFFF50]  }
0x86: {  	v0 =	vld [tilespmem:s1+$0xFFFFFFE0]  }
0x87: {  	v5 =	vld [tilespmem:s0+$0xFFFFFF40]  }
0x88: {  	v1 =	vld [tilespmem:s1+$0xFFFFFFF0]  }
0x89: {  	v6 =	vld [tilespmem:s0+$0xFFFFFF60]  }
0x8a: {  	v2 =	vld [tilespmem:s1+$0x0]  }
0x8b: {  	v7 =	vld [tilespmem:s0+$0xFFFFFF70]  }
0x8c: {  	v3 =	vld [tilespmem:s1+$0x10];
	v5 =	vmul.f32 v5, v0  }
0x8d: {  	v4 =	vmul.f32 v4, v1;
	_ =	sdelay $0x1  }
0x8e: {  	v4 =	vadd.f32 v4, v5;
	v5 =	vmul.f32 v6, v2;
	_ =	sdelay $0x1  }
0x8f: {  	v4 =	vadd.f32 v5, v4;
	v5 =	vmul.f32 v7, v3;
	_ =	sdelay $0x1  }
0x90: {  	v4 =	vadd.f32 v5, v4;
	_ =	sdelay $0x1  }
0x91: {  	(xrf2) =	vadd.scan.msk.f32 $0xffff, v4;
	_ =	sdelay $0x1  }
0x92: {  	s17 =	sadd.s32 $0xFFFFFFFB, s15  }
0x93: {  	v4 =	vmov s17  }
0x94: {  	v4 =	vand.u32 $0xFFFFFFFE, v4  }
0x95: {  	v4 =	vbroadcast v4, $0x0;
	_ =	sdelay $0x4  }
0x96: {  	v5, _, _ =	vpop (xrf2)  }
0x97: {  	[tilespmem:v4+s25+$0x0] =	vst.idx.msk vm0, v5  }
0x98: {  	v4 =	vld [tilespmem:s0+$0xFFFFFF80]  }
0x99: {  	v5 =	vld [tilespmem:s0+$0xFFFFFF90];
	_ =	sdelay $0x1  }
0x9a: {  	v6 =	vld [tilespmem:s0+$0xFFFFFFA0];
	_ =	sdelay $0x1  }
0x9b: {  	v4 =	vmul.f32 v4, v0;
	v7 =	vld [tilespmem:s0+$0xFFFFFFB0]  }
0x9c: {  	v5 =	vmul.f32 v5, v1;
	_ =	sdelay $0x1  }
0x9d: {  	v4 =	vadd.f32 v5, v4;
	v5 =	vmul.f32 v6, v2;
	_ =	sdelay $0x1  }
0x9e: {  	v4 =	vadd.f32 v5, v4;
	v5 =	vmul.f32 v7, v3;
	_ =	sdelay $0x1  }
0x9f: {  	v4 =	vadd.f32 v5, v4;
	_ =	sdelay $0x1  }
0xa0: {  	(xrf2) =	vadd.scan.msk.f32 $0xffff, v4;
	_ =	sdelay $0x4  }
0xa1: {  	s17 =	sadd.s32 $0xFFFFFFFC, s15  }
0xa2: {  	v4 =	vmov s17;
	_ =	sdelay $0x3  }
0xa3: {  	v5, _, _ =	vpop (xrf2)  }
0xa4: {  	[tilespmem:v4+s25+$0x0] =	vst.idx.msk vm0, v5  }
0xa5: {  	v4 =	vld [tilespmem:s0+$0xFFFFFFC0]  }
0xa6: {  	v5 =	vld [tilespmem:s0+$0xFFFFFFD0];
	_ =	sdelay $0x1  }
0xa7: {  	v6 =	vld [tilespmem:s0+$0xFFFFFFE0];
	_ =	sdelay $0x1  }
0xa8: {  	v4 =	vmul.f32 v4, v0;
	v7 =	vld [tilespmem:s0+$0xFFFFFFF0]  }
0xa9: {  	v5 =	vmul.f32 v5, v1;
	_ =	sdelay $0x1  }
0xaa: {  	v4 =	vadd.f32 v5, v4;
	v5 =	vmul.f32 v6, v2;
	_ =	sdelay $0x1  }
0xab: {  	v4 =	vadd.f32 v5, v4;
	v5 =	vmul.f32 v7, v3;
	_ =	sdelay $0x1  }
0xac: {  	v4 =	vadd.f32 v5, v4;
	_ =	sdelay $0x1  }
0xad: {  	(xrf2) =	vadd.scan.msk.f32 $0xffff, v4;
	_ =	sdelay $0x1  }
0xae: {  	s17 =	sadd.s32 $0xFFFFFFFD, s15  }
0xaf: {  	v4 =	vmov s17  }
0xb0: {  	v4 =	vand.u32 $0xFFFFFFFE, v4  }
0xb1: {  	v4 =	vbroadcast v4, $0x0;
	_ =	sdelay $0x4  }
0xb2: {  	v5, _, _ =	vpop (xrf2)  }
0xb3: {  	[tilespmem:v4+s25+$0x0] =	vst.idx.msk vm0, v5  }
0xb4: {  	v4 =	vld [tilespmem:s0+$0x0]  }
0xb5: {  	v5 =	vld [tilespmem:s0+$0x10];
	_ =	sdelay $0x1  }
0xb6: {  	v6 =	vld [tilespmem:s0+$0x20];
	_ =	sdelay $0x1  }
0xb7: {  	v4 =	vmul.f32 v4, v0;
	v7 =	vld [tilespmem:s0+$0x30]  }
0xb8: {  	v5 =	vmul.f32 v5, v1;
	_ =	sdelay $0x1  }
0xb9: {  	v4 =	vadd.f32 v5, v4;
	v5 =	vmul.f32 v6, v2;
	_ =	sdelay $0x1  }
0xba: {  	v4 =	vadd.f32 v5, v4;
	v5 =	vmul.f32 v7, v3;
	_ =	sdelay $0x1  }
0xbb: {  	v4 =	vadd.f32 v5, v4;
	_ =	sdelay $0x1  }
0xbc: {  	(xrf2) =	vadd.scan.msk.f32 $0xffff, v4;
	_ =	sdelay $0x4  }
0xbd: {  	s17 =	sadd.s32 $0xFFFFFFFE, s15  }
0xbe: {  	v4 =	vmov s17;
	_ =	sdelay $0x3  }
0xbf: {  	v5, _, _ =	vpop (xrf2)  }
0xc0: {  	[tilespmem:v4+s25+$0x0] =	vst.idx.msk vm0, v5  }
0xc1: {  	v4 =	vld [tilespmem:s0+$0x40]  }
0xc2: {  	v5 =	vld [tilespmem:s0+$0x50]  }
0xc3: {  	v6 =	vld [tilespmem:s0+$0x60]  }
0xc4: {  	v7 =	vld [tilespmem:s0+$0x70];
	_ =	sdelay $0x1  }
0xc5: {  	v4 =	vmul.f32 v4, v0  }
0xc6: {  	v5 =	vmul.f32 v5, v1;
	_ =	sdelay $0x1  }
0xc7: {  	v4 =	vadd.f32 v5, v4;
	v5 =	vmul.f32 v6, v2;
	_ =	sdelay $0x1  }
0xc8: {  	v4 =	vadd.f32 v5, v4;
	v5 =	vmul.f32 v7, v3;
	_ =	sdelay $0x1  }
0xc9: {  	v4 =	vadd.f32 v5, v4;
	_ =	sdelay $0x1  }
0xca: {  	(xrf2) =	vadd.scan.msk.f32 $0xffff, v4;
	_ =	sdelay $0x1  }
0xcb: {  	s17 =	sadd.s32 $0xFFFFFFFF, s15  }
0xcc: {  	v4 =	vmov s17  }
0xcd: {  	v4 =	vand.u32 $0xFFFFFFFE, v4  }
0xce: {  	v4 =	vbroadcast v4, $0x0;
	_ =	sdelay $0x4  }
0xcf: {  	v5, _, _ =	vpop (xrf2)  }
0xd0: {  	[tilespmem:v4+s25+$0x0] =	vst.idx.msk vm0, v5  }
0xd1: {  	v4 =	vld [tilespmem:s0+$0x80]  }
0xd2: {  	v5 =	vld [tilespmem:s0+$0x90]  }
0xd3: {  	v6 =	vld [tilespmem:s0+$0xA0]  }
0xd4: {  	v7 =	vld [tilespmem:s0+$0xB0];
	_ =	sdelay $0x1  }
0xd5: {  	v0 =	vmul.f32 v4, v0  }
0xd6: {  	v1 =	vmul.f32 v5, v1  }
0xd7: {  	v2 =	vmul.f32 v6, v2  }
.Ltmp2:
0xd8: {  	v0 =	vadd.f32 v1, v0;
	(pc) =	sbr.rel @p0 .LBB2_3-.Ltmp2, $3  }
0xd9: {  	v1 =	vmul.f32 v7, v3  }
0xda: {  	v0 =	vadd.f32 v2, v0;
	_ =	sdelay $0x1  }
0xdb: {  	v0 =	vadd.f32 v1, v0  }
0xdc: {  	_ = 	snop  }
0xdd: {  	(xrf2) =	vadd.scan.msk.f32 $0xffff, v0;
	_ =	sdelay $0x5  }
0xde: {  	s0 =	sshll.u32 s30, $0x6;
	v0 =	vmov s15  }
0xdf: {  	s1 =	sadd.s32 s8, s0  }
0xe0: {  	s1 =	smul.u32 $0x6, s1  }
0xe1: {  	s31 =	sshll.u32 s30, $0x1;
	p0 =	seq.s32 s30, $0x7  }
0xe2: {  	s15 =	sadd.s32 @!p0 $0x2, s31;
	s1 =	sshrl.u32 s1, $0x3;
	v1, _, _ =	vpop (xrf2)  }
0xe3: {  	s16 =	smul.u32 @!p0 $0xC0, s15;
	s1 =	sadd.s32 s6, s1;
	[tilespmem:v0+s25+$0x0] =	vst.idx.msk vm0, v1  }
0xe4: {  	[hbm4b:s1+s3] =	stream.linear.scatter [tilespmem:s25], [sflag:$0x5], $0xC0, $0x38;
	[tilespmem:$0x7240] =	vst v63  }
0xe5: {  	s1 =	sadd.s32 @!p0 s4, s16;
	_ =	swait.ge [sflag:s13], $0xC0  }
0xe6: {  	s1 =	sshrl.u32 @!p0 s1, $0x3;
	[sflag:s13] =	ssyncset.done $0x0  }
0xe7: {  	s16 =	simm.s32 @!p0 $0x0;
	s1 =	sadd.s32 @!p0 s2, s1;
	[sflag:s13] =	ssyncadd.s32 $0xFFFFFF40  }
0xe8: {  	[tilespmem:s16], [sflag:$0x5] =	stream.linear.gather @!p0 [hbm4b:s1+s16], $0xC0, $0x38;
	[tilespmem:$0x7240] =	vst v63  }
0xe9: {  	s1 =	simm.s32 @!p0 $0x5  }
0xea: {  	_ =	swait.ge @!p0 [sflag:s1], $0xC0  }
0xeb: {  	[sflag:s1] =	ssyncset.done @!p0 $0x0  }
0xec: {  	s17 =	simm.s32 @!p0 $0x180;
	[sflag:s1] =	ssyncadd.s32 @!p0 $0xFFFFFF40;
	s1 =	simm.s32 @!p0 $0x60  }
0xed: {  	[tilespmem:s17], [sflag:$0x1] =	stream.indirect.gather @!p0 [hbm4b:s5+s1], $0x40, s16, s1, $0xb8;
	[tilespmem:$0x7240] =	vst v63  }
0xee: {  	s17 =	simm.s32 @!p0 $0x1980  }
0xef: {  	[tilespmem:s17], [sflag:$0x1] =	stream.indirect.gather @!p0 [hbm4b:s5+s1], $0x40, s1, s1, $0xb8;
	[tilespmem:$0x7240] =	vst v63  }
0xf0: {  	s1 =	sshll.u32 @!p0 s15, $0x8  }
0xf1: {  	s15 =	simm.s32 @!p0 $0x6180;
	s1 =	sadd.s32 @!p0 s1, s9  }
0xf2: {  	[tilespmem:s15], [sflag:$0x3] =	stream.linear.gather @!p0 [hbm4b:s1+s16], $0x800, $0x38;
	[tilespmem:$0x7240] =	vst v63  }
0xf3: {  	_ =	swait.ge [sflag:s26], $0x3000  }
0xf4: {  	[sflag:s26] =	ssyncset.done $0x0  }
0xf5: {  	[sflag:s26] =	ssyncadd.s32 $0xFFFFD000  }
0xf6: {  	_ =	swait.ge [sflag:s28], $0x800  }
0xf7: {  	[sflag:s28] =	ssyncset.done $0x0  }
0xf8: {  	s1 =	simm.s32 $0x32F0;
	[sflag:s28] =	ssyncadd.s32 $0xFFFFF800  }
0xf9: {  	s15 =	simm.s32 $0x69B0;
	v0 =	vld [tilespmem:s1+$0xFFFFFEA0]  }
0xfa: {  	v1 =	vld [tilespmem:s15+$0xFFFFFFD0]  }
0xfb: {  	v2 =	vld [tilespmem:s1+$0xFFFFFE90]  }
0xfc: {  	v3 =	vld [tilespmem:s15+$0xFFFFFFE0]  }
0xfd: {  	v4 =	vld [tilespmem:s1+$0xFFFFFEB0]  }
0xfe: {  	v5 =	vld [tilespmem:s15+$0xFFFFFFF0]  }
0xff: {  	v6 =	vld [tilespmem:s1+$0xFFFFFEC0]  }
0x100: {  	v7 =	vld [tilespmem:s15+$0x0]  }
0x101: {  	v2 =	vmul.f32 v2, v1;
	v0 =	vmul.f32 v0, v3;
	_ =	sdelay $0x1  }
0x102: {  	v0 =	vadd.f32 v0, v2;
	v2 =	vmul.f32 v4, v5;
	_ =	sdelay $0x1  }
0x103: {  	v0 =	vadd.f32 v2, v0;
	v2 =	vmul.f32 v6, v7;
	_ =	sdelay $0x1  }
0x104: {  	v0 =	vadd.f32 v2, v0;
	_ =	sdelay $0x1  }
0x105: {  	(xrf2) =	vadd.scan.msk.f32 $0xffff, v0;
	_ =	sdelay $0x1  }
0x106: {  	s17 =	simm.s32 $0x0  }
0x107: {  	v0 =	vmov s17  }
0x108: {  	v0 =	vand.u32 $0xFFFFFFFE, v0  }
0x109: {  	v0 =	vbroadcast v0, $0x0;
	_ =	sdelay $0x4  }
0x10a: {  	v2, _, _ =	vpop (xrf2)  }
0x10b: {  	[tilespmem:v0+s25+$0x0] =	vst.idx.msk vm0, v2  }
0x10c: {  	v0 =	vld [tilespmem:s1+$0xFFFFFED0]  }
0x10d: {  	v2 =	vld [tilespmem:s1+$0xFFFFFEE0];
	_ =	sdelay $0x1  }
0x10e: {  	v54 =	vld [tilespmem:s1+$0xFFFFFEF0];
	_ =	sdelay $0x1  }
0x10f: {  	v55 =	vld [tilespmem:s1+$0xFFFFFF00]  }
0x110: {  	v0 =	vmul.f32 v0, v1;
	v2 =	vmul.f32 v2, v3;
	_ =	sdelay $0x1  }
0x111: {  	v0 =	vadd.f32 v2, v0;
	v2 =	vmul.f32 v54, v5;
	_ =	sdelay $0x1  }
0x112: {  	v0 =	vadd.f32 v2, v0;
	v2 =	vmul.f32 v55, v7;
	_ =	sdelay $0x1  }
0x113: {  	v0 =	vadd.f32 v2, v0;
	_ =	sdelay $0x1  }
0x114: {  	(xrf2) =	vadd.scan.msk.f32 $0xffff, v0;
	_ =	sdelay $0x4  }
0x115: {  	s10 =	simm.s32 $0x1  }
0x116: {  	v0 =	vmov s10;
	_ =	sdelay $0x3  }
0x117: {  	v2, _, _ =	vpop (xrf2)  }
0x118: {  	[tilespmem:v0+s25+$0x0] =	vst.idx.msk vm0, v2  }
0x119: {  	v0 =	vld [tilespmem:s1+$0xFFFFFF10]  }
0x11a: {  	v2 =	vld [tilespmem:s1+$0xFFFFFF20];
	_ =	sdelay $0x1  }
0x11b: {  	v56 =	vld [tilespmem:s1+$0xFFFFFF30];
	_ =	sdelay $0x1  }
0x11c: {  	v57 =	vld [tilespmem:s1+$0xFFFFFF40]  }
0x11d: {  	v0 =	vmul.f32 v0, v1;
	v2 =	vmul.f32 v2, v3;
	_ =	sdelay $0x1  }
0x11e: {  	v0 =	vadd.f32 v2, v0;
	v2 =	vmul.f32 v56, v5;
	_ =	sdelay $0x1  }
0x11f: {  	v0 =	vadd.f32 v2, v0;
	v2 =	vmul.f32 v57, v7;
	_ =	sdelay $0x1  }
0x120: {  	v0 =	vadd.f32 v2, v0;
	_ =	sdelay $0x1  }
0x121: {  	(xrf2) =	vadd.scan.msk.f32 $0xffff, v0;
	_ =	sdelay $0x1  }
0x122: {  	s17 =	simm.s32 $0x2  }
0x123: {  	v0 =	vmov s17  }
0x124: {  	v0 =	vand.u32 $0xFFFFFFFE, v0  }
0x125: {  	v0 =	vbroadcast v0, $0x0;
	_ =	sdelay $0x4  }
0x126: {  	v2, _, _ =	vpop (xrf2)  }
0x127: {  	[tilespmem:v0+s25+$0x0] =	vst.idx.msk vm0, v2  }
0x128: {  	v0 =	vld [tilespmem:s1+$0xFFFFFF50]  }
0x129: {  	v2 =	vld [tilespmem:s1+$0xFFFFFF60];
	_ =	sdelay $0x1  }
0x12a: {  	v58 =	vld [tilespmem:s1+$0xFFFFFF70];
	_ =	sdelay $0x1  }
0x12b: {  	v59 =	vld [tilespmem:s1+$0xFFFFFF80]  }
0x12c: {  	v0 =	vmul.f32 v0, v1;
	v2 =	vmul.f32 v2, v3;
	_ =	sdelay $0x1  }
0x12d: {  	v0 =	vadd.f32 v2, v0;
	v2 =	vmul.f32 v58, v5;
	_ =	sdelay $0x1  }
0x12e: {  	v0 =	vadd.f32 v2, v0;
	v2 =	vmul.f32 v59, v7;
	_ =	sdelay $0x1  }
0x12f: {  	v0 =	vadd.f32 v2, v0;
	_ =	sdelay $0x1  }
0x130: {  	(xrf2) =	vadd.scan.msk.f32 $0xffff, v0;
	_ =	sdelay $0x4  }
0x131: {  	s10 =	simm.s32 $0x3  }
0x132: {  	v0 =	vmov s10;
	_ =	sdelay $0x3  }
0x133: {  	v2, _, _ =	vpop (xrf2)  }
0x134: {  	[tilespmem:v0+s25+$0x0] =	vst.idx.msk vm0, v2  }
0x135: {  	v0 =	vld [tilespmem:s1+$0xFFFFFF90]  }
0x136: {  	v2 =	vld [tilespmem:s1+$0xFFFFFFA0];
	_ =	sdelay $0x1  }
0x137: {  	v60 =	vld [tilespmem:s1+$0xFFFFFFB0];
	_ =	sdelay $0x1  }
0x138: {  	v61 =	vld [tilespmem:s1+$0xFFFFFFC0]  }
0x139: {  	v0 =	vmul.f32 v0, v1;
	v2 =	vmul.f32 v2, v3;
	_ =	sdelay $0x1  }
0x13a: {  	v0 =	vadd.f32 v2, v0;
	v2 =	vmul.f32 v60, v5;
	_ =	sdelay $0x1  }
0x13b: {  	v0 =	vadd.f32 v2, v0;
	v2 =	vmul.f32 v61, v7;
	_ =	sdelay $0x1  }
0x13c: {  	v0 =	vadd.f32 v2, v0;
	_ =	sdelay $0x1  }
0x13d: {  	(xrf2) =	vadd.scan.msk.f32 $0xffff, v0;
	_ =	sdelay $0x1  }
0x13e: {  	s17 =	simm.s32 $0x4  }
0x13f: {  	v0 =	vmov s17  }
0x140: {  	v0 =	vand.u32 $0xFFFFFFFE, v0  }
0x141: {  	v0 =	vbroadcast v0, $0x0;
	_ =	sdelay $0x4  }
0x142: {  	v2, _, _ =	vpop (xrf2)  }
0x143: {  	[tilespmem:v0+s25+$0x0] =	vst.idx.msk vm0, v2  }
0x144: {  	v0 =	vld [tilespmem:s1+$0xFFFFFFD0]  }
0x145: {  	v2 =	vld [tilespmem:s1+$0xFFFFFFE0];
	_ =	sdelay $0x1  }
0x146: {  	v62 =	vld [tilespmem:s1+$0xFFFFFFF0];
	_ =	sdelay $0x1  }
0x147: {  	v63 =	vld [tilespmem:s1+$0x0]  }
0x148: {  	v0 =	vmul.f32 v0, v1;
	v1 =	vmul.f32 v2, v3;
	_ =	sdelay $0x1  }
0x149: {  	v2 =	vmul.f32 v62, v5;
	v0 =	vadd.f32 v1, v0;
	_ =	sdelay $0x1  }
0x14a: {  	v1 =	vmul.f32 v63, v7;
	v0 =	vadd.f32 v2, v0;
	_ =	sdelay $0x1  }
0x14b: {  	s16 =	simm.s32 $0x5;
	s17 =	simm.s32 $0xB;
	v0 =	vadd.f32 v1, v0  }
.LBB2_5:
0x14c: {  	p1 =	sne.s32 s17, $0xBF;
	s15 =	sadd.s32 $0x40, s15;
	s1 =	sadd.s32 $0x180, s1  }
0x14d: {  	s10 =	smov.u32 s17;
	s17 =	sadd.s32 $0x6, s17;
	(xrf2) =	vadd.scan.msk.f32 $0xffff, v0;
	_ =	sdelay $0x4  }
0x14e: {  	v0 =	vmov s16;
	s16 =	smov.u32 s10;
	_ =	sdelay $0x4  }
0x14f: {  	v1, _, _ =	vpop (xrf2)  }
0x150: {  	[tilespmem:v0+s25+$0x0] =	vst.idx.msk vm0, v1  }
0x151: {  	v4 =	vld [tilespmem:s1+$0xFFFFFEA0]  }
0x152: {  	v0 =	vld [tilespmem:s15+$0xFFFFFFD0]  }
0x153: {  	v5 =	vld [tilespmem:s1+$0xFFFFFE90]  }
0x154: {  	v1 =	vld [tilespmem:s15+$0xFFFFFFE0]  }
0x155: {  	v6 =	vld [tilespmem:s1+$0xFFFFFEB0]  }
0x156: {  	v2 =	vld [tilespmem:s15+$0xFFFFFFF0]  }
0x157: {  	v7 =	vld [tilespmem:s1+$0xFFFFFEC0]  }
0x158: {  	v3 =	vld [tilespmem:s15+$0x0];
	v5 =	vmul.f32 v5, v0  }
0x159: {  	v4 =	vmul.f32 v4, v1;
	_ =	sdelay $0x1  }
0x15a: {  	v4 =	vadd.f32 v4, v5;
	v5 =	vmul.f32 v6, v2;
	_ =	sdelay $0x1  }
0x15b: {  	v4 =	vadd.f32 v5, v4;
	v5 =	vmul.f32 v7, v3;
	_ =	sdelay $0x1  }
0x15c: {  	v4 =	vadd.f32 v5, v4;
	_ =	sdelay $0x1  }
0x15d: {  	(xrf2) =	vadd.scan.msk.f32 $0xffff, v4;
	_ =	sdelay $0x1  }
0x15e: {  	s10 =	sadd.s32 $0xFFFFFFFB, s16  }
0x15f: {  	v4 =	vmov s10  }
0x160: {  	v4 =	vand.u32 $0xFFFFFFFE, v4  }
0x161: {  	v4 =	vbroadcast v4, $0x0;
	_ =	sdelay $0x4  }
0x162: {  	v5, _, _ =	vpop (xrf2)  }
0x163: {  	[tilespmem:v4+s25+$0x0] =	vst.idx.msk vm0, v5  }
0x164: {  	v4 =	vld [tilespmem:s1+$0xFFFFFED0]  }
0x165: {  	v5 =	vld [tilespmem:s1+$0xFFFFFEE0];
	_ =	sdelay $0x1  }
0x166: {  	v6 =	vld [tilespmem:s1+$0xFFFFFEF0];
	_ =	sdelay $0x1  }
0x167: {  	v4 =	vmul.f32 v4, v0;
	v7 =	vld [tilespmem:s1+$0xFFFFFF00]  }
0x168: {  	v5 =	vmul.f32 v5, v1;
	_ =	sdelay $0x1  }
0x169: {  	v4 =	vadd.f32 v5, v4;
	v5 =	vmul.f32 v6, v2;
	_ =	sdelay $0x1  }
0x16a: {  	v4 =	vadd.f32 v5, v4;
	v5 =	vmul.f32 v7, v3;
	_ =	sdelay $0x1  }
0x16b: {  	v4 =	vadd.f32 v5, v4;
	_ =	sdelay $0x1  }
0x16c: {  	(xrf2) =	vadd.scan.msk.f32 $0xffff, v4;
	_ =	sdelay $0x4  }
0x16d: {  	s10 =	sadd.s32 $0xFFFFFFFC, s16  }
0x16e: {  	v4 =	vmov s10;
	_ =	sdelay $0x3  }
0x16f: {  	v5, _, _ =	vpop (xrf2)  }
0x170: {  	[tilespmem:v4+s25+$0x0] =	vst.idx.msk vm0, v5  }
0x171: {  	v4 =	vld [tilespmem:s1+$0xFFFFFF10]  }
0x172: {  	v5 =	vld [tilespmem:s1+$0xFFFFFF20];
	_ =	sdelay $0x1  }
0x173: {  	v6 =	vld [tilespmem:s1+$0xFFFFFF30];
	_ =	sdelay $0x1  }
0x174: {  	v4 =	vmul.f32 v4, v0;
	v7 =	vld [tilespmem:s1+$0xFFFFFF40]  }
0x175: {  	v5 =	vmul.f32 v5, v1;
	_ =	sdelay $0x1  }
0x176: {  	v4 =	vadd.f32 v5, v4;
	v5 =	vmul.f32 v6, v2;
	_ =	sdelay $0x1  }
0x177: {  	v4 =	vadd.f32 v5, v4;
	v5 =	vmul.f32 v7, v3;
	_ =	sdelay $0x1  }
0x178: {  	v4 =	vadd.f32 v5, v4;
	_ =	sdelay $0x1  }
0x179: {  	(xrf2) =	vadd.scan.msk.f32 $0xffff, v4;
	_ =	sdelay $0x1  }
0x17a: {  	s10 =	sadd.s32 $0xFFFFFFFD, s16  }
0x17b: {  	v4 =	vmov s10  }
0x17c: {  	v4 =	vand.u32 $0xFFFFFFFE, v4  }
0x17d: {  	v4 =	vbroadcast v4, $0x0;
	_ =	sdelay $0x4  }
0x17e: {  	v5, _, _ =	vpop (xrf2)  }
0x17f: {  	[tilespmem:v4+s25+$0x0] =	vst.idx.msk vm0, v5  }
0x180: {  	v4 =	vld [tilespmem:s1+$0xFFFFFF50]  }
0x181: {  	v5 =	vld [tilespmem:s1+$0xFFFFFF60];
	_ =	sdelay $0x1  }
0x182: {  	v6 =	vld [tilespmem:s1+$0xFFFFFF70];
	_ =	sdelay $0x1  }
0x183: {  	v4 =	vmul.f32 v4, v0;
	v7 =	vld [tilespmem:s1+$0xFFFFFF80]  }
0x184: {  	v5 =	vmul.f32 v5, v1;
	_ =	sdelay $0x1  }
0x185: {  	v4 =	vadd.f32 v5, v4;
	v5 =	vmul.f32 v6, v2;
	_ =	sdelay $0x1  }
0x186: {  	v4 =	vadd.f32 v5, v4;
	v5 =	vmul.f32 v7, v3;
	_ =	sdelay $0x1  }
0x187: {  	v4 =	vadd.f32 v5, v4;
	_ =	sdelay $0x1  }
0x188: {  	(xrf2) =	vadd.scan.msk.f32 $0xffff, v4;
	_ =	sdelay $0x4  }
0x189: {  	s10 =	sadd.s32 $0xFFFFFFFE, s16  }
0x18a: {  	v4 =	vmov s10;
	_ =	sdelay $0x3  }
0x18b: {  	v5, _, _ =	vpop (xrf2)  }
0x18c: {  	[tilespmem:v4+s25+$0x0] =	vst.idx.msk vm0, v5  }
0x18d: {  	v4 =	vld [tilespmem:s1+$0xFFFFFF90]  }
0x18e: {  	v5 =	vld [tilespmem:s1+$0xFFFFFFA0]  }
0x18f: {  	v6 =	vld [tilespmem:s1+$0xFFFFFFB0]  }
0x190: {  	v7 =	vld [tilespmem:s1+$0xFFFFFFC0];
	_ =	sdelay $0x1  }
0x191: {  	v4 =	vmul.f32 v4, v0  }
0x192: {  	v5 =	vmul.f32 v5, v1;
	_ =	sdelay $0x1  }
0x193: {  	v4 =	vadd.f32 v5, v4;
	v5 =	vmul.f32 v6, v2;
	_ =	sdelay $0x1  }
0x194: {  	v4 =	vadd.f32 v5, v4;
	v5 =	vmul.f32 v7, v3;
	_ =	sdelay $0x1  }
0x195: {  	v4 =	vadd.f32 v5, v4;
	_ =	sdelay $0x1  }
0x196: {  	(xrf2) =	vadd.scan.msk.f32 $0xffff, v4;
	_ =	sdelay $0x1  }
0x197: {  	s10 =	sadd.s32 $0xFFFFFFFF, s16  }
0x198: {  	v4 =	vmov s10  }
0x199: {  	v4 =	vand.u32 $0xFFFFFFFE, v4  }
0x19a: {  	v4 =	vbroadcast v4, $0x0;
	_ =	sdelay $0x4  }
0x19b: {  	v5, _, _ =	vpop (xrf2)  }
0x19c: {  	[tilespmem:v4+s25+$0x0] =	vst.idx.msk vm0, v5  }
0x19d: {  	v4 =	vld [tilespmem:s1+$0xFFFFFFD0]  }
0x19e: {  	v5 =	vld [tilespmem:s1+$0xFFFFFFE0]  }
0x19f: {  	v6 =	vld [tilespmem:s1+$0xFFFFFFF0]  }
0x1a0: {  	v7 =	vld [tilespmem:s1+$0x0];
	_ =	sdelay $0x1  }
0x1a1: {  	v0 =	vmul.f32 v4, v0  }
0x1a2: {  	v1 =	vmul.f32 v5, v1  }
0x1a3: {  	v2 =	vmul.f32 v6, v2  }
.Ltmp3:
0x1a4: {  	v0 =	vadd.f32 v1, v0;
	(pc) =	sbr.rel @p1 .LBB2_5-.Ltmp3, $3  }
0x1a5: {  	v1 =	vmul.f32 v7, v3  }
0x1a6: {  	v0 =	vadd.f32 v2, v0;
	_ =	sdelay $0x1  }
0x1a7: {  	v0 =	vadd.f32 v1, v0  }
0x1a8: {  	_ = 	snop  }
0x1a9: {  	(xrf2) =	vadd.scan.msk.f32 $0xffff, v0;
	_ =	sdelay $0x5  }
0x1aa: {  	v63 =	vmov s16;
	s0 =	sadd.s32 s0, s8  }
0x1ab: {  	s0 =	smul.u32 $0x6, s0;
	_ =	sdelay $0x1  }
0x1ac: {  	s0 =	sadd.s32 $0xC0, s0  }
0x1ad: {  	s0 =	sshrl.u32 s0, $0x3;
	v1, _, _ =	vpop (xrf2)  }
.Ltmp4:
0x1ae: {  	s0 =	sadd.s32 s6, s0;
	[tilespmem:v63+s25+$0x0] =	vst.idx.msk vm0, v1;
	(pc) =	sbr.rel @p0 .LBB2_8-.Ltmp4, $4  }
0x1af: {  	[hbm4b:s0+s3] =	stream.linear.scatter [tilespmem:s25], [sflag:$0x5], $0xC0, $0x38;
	[tilespmem:$0x7240] =	vst v63  }
0x1b0: {  	_ =	swait.ge [sflag:s13], $0xC0  }
0x1b1: {  	[sflag:s13] =	ssyncset.done $0x0  }
0x1b2: {  	[sflag:s13] =	ssyncadd.s32 $0xFFFFFF40  }
0x1b3: {  	s0 =	sadd.s32 $0x3, s31  }
0x1b4: {  	s1 =	smul.u32 $0xC0, s0;
	_ =	sdelay $0x1  }
0x1b5: {  	s1 =	sadd.s32 s4, s1  }
0x1b6: {  	s1 =	sshrl.u32 s1, $0x3  }
0x1b7: {  	s1 =	sadd.s32 s2, s1  }
0x1b8: {  	[tilespmem:s18], [sflag:$0x5] =	stream.linear.gather [hbm4b:s1+s3], $0xC0, $0x38;
	[tilespmem:$0x7240] =	vst v63  }
0x1b9: {  	_ =	swait.ge [sflag:s13], $0xC0  }
0x1ba: {  	[sflag:s13] =	ssyncset.done $0x0  }
0x1bb: {  	[sflag:s13] =	ssyncadd.s32 $0xFFFFFF40  }
0x1bc: {  	[tilespmem:s19], [sflag:$0x2] =	stream.indirect.gather [hbm4b:s5+s14], $0x40, s18, s14, $0xb8;
	[tilespmem:$0x7240] =	vst v63  }
.Ltmp5:
0x1bd: {  	_ = 	snop;
	(pc) =	sbr.rel .LBB2_2-.Ltmp5, $4  }
0x1be: {  	s0 =	sshll.u32 s0, $0x8  }
0x1bf: {  	[tilespmem:s21], [sflag:$0x2] =	stream.indirect.gather [hbm4b:s5+s14], $0x40, s20, s14, $0xb8;
	[tilespmem:$0x7240] =	vst v63  }
0x1c0: {  	s30 =	sadd.s32 $0x1, s30;
	s0 =	sadd.s32 s0, s9  }
0x1c1: {  	[tilespmem:s22], [sflag:$0x4] =	stream.linear.gather [hbm4b:s0+s3], $0x800, $0x38;
	[tilespmem:$0x7240] =	vst v63  }
.LBB2_9:
0x1c2: {  	_ =	sfence.sel $0x180000  }
0x1c3: {  	[bflag:$0x0] =	sbarrier.arrive $0xFFFF  }
0x1c4: {  	_ =	strace $0x9000004A  }
0x1c5: {  	s0 =	stileid.u32;
	[bflag:$0x2] =	sbarrier.arrive $0xFFFF  }
0x1c6: {  	p0 =	sne.s32 s0, $0x0;
	s0 =	rddreg [dreg:$0x2]  }
0x1c7: {  	s0 =	sadd.s32 @!p0 $0x100000, s0  }
0x1c8: {  	[sflag:s0] =	ssyncadd.tile.s32 @!p0 $0x1;
	_ =	shalt  }
.Lfunc_end2:
_tile_overlayer_lowered:
.L_overlay_start_2:
0x1c9: {  	(tag) =	ssettag $0x2  }
0x1ca: {  	s0 =	rddreg [dreg:$0x0];
	s2 =	stileid.u32  }
0x1cb: {  	s1 =	rddreg [dreg:$0x1];
	p0 =	sne.s32 s2, $0x0  }
0x1cc: {  	s3 =	rddreg [dreg:$0x2];
	[bflag:$0x3] =	sbarrier.arrive $0xFFFF;
	s2 =	simm.s32 @!p0 $0x1C05  }
0x1cd: {  	[timem:s3], [sflag:s2] =	dma.local @!p0 [hbm:s0], s1  }
0x1ce: {  	s0 =	simm.s32 @!p0 $0x5  }
0x1cf: {  	_ =	swait.ge @!p0 [sflag:s0], s1  }
0x1d0: {  	s1 =	ssub.s32 @!p0 $0x0, s1;
	[sflag:s0] =	ssyncset.done @!p0 $0x0  }
0x1d1: {  	[sflag:s0] =	ssyncadd.s32 @!p0 s1  }
0x1d2: {  	[bflag:$0x3] =	sbarrier.arrive $0xFFFF  }
0x1d3: {  	_ =	shalt  }

</sc_bundles>
